<compile_context>
chip_gen: v7x
topology: tpu7x:2x2x1
jax: 0.10.2.dev20260603
libtpu: 0.0.44.dev20260713+nightly
codegen_flags: <defaults>
</compile_context>

<pallas_src>
import functools

import jax
import jax.numpy as jnp
from jax import lax
from jax.experimental import pallas as pl
from jax.experimental.pallas import tpu as pltpu
from jax.experimental.pallas import tpu_sc as plsc

N = 10000
E = 320000
F = 16

TILES = 16
CH = 128
NCH = 160
DEPTH = 4
NCHP = NCH + DEPTH // 2
EPT = NCH * CH
E_PAD = TILES * EPT
ACC_ROWS = 10112
ZROWS = ACC_ROWS // TILES
FROWS = 624
TAIL = N - TILES * FROWS


def _sc_body(fa_pad, srcm, dstm, z1, z2, z4, *refs):
    src_v, dst_v = refs[0], refs[1]
    rows = refs[2:2 + DEPTH]
    zero_v, flush_v, bufa, bufb = refs[2 + DEPTH:6 + DEPTH]
    gsem = refs[6 + DEPTH:6 + 2 * DEPTH]
    ssem = refs[6 + 2 * DEPTH:6 + 3 * DEPTH]
    c = lax.axis_index("c")
    s = lax.axis_index("s")

    @pl.when(c == 0)
    def _():
        pltpu.sync_copy(srcm.at[s], src_v)
        pltpu.sync_copy(dstm.at[s], dst_v)

        def _zrow(i, carry):
            zero_v[i, :] = jnp.zeros((F,), jnp.float32)
            return carry
        lax.fori_loop(0, ZROWS, _zrow, 0)
        pltpu.sync_copy(fa_pad.at[pl.ds(s * ZROWS, ZROWS)], flush_v)
        pltpu.sync_copy(flush_v, bufa.at[pl.ds(s * ZROWS, ZROWS)])
        pltpu.sync_copy(zero_v, bufb.at[pl.ds(s * ZROWS, ZROWS)])
        plsc.subcore_barrier()

        for rnd, zout in ((1, z1), (2, z2), (3, None), (4, z4)):
            table = bufa if rnd % 2 == 1 else bufb
            accb = bufb if rnd % 2 == 1 else bufa

            def gst(j, b, table=table):
                pltpu.async_copy(table.at[src_v.at[j]], rows[b], gsem[b])

            def gwt(j, b, table=table):
                pltpu.make_async_copy(
                    table.at[src_v.at[j]], rows[b], gsem[b]).wait()

            def sst(j, b, accb=accb):
                pltpu.async_copy(rows[b], accb.at[dst_v.at[j]], ssem[b],
                                 add=True)

            def swt(j, b, accb=accb):
                pltpu.make_async_copy(
                    rows[b], accb.at[dst_v.at[j]], ssem[b]).wait()

            LA = DEPTH // 2
            for j in range(LA):
                gst(j, j % DEPTH)
            for j in range(DEPTH):
                gwt(j, j % DEPTH)
                if j - LA >= 0:
                    swt(j - LA, (j - LA) % DEPTH)
                gst(j + LA, (j + LA) % DEPTH)
                sst(j, j % DEPTH)

            def _body(p, carry):
                j0 = DEPTH * p
                for u in range(DEPTH):
                    j = j0 + u
                    gwt(j, u)
                    swt(j - LA, (u - LA) % DEPTH)
                    gst(j + LA, (u + LA) % DEPTH)
                    sst(j, u)
                return carry
            lax.fori_loop(1, NCH // DEPTH, _body, 0)
            for j in range(NCH, NCH + LA):
                gwt(j, j % DEPTH)
            for j in range(NCH - LA, NCH):
                swt(j, j % DEPTH)
            plsc.subcore_barrier()
            if zout is not None:
                pltpu.sync_copy(accb.at[pl.ds(s * FROWS, FROWS)],
                                flush_v.at[pl.ds(0, FROWS)])
                pltpu.sync_copy(flush_v.at[pl.ds(0, FROWS)],
                                zout.at[pl.ds(s * FROWS, FROWS)])

                @pl.when(s == 0)
                def _(accb=accb, zout=zout):
                    pltpu.sync_copy(accb.at[pl.ds(TILES * FROWS, TAIL)],
                                    flush_v.at[pl.ds(0, TAIL)])
                    pltpu.sync_copy(flush_v.at[pl.ds(0, TAIL)],
                                    zout.at[pl.ds(TILES * FROWS, TAIL)])
            if rnd < 4:
                pltpu.sync_copy(zero_v, table.at[pl.ds(s * ZROWS, ZROWS)])
                plsc.subcore_barrier()


_zshape = jax.ShapeDtypeStruct((N, F), jnp.float32)


@functools.lru_cache(maxsize=None)
def _sc_segsum():
    return pl.kernel(
        _sc_body,
        out_type=(_zshape, _zshape, _zshape),
        mesh=plsc.VectorSubcoreMesh(core_axis_name="c", subcore_axis_name="s"),
        compiler_params=pltpu.CompilerParams(use_tc_tiling_on_sc=False),
        scratch_types=[
            pltpu.VMEM((NCHP, CH), jnp.int32),
            pltpu.VMEM((NCHP, CH), jnp.int32),
        ] + [pltpu.VMEM((CH, F), jnp.float32)] * DEPTH + [
            pltpu.VMEM((ZROWS, F), jnp.float32),
            pltpu.VMEM((ZROWS, F), jnp.float32),
            pltpu.VMEM_SHARED((ACC_ROWS, F), jnp.float32),
            pltpu.VMEM_SHARED((ACC_ROWS, F), jnp.float32),
        ] + [pltpu.SemaphoreType.DMA] * (2 * DEPTH),
    )


BLK = 400
NBLK = N // BLK


def _tc_sweep_body(pm, fa, dg, fb, Wp, Wd, Wf, bsum, out):
    fbw = jnp.dot(fb[...], Wf[...], preferred_element_type=jnp.float32)
    rows = jnp.dot(pm[...], fbw, preferred_element_type=jnp.float32)
    a = fa[...]
    rows += jnp.dot(a, Wp[...], preferred_element_type=jnp.float32)
    rows += jnp.dot(dg[...] * a, Wd[...], preferred_element_type=jnp.float32)
    out[...] = rows + bsum[...]


_tc_sweep = pl.pallas_call(
    _tc_sweep_body,
    grid=(NBLK,),
    in_specs=[
        pl.BlockSpec((BLK, N), lambda i: (i, 0)),
        pl.BlockSpec((BLK, F), lambda i: (i, 0)),
        pl.BlockSpec((BLK, 1), lambda i: (i, 0)),
        pl.BlockSpec((N, F), lambda i: (0, 0)),
        pl.BlockSpec((F, F), lambda i: (0, 0)),
        pl.BlockSpec((F, F), lambda i: (0, 0)),
        pl.BlockSpec((F, F), lambda i: (0, 0)),
        pl.BlockSpec((1, F), lambda i: (0, 0)),
    ],
    out_specs=pl.BlockSpec((BLK, F), lambda i: (i, 0)),
    out_shape=jax.ShapeDtypeStruct((N, F), jnp.float32),
    compiler_params=pltpu.CompilerParams(
        dimension_semantics=("arbitrary",),
        vmem_limit_bytes=100 * 1024 * 1024,
    ),
)


def _tc_combine_body(sw, z1, z2, z4, Wa, gam, bet, out):
    rows = sw[...]
    rows += jnp.dot(z1[...], Wa[0], preferred_element_type=jnp.float32)
    rows += jnp.dot(z2[...], Wa[1], preferred_element_type=jnp.float32)
    rows += jnp.dot(z4[...], Wa[2], preferred_element_type=jnp.float32)
    col = lax.broadcasted_iota(jnp.int32, rows.shape, 1)
    rows = jnp.where(col >= F // 2, jnp.maximum(rows, 0.0), rows)
    mean = jnp.mean(rows, axis=0, keepdims=True)
    xc = rows - mean
    var = jnp.mean(xc * xc, axis=0, keepdims=True)
    out[...] = gam[...] * xc * lax.rsqrt(var + 1e-5) + bet[...]


_tc_combine = pl.pallas_call(
    _tc_combine_body,
    in_specs=[pl.BlockSpec(memory_space=pltpu.VMEM)] * 7,
    out_specs=pl.BlockSpec(memory_space=pltpu.VMEM),
    out_shape=jax.ShapeDtypeStruct((N, F), jnp.float32),
)


def kernel(feat_a, feat_b, deg, pm_pd, edge_index,
           W_prev, b_prev, W_deg, b_deg, W_agg, b_agg,
           W_fuse, b_fuse, gamma, beta):
    src = edge_index[0]
    dst = edge_index[1]
    pad = E_PAD - E
    src_p = jnp.concatenate([src, jnp.zeros((pad,), jnp.int32)])
    dst_p = jnp.concatenate([dst, jnp.full((pad,), N, jnp.int32)])
    srcm = jnp.concatenate(
        [src_p.reshape(TILES, NCH, CH),
         jnp.zeros((TILES, NCHP - NCH, CH), jnp.int32)], axis=1)
    dstm = jnp.concatenate(
        [dst_p.reshape(TILES, NCH, CH),
         jnp.full((TILES, NCHP - NCH, CH), N, jnp.int32)], axis=1)

    fa_pad = jnp.concatenate(
        [feat_a, jnp.zeros((ACC_ROWS - N, F), jnp.float32)])
    z1, z2, z4 = _sc_segsum()(fa_pad, srcm, dstm)

    bsum = (b_prev + b_deg + b_agg.sum(axis=0) + b_fuse).reshape(1, F)
    sweep = _tc_sweep(pm_pd, feat_a, deg, feat_b, W_prev, W_deg, W_fuse, bsum)
    return _tc_combine(sweep, z1, z2, z4, W_agg,
                       gamma.reshape(1, F), beta.reshape(1, F))

# --- scband reference (transcript-rebuilt; emitter-appended) ---
"""Pipeline reference for scband-lgnncore-22016002359561 (READ-ONLY COPY).

The authoritative reference and input builder live on the scoring server;
editing this copy changes nothing except your own understanding.
"""

import jax, jax.numpy as jnp
import numpy as np

N = 10000
E = 320000
FEATS = 16
OUT_FEATS = 16
RADIUS = 3


def _linear(x, W, b):
    return x @ W + b


def setup_inputs(seed: int = 0):
    key = jax.random.key(seed)
    ks = jax.random.split(key, 16)
    s = 0.1
    feat_a = jax.random.normal(ks[0], (N, FEATS), dtype=jnp.float32)
    feat_b = jax.random.normal(ks[1], (N, FEATS), dtype=jnp.float32)
    deg = jax.random.uniform(ks[2], (N, 1), dtype=jnp.float32)
    pm_pd = jax.random.uniform(ks[3], (N, N), dtype=jnp.float32)
    edge_index = jax.random.randint(ks[4], (2, E), 0, N, dtype=jnp.int32)
    W_prev = jax.random.normal(ks[5], (FEATS, OUT_FEATS), dtype=jnp.float32) * s
    b_prev = jnp.zeros((OUT_FEATS,), dtype=jnp.float32)
    W_deg = jax.random.normal(ks[6], (FEATS, OUT_FEATS), dtype=jnp.float32) * s
    b_deg = jnp.zeros((OUT_FEATS,), dtype=jnp.float32)
    W_agg = jax.random.normal(ks[7], (RADIUS, FEATS, OUT_FEATS), dtype=jnp.float32) * s
    b_agg = jnp.zeros((RADIUS, OUT_FEATS), dtype=jnp.float32)
    W_fuse = jax.random.normal(ks[8], (FEATS, OUT_FEATS), dtype=jnp.float32) * s
    b_fuse = jnp.zeros((OUT_FEATS,), dtype=jnp.float32)
    gamma = jnp.ones((OUT_FEATS,), dtype=jnp.float32)
    beta = jnp.zeros((OUT_FEATS,), dtype=jnp.float32)
    return {"feat_a": feat_a, "feat_b": feat_b, "deg": deg, "pm_pd": pm_pd,
            "edge_index": edge_index, "W_prev": W_prev, "b_prev": b_prev,
            "W_deg": W_deg, "b_deg": b_deg, "W_agg": W_agg, "b_agg": b_agg,
            "W_fuse": W_fuse, "b_fuse": b_fuse, "gamma": gamma, "beta": beta}


def reference(feat_a, feat_b, deg, pm_pd, edge_index, W_prev, b_prev,
              W_deg, b_deg, W_agg, b_agg, W_fuse, b_fuse, gamma, beta):
    src = edge_index[0]
    dst = edge_index[1]

    def aggregate(z):
        z_list = []
        z = jax.ops.segment_sum(z[src], dst, num_segments=N)
        z_list.append(z)
        for i in range(RADIUS - 1):
            for j in range(2 ** i):
                z = jax.ops.segment_sum(z[src], dst, num_segments=N)
            z_list.append(z)
        return z_list

    prev_proj = _linear(feat_a, W_prev, b_prev)
    deg_proj = _linear(deg * feat_a, W_deg, b_deg)
    z_list = aggregate(feat_a)
    sum_a = _linear(z_list[0], W_agg[0], b_agg[0])
    for i in range(1, RADIUS):
        sum_a = sum_a + _linear(z_list[i], W_agg[i], b_agg[i])
    fuse = _linear(pm_pd @ feat_b, W_fuse, b_fuse)
    result = prev_proj + deg_proj + sum_a + fuse
    n = OUT_FEATS // 2
    result = jnp.concatenate([result[:, :n], jax.nn.relu(result[:, n:])], axis=1)
    mean = jnp.mean(result, axis=0)
    var = jnp.var(result, axis=0)
    result = gamma * (result - mean) / jnp.sqrt(var + 1e-5) + beta
    return result

if __name__ == "__main__":
    import jax
    _d = setup_inputs()
    print(jax.jit(kernel)(*tuple(_d.values())))

</pallas_src>

<mosaic_0001>
#map = affine_map<(d0, d1) -> (0, 0)>
#map1 = affine_map<(d0, d1) -> (0, 0, 0)>
module attributes {stable_mosaic.version = 14 : i64} {
  func.func @_sc_body(%arg0: i32, %arg1: i32, %arg2: memref<10112x16xf32, #tpu.memory_space<hbm>>, %arg3: memref<16x162x128xi32, #tpu.memory_space<hbm>>, %arg4: memref<16x162x128xi32, #tpu.memory_space<hbm>>, %arg5: memref<10000x16xf32, #tpu.memory_space<hbm>>, %arg6: memref<10000x16xf32, #tpu.memory_space<hbm>>, %arg7: memref<10000x16xf32, #tpu.memory_space<hbm>>, %arg8: memref<162x128xi32, #tpu.memory_space<vmem>>, %arg9: memref<162x128xi32, #tpu.memory_space<vmem>>, %arg10: memref<128x16xf32, #tpu.memory_space<vmem>>, %arg11: memref<128x16xf32, #tpu.memory_space<vmem>>, %arg12: memref<128x16xf32, #tpu.memory_space<vmem>>, %arg13: memref<128x16xf32, #tpu.memory_space<vmem>>, %arg14: memref<632x16xf32, #tpu.memory_space<vmem>>, %arg15: memref<632x16xf32, #tpu.memory_space<vmem>>, %arg16: memref<10112x16xf32, #tpu.memory_space<vmem_shared>>, %arg17: memref<10112x16xf32, #tpu.memory_space<vmem_shared>>, %arg18: memref<!tpu.dma_semaphore, #tpu.memory_space<semaphore_mem>>, %arg19: memref<!tpu.dma_semaphore, #tpu.memory_space<semaphore_mem>>, %arg20: memref<!tpu.dma_semaphore, #tpu.memory_space<semaphore_mem>>, %arg21: memref<!tpu.dma_semaphore, #tpu.memory_space<semaphore_mem>>, %arg22: memref<!tpu.dma_semaphore, #tpu.memory_space<semaphore_mem>>, %arg23: memref<!tpu.dma_semaphore, #tpu.memory_space<semaphore_mem>>, %arg24: memref<!tpu.dma_semaphore, #tpu.memory_space<semaphore_mem>>, %arg25: memref<!tpu.dma_semaphore, #tpu.memory_space<semaphore_mem>>) attributes {dimension_semantics = [#tpu.dimension_semantics<core_parallel>, #tpu.dimension_semantics<subcore_parallel>], iteration_bounds = array<i64: 2, 16>, scalar_prefetch = 0 : i64, scratch_operands = 18 : i64, tpu.core_type = #tpu.core_type<sc_vector_subcore>, window_params = [{transform_indices = #map}, {transform_indices = #map1}, {transform_indices = #map1}, {transform_indices = #map}, {transform_indices = #map}, {transform_indices = #map}]} {
    %eq3A = arith.constant 0 : i32
    %eq3A_0 = arith.cmpi eq, %arg0, %eq3A : i32
    %convert_element_type3A = arith.extui %eq3A_0 : i1 to i32
    %cond3A = arith.constant 0 : i32
    %cond3A_1 = arith.cmpi ne, %convert_element_type3A, %cond3A : i32
    scf.if %cond3A_1 {
      "tpu.region"() ({
        %run_scoped3A = tpu.sem_alloc : memref<!tpu.dma_semaphore, #tpu.memory_space<semaphore_mem>>
        %dma_start3A_634 = arith.constant 0 : i32
        %dma_start3A_635 = arith.constant 0 : i32
        %dma_start3A_636 = tpu.memref_slice %arg3[%arg1, %dma_start3A_634, %dma_start3A_635] : memref<16x162x128xi32, #tpu.memory_space<hbm>> -> memref<1x162x128xi32, #tpu.memory_space<hbm>>
        %dma_start3A_637 = tpu.memref_squeeze %dma_start3A_636 : memref<1x162x128xi32, #tpu.memory_space<hbm>> -> memref<162x128xi32, #tpu.memory_space<hbm>>
        %dma_start3A_638 = arith.constant 0 : i32
        %dma_start3A_639 = arith.constant 0 : i32
        %dma_start3A_640 = tpu.memref_slice %arg3[%arg1, %dma_start3A_638, %dma_start3A_639] : memref<16x162x128xi32, #tpu.memory_space<hbm>> -> memref<1x162x128xi32, #tpu.memory_space<hbm>>
        %dma_start3A_641 = tpu.memref_squeeze %dma_start3A_640 : memref<1x162x128xi32, #tpu.memory_space<hbm>> -> memref<162x128xi32, #tpu.memory_space<hbm>>
        tpu.enqueue_dma source(%dma_start3A_641 : memref<162x128xi32, #tpu.memory_space<hbm>>) target(%arg8 : memref<162x128xi32, #tpu.memory_space<vmem>>) target_semaphore(%run_scoped3A : memref<!tpu.dma_semaphore, #tpu.memory_space<semaphore_mem>>)
        %dma_wait3A_642 = arith.constant 0 : i32
        %dma_wait3A_643 = arith.constant 0 : i32
        %dma_wait3A_644 = tpu.memref_slice %arg3[%arg1, %dma_wait3A_642, %dma_wait3A_643] : memref<16x162x128xi32, #tpu.memory_space<hbm>> -> memref<1x162x128xi32, #tpu.memory_space<hbm>>
        %dma_wait3A_645 = tpu.memref_squeeze %dma_wait3A_644 : memref<1x162x128xi32, #tpu.memory_space<hbm>> -> memref<162x128xi32, #tpu.memory_space<hbm>>
        %dma_wait3A_646 = arith.constant 0 : i32
        %dma_wait3A_647 = arith.constant 0 : i32
        %dma_wait3A_648 = tpu.memref_slice %arg3[%arg1, %dma_wait3A_646, %dma_wait3A_647] : memref<16x162x128xi32, #tpu.memory_space<hbm>> -> memref<1x162x128xi32, #tpu.memory_space<hbm>>
        %dma_wait3A_649 = tpu.memref_squeeze %dma_wait3A_648 : memref<1x162x128xi32, #tpu.memory_space<hbm>> -> memref<162x128xi32, #tpu.memory_space<hbm>>
        tpu.wait_dma2 semaphore(%run_scoped3A : memref<!tpu.dma_semaphore, #tpu.memory_space<semaphore_mem>>) src(%dma_wait3A_649 : memref<162x128xi32, #tpu.memory_space<hbm>>) dst(%arg8 : memref<162x128xi32, #tpu.memory_space<vmem>>)
        tpu.yield
      }) : () -> ()
      "tpu.region"() ({
        %run_scoped3A = tpu.sem_alloc : memref<!tpu.dma_semaphore, #tpu.memory_space<semaphore_mem>>
        %dma_start3A_634 = arith.constant 0 : i32
        %dma_start3A_635 = arith.constant 0 : i32
        %dma_start3A_636 = tpu.memref_slice %arg4[%arg1, %dma_start3A_634, %dma_start3A_635] : memref<16x162x128xi32, #tpu.memory_space<hbm>> -> memref<1x162x128xi32, #tpu.memory_space<hbm>>
        %dma_start3A_637 = tpu.memref_squeeze %dma_start3A_636 : memref<1x162x128xi32, #tpu.memory_space<hbm>> -> memref<162x128xi32, #tpu.memory_space<hbm>>
        %dma_start3A_638 = arith.constant 0 : i32
        %dma_start3A_639 = arith.constant 0 : i32
        %dma_start3A_640 = tpu.memref_slice %arg4[%arg1, %dma_start3A_638, %dma_start3A_639] : memref<16x162x128xi32, #tpu.memory_space<hbm>> -> memref<1x162x128xi32, #tpu.memory_space<hbm>>
        %dma_start3A_641 = tpu.memref_squeeze %dma_start3A_640 : memref<1x162x128xi32, #tpu.memory_space<hbm>> -> memref<162x128xi32, #tpu.memory_space<hbm>>
        tpu.enqueue_dma source(%dma_start3A_641 : memref<162x128xi32, #tpu.memory_space<hbm>>) target(%arg9 : memref<162x128xi32, #tpu.memory_space<vmem>>) target_semaphore(%run_scoped3A : memref<!tpu.dma_semaphore, #tpu.memory_space<semaphore_mem>>)
        %dma_wait3A_642 = arith.constant 0 : i32
        %dma_wait3A_643 = arith.constant 0 : i32
        %dma_wait3A_644 = tpu.memref_slice %arg4[%arg1, %dma_wait3A_642, %dma_wait3A_643] : memref<16x162x128xi32, #tpu.memory_space<hbm>> -> memref<1x162x128xi32, #tpu.memory_space<hbm>>
        %dma_wait3A_645 = tpu.memref_squeeze %dma_wait3A_644 : memref<1x162x128xi32, #tpu.memory_space<hbm>> -> memref<162x128xi32, #tpu.memory_space<hbm>>
        %dma_wait3A_646 = arith.constant 0 : i32
        %dma_wait3A_647 = arith.constant 0 : i32
        %dma_wait3A_648 = tpu.memref_slice %arg4[%arg1, %dma_wait3A_646, %dma_wait3A_647] : memref<16x162x128xi32, #tpu.memory_space<hbm>> -> memref<1x162x128xi32, #tpu.memory_space<hbm>>
        %dma_wait3A_649 = tpu.memref_squeeze %dma_wait3A_648 : memref<1x162x128xi32, #tpu.memory_space<hbm>> -> memref<162x128xi32, #tpu.memory_space<hbm>>
        tpu.wait_dma2 semaphore(%run_scoped3A : memref<!tpu.dma_semaphore, #tpu.memory_space<semaphore_mem>>) src(%dma_wait3A_649 : memref<162x128xi32, #tpu.memory_space<hbm>>) dst(%arg9 : memref<162x128xi32, #tpu.memory_space<vmem>>)
        tpu.yield
      }) : () -> ()
      %scan3A = arith.constant 0 : i32
      %scan3A_2 = arith.constant 0 : i32
      %scan3A_3 = arith.constant 632 : i32
      %scan3A_4 = arith.addi %scan3A_2, %scan3A_3 : i32
      %scan3A_5 = arith.constant 1 : i32
      scf.for %scan3A_634 = %scan3A_2 to %scan3A_4 step %scan3A_5  : i32 {
        %broadcast_in_dim3A = arith.constant 0.000000e+00 : f32
        %broadcast_in_dim3A_635 = vector.broadcast %broadcast_in_dim3A : f32 to vector<16xf32>
        %swap3A = arith.index_cast %scan3A_634 : i32 to index
        %swap3A_636 = arith.constant 0 : index
        %swap3A_637 = tpu.vector_load %arg14[%swap3A, %swap3A_636] {strides = array<i32>} : memref<632x16xf32, #tpu.memory_space<vmem>>, vector<1x16xf32>,
        %swap3A_638 = vector.shape_cast %swap3A_637 : vector<1x16xf32> to vector<16xf32>
        %swap3A_639 = vector.shape_cast %broadcast_in_dim3A_635 : vector<16xf32> to vector<1x16xf32>
        tpu.vector_store %arg14[%swap3A, %swap3A_636], %swap3A_639 {strides = array<i32>} : memref<632x16xf32, #tpu.memory_space<vmem>>, vector<1x16xf32>,
      }
      %scan3A_6 = arith.constant 632 : i32
      %mul3A = arith.constant 632 : i32
      %mul3A_7 = arith.muli %arg1, %mul3A : i32
      "tpu.region"() ({
        %run_scoped3A = tpu.sem_alloc : memref<!tpu.dma_semaphore, #tpu.memory_space<semaphore_mem>>
        %dma_start3A_634 = arith.constant 0 : i32
        %dma_start3A_635 = tpu.memref_slice %arg2[%mul3A_7, %dma_start3A_634] : memref<10112x16xf32, #tpu.memory_space<hbm>> -> memref<632x16xf32, #tpu.memory_space<hbm>>
        %dma_start3A_636 = arith.constant 0 : i32
        %dma_start3A_637 = tpu.memref_slice %arg2[%mul3A_7, %dma_start3A_636] : memref<10112x16xf32, #tpu.memory_space<hbm>> -> memref<632x16xf32, #tpu.memory_space<hbm>>
        tpu.enqueue_dma source(%dma_start3A_637 : memref<632x16xf32, #tpu.memory_space<hbm>>) target(%arg15 : memref<632x16xf32, #tpu.memory_space<vmem>>) target_semaphore(%run_scoped3A : memref<!tpu.dma_semaphore, #tpu.memory_space<semaphore_mem>>)
        %dma_wait3A_638 = arith.constant 0 : i32
        %dma_wait3A_639 = tpu.memref_slice %arg2[%mul3A_7, %dma_wait3A_638] : memref<10112x16xf32, #tpu.memory_space<hbm>> -> memref<632x16xf32, #tpu.memory_space<hbm>>
        %dma_wait3A_640 = arith.constant 0 : i32
        %dma_wait3A_641 = tpu.memref_slice %arg2[%mul3A_7, %dma_wait3A_640] : memref<10112x16xf32, #tpu.memory_space<hbm>> -> memref<632x16xf32, #tpu.memory_space<hbm>>
        tpu.wait_dma2 semaphore(%run_scoped3A : memref<!tpu.dma_semaphore, #tpu.memory_space<semaphore_mem>>) src(%dma_wait3A_641 : memref<632x16xf32, #tpu.memory_space<hbm>>) dst(%arg15 : memref<632x16xf32, #tpu.memory_space<vmem>>)
        tpu.yield
      }) : () -> ()
      %mul3A_8 = arith.constant 632 : i32
      %mul3A_9 = arith.muli %arg1, %mul3A_8 : i32
      "tpu.region"() ({
        %run_scoped3A = tpu.sem_alloc : memref<!tpu.dma_semaphore, #tpu.memory_space<semaphore_mem>>
        %dma_start3A_634 = arith.constant 0 : i32
        %dma_start3A_635 = tpu.memref_slice %arg16[%mul3A_9, %dma_start3A_634] : memref<10112x16xf32, #tpu.memory_space<vmem_shared>> -> memref<632x16xf32, #tpu.memory_space<vmem_shared>>
        %dma_start3A_636 = arith.constant 0 : i32
        %dma_start3A_637 = tpu.memref_slice %arg16[%mul3A_9, %dma_start3A_636] : memref<10112x16xf32, #tpu.memory_space<vmem_shared>> -> memref<632x16xf32, #tpu.memory_space<vmem_shared>>
        tpu.enqueue_dma source(%arg15 : memref<632x16xf32, #tpu.memory_space<vmem>>) target(%dma_start3A_637 : memref<632x16xf32, #tpu.memory_space<vmem_shared>>) target_semaphore(%run_scoped3A : memref<!tpu.dma_semaphore, #tpu.memory_space<semaphore_mem>>)
        %dma_wait3A_638 = arith.constant 0 : i32
        %dma_wait3A_639 = tpu.memref_slice %arg16[%mul3A_9, %dma_wait3A_638] : memref<10112x16xf32, #tpu.memory_space<vmem_shared>> -> memref<632x16xf32, #tpu.memory_space<vmem_shared>>
        %dma_wait3A_640 = arith.constant 0 : i32
        %dma_wait3A_641 = tpu.memref_slice %arg16[%mul3A_9, %dma_wait3A_640] : memref<10112x16xf32, #tpu.memory_space<vmem_shared>> -> memref<632x16xf32, #tpu.memory_space<vmem_shared>>
        tpu.wait_dma2 semaphore(%run_scoped3A : memref<!tpu.dma_semaphore, #tpu.memory_space<semaphore_mem>>) src(%arg15 : memref<632x16xf32, #tpu.memory_space<vmem>>) dst(%dma_wait3A_641 : memref<632x16xf32, #tpu.memory_space<vmem_shared>>)
        tpu.yield
      }) : () -> ()
      %mul3A_10 = arith.constant 632 : i32
      %mul3A_11 = arith.muli %arg1, %mul3A_10 : i32
      "tpu.region"() ({
        %run_scoped3A = tpu.sem_alloc : memref<!tpu.dma_semaphore, #tpu.memory_space<semaphore_mem>>
        %dma_start3A_634 = arith.constant 0 : i32
        %dma_start3A_635 = tpu.memref_slice %arg17[%mul3A_11, %dma_start3A_634] : memref<10112x16xf32, #tpu.memory_space<vmem_shared>> -> memref<632x16xf32, #tpu.memory_space<vmem_shared>>
        %dma_start3A_636 = arith.constant 0 : i32
        %dma_start3A_637 = tpu.memref_slice %arg17[%mul3A_11, %dma_start3A_636] : memref<10112x16xf32, #tpu.memory_space<vmem_shared>> -> memref<632x16xf32, #tpu.memory_space<vmem_shared>>
        tpu.enqueue_dma source(%arg14 : memref<632x16xf32, #tpu.memory_space<vmem>>) target(%dma_start3A_637 : memref<632x16xf32, #tpu.memory_space<vmem_shared>>) target_semaphore(%run_scoped3A : memref<!tpu.dma_semaphore, #tpu.memory_space<semaphore_mem>>)
        %dma_wait3A_638 = arith.constant 0 : i32
        %dma_wait3A_639 = tpu.memref_slice %arg17[%mul3A_11, %dma_wait3A_638] : memref<10112x16xf32, #tpu.memory_space<vmem_shared>> -> memref<632x16xf32, #tpu.memory_space<vmem_shared>>
        %dma_wait3A_640 = arith.constant 0 : i32
        %dma_wait3A_641 = tpu.memref_slice %arg17[%mul3A_11, %dma_wait3A_640] : memref<10112x16xf32, #tpu.memory_space<vmem_shared>> -> memref<632x16xf32, #tpu.memory_space<vmem_shared>>
        tpu.wait_dma2 semaphore(%run_scoped3A : memref<!tpu.dma_semaphore, #tpu.memory_space<semaphore_mem>>) src(%arg14 : memref<632x16xf32, #tpu.memory_space<vmem>>) dst(%dma_wait3A_641 : memref<632x16xf32, #tpu.memory_space<vmem_shared>>)
        tpu.yield
      }) : () -> ()
      %barrier3A = arith.constant 0 : index
      tpu.barrier barrier_id(%barrier3A)
      %dma_start3A = arith.constant 0 : i32
      %dma_start3A_12 = arith.constant 0 : i32
      %dma_start3A_13 = tpu.memref_slice %arg8[%dma_start3A, %dma_start3A_12] : memref<162x128xi32, #tpu.memory_space<vmem>> -> memref<1x128xi32, #tpu.memory_space<vmem>>
      %dma_start3A_14 = tpu.memref_squeeze %dma_start3A_13 : memref<1x128xi32, #tpu.memory_space<vmem>> -> memref<128xi32, #tpu.memory_space<vmem>>
      %dma_start3A_15 = arith.constant 0 : i32
      %dma_start3A_16 = arith.constant 0 : i32
      %dma_start3A_17 = tpu.memref_slice %arg16[%dma_start3A_15, %dma_start3A_16] : memref<10112x16xf32, #tpu.memory_space<vmem_shared>> -> memref<10112x16xf32, #tpu.memory_space<vmem_shared>>
      tpu.enqueue_indirect_dma source(%dma_start3A_17 : memref<10112x16xf32, #tpu.memory_space<vmem_shared>>) target(%arg10 : memref<128x16xf32, #tpu.memory_space<vmem>>) offsets(%dma_start3A_14 : memref<128xi32, #tpu.memory_space<vmem>>) semaphore(%arg18 : memref<!tpu.dma_semaphore, #tpu.memory_space<semaphore_mem>>)
      %dma_start3A_18 = arith.constant 1 : i32
      %dma_start3A_19 = arith.constant 0 : i32
      %dma_start3A_20 = tpu.memref_slice %arg8[%dma_start3A_18, %dma_start3A_19] : memref<162x128xi32, #tpu.memory_space<vmem>> -> memref<1x128xi32, #tpu.memory_space<vmem>>
      %dma_start3A_21 = tpu.memref_squeeze %dma_start3A_20 : memref<1x128xi32, #tpu.memory_space<vmem>> -> memref<128xi32, #tpu.memory_space<vmem>>
      %dma_start3A_22 = arith.constant 0 : i32
      %dma_start3A_23 = arith.constant 0 : i32
      %dma_start3A_24 = tpu.memref_slice %arg16[%dma_start3A_22, %dma_start3A_23] : memref<10112x16xf32, #tpu.memory_space<vmem_shared>> -> memref<10112x16xf32, #tpu.memory_space<vmem_shared>>
      tpu.enqueue_indirect_dma source(%dma_start3A_24 : memref<10112x16xf32, #tpu.memory_space<vmem_shared>>) target(%arg11 : memref<128x16xf32, #tpu.memory_space<vmem>>) offsets(%dma_start3A_21 : memref<128xi32, #tpu.memory_space<vmem>>) semaphore(%arg19 : memref<!tpu.dma_semaphore, #tpu.memory_space<semaphore_mem>>)
      %dma_wait3A = arith.constant 0 : i32
      %dma_wait3A_25 = arith.constant 0 : i32
      %dma_wait3A_26 = tpu.memref_slice %arg8[%dma_wait3A, %dma_wait3A_25] : memref<162x128xi32, #tpu.memory_space<vmem>> -> memref<1x128xi32, #tpu.memory_space<vmem>>
      %dma_wait3A_27 = tpu.memref_squeeze %dma_wait3A_26 : memref<1x128xi32, #tpu.memory_space<vmem>> -> memref<128xi32, #tpu.memory_space<vmem>>
      %dma_wait3A_28 = arith.constant 0 : i32
      %dma_wait3A_29 = arith.constant 0 : i32
      %dma_wait3A_30 = tpu.memref_slice %arg16[%dma_wait3A_28, %dma_wait3A_29] : memref<10112x16xf32, #tpu.memory_space<vmem_shared>> -> memref<10112x16xf32, #tpu.memory_space<vmem_shared>>
      tpu.wait_indirect_dma semaphore(%arg18 : memref<!tpu.dma_semaphore, #tpu.memory_space<semaphore_mem>>) src(%dma_wait3A_30 : memref<10112x16xf32, #tpu.memory_space<vmem_shared>>) dst(%arg10 : memref<128x16xf32, #tpu.memory_space<vmem>>)
      %dma_start3A_31 = arith.constant 2 : i32
      %dma_start3A_32 = arith.constant 0 : i32
      %dma_start3A_33 = tpu.memref_slice %arg8[%dma_start3A_31, %dma_start3A_32] : memref<162x128xi32, #tpu.memory_space<vmem>> -> memref<1x128xi32, #tpu.memory_space<vmem>>
      %dma_start3A_34 = tpu.memref_squeeze %dma_start3A_33 : memref<1x128xi32, #tpu.memory_space<vmem>> -> memref<128xi32, #tpu.memory_space<vmem>>
      %dma_start3A_35 = arith.constant 0 : i32
      %dma_start3A_36 = arith.constant 0 : i32
      %dma_start3A_37 = tpu.memref_slice %arg16[%dma_start3A_35, %dma_start3A_36] : memref<10112x16xf32, #tpu.memory_space<vmem_shared>> -> memref<10112x16xf32, #tpu.memory_space<vmem_shared>>
      tpu.enqueue_indirect_dma source(%dma_start3A_37 : memref<10112x16xf32, #tpu.memory_space<vmem_shared>>) target(%arg12 : memref<128x16xf32, #tpu.memory_space<vmem>>) offsets(%dma_start3A_34 : memref<128xi32, #tpu.memory_space<vmem>>) semaphore(%arg20 : memref<!tpu.dma_semaphore, #tpu.memory_space<semaphore_mem>>)
      %dma_start3A_38 = arith.constant 0 : i32
      %dma_start3A_39 = arith.constant 0 : i32
      %dma_start3A_40 = tpu.memref_slice %arg9[%dma_start3A_38, %dma_start3A_39] : memref<162x128xi32, #tpu.memory_space<vmem>> -> memref<1x128xi32, #tpu.memory_space<vmem>>
      %dma_start3A_41 = tpu.memref_squeeze %dma_start3A_40 : memref<1x128xi32, #tpu.memory_space<vmem>> -> memref<128xi32, #tpu.memory_space<vmem>>
      %dma_start3A_42 = arith.constant 0 : i32
      %dma_start3A_43 = arith.constant 0 : i32
      %dma_start3A_44 = tpu.memref_slice %arg17[%dma_start3A_42, %dma_start3A_43] : memref<10112x16xf32, #tpu.memory_space<vmem_shared>> -> memref<10112x16xf32, #tpu.memory_space<vmem_shared>>
      tpu.enqueue_indirect_dma source(%arg10 : memref<128x16xf32, #tpu.memory_space<vmem>>) target(%dma_start3A_44 : memref<10112x16xf32, #tpu.memory_space<vmem_shared>>) offsets(%dma_start3A_41 : memref<128xi32, #tpu.memory_space<vmem>>) semaphore(%arg22 : memref<!tpu.dma_semaphore, #tpu.memory_space<semaphore_mem>>) {add = true}
      %dma_wait3A_45 = arith.constant 1 : i32
      %dma_wait3A_46 = arith.constant 0 : i32
      %dma_wait3A_47 = tpu.memref_slice %arg8[%dma_wait3A_45, %dma_wait3A_46] : memref<162x128xi32, #tpu.memory_space<vmem>> -> memref<1x128xi32, #tpu.memory_space<vmem>>
      %dma_wait3A_48 = tpu.memref_squeeze %dma_wait3A_47 : memref<1x128xi32, #tpu.memory_space<vmem>> -> memref<128xi32, #tpu.memory_space<vmem>>
      %dma_wait3A_49 = arith.constant 0 : i32
      %dma_wait3A_50 = arith.constant 0 : i32
      %dma_wait3A_51 = tpu.memref_slice %arg16[%dma_wait3A_49, %dma_wait3A_50] : memref<10112x16xf32, #tpu.memory_space<vmem_shared>> -> memref<10112x16xf32, #tpu.memory_space<vmem_shared>>
      tpu.wait_indirect_dma semaphore(%arg19 : memref<!tpu.dma_semaphore, #tpu.memory_space<semaphore_mem>>) src(%dma_wait3A_51 : memref<10112x16xf32, #tpu.memory_space<vmem_shared>>) dst(%arg11 : memref<128x16xf32, #tpu.memory_space<vmem>>)
      %dma_start3A_52 = arith.constant 3 : i32
      %dma_start3A_53 = arith.constant 0 : i32
      %dma_start3A_54 = tpu.memref_slice %arg8[%dma_start3A_52, %dma_start3A_53] : memref<162x128xi32, #tpu.memory_space<vmem>> -> memref<1x128xi32, #tpu.memory_space<vmem>>
      %dma_start3A_55 = tpu.memref_squeeze %dma_start3A_54 : memref<1x128xi32, #tpu.memory_space<vmem>> -> memref<128xi32, #tpu.memory_space<vmem>>
      %dma_start3A_56 = arith.constant 0 : i32
      %dma_start3A_57 = arith.constant 0 : i32
      %dma_start3A_58 = tpu.memref_slice %arg16[%dma_start3A_56, %dma_start3A_57] : memref<10112x16xf32, #tpu.memory_space<vmem_shared>> -> memref<10112x16xf32, #tpu.memory_space<vmem_shared>>
      tpu.enqueue_indirect_dma source(%dma_start3A_58 : memref<10112x16xf32, #tpu.memory_space<vmem_shared>>) target(%arg13 : memref<128x16xf32, #tpu.memory_space<vmem>>) offsets(%dma_start3A_55 : memref<128xi32, #tpu.memory_space<vmem>>) semaphore(%arg21 : memref<!tpu.dma_semaphore, #tpu.memory_space<semaphore_mem>>)
      %dma_start3A_59 = arith.constant 1 : i32
      %dma_start3A_60 = arith.constant 0 : i32
      %dma_start3A_61 = tpu.memref_slice %arg9[%dma_start3A_59, %dma_start3A_60] : memref<162x128xi32, #tpu.memory_space<vmem>> -> memref<1x128xi32, #tpu.memory_space<vmem>>
      %dma_start3A_62 = tpu.memref_squeeze %dma_start3A_61 : memref<1x128xi32, #tpu.memory_space<vmem>> -> memref<128xi32, #tpu.memory_space<vmem>>
      %dma_start3A_63 = arith.constant 0 : i32
      %dma_start3A_64 = arith.constant 0 : i32
      %dma_start3A_65 = tpu.memref_slice %arg17[%dma_start3A_63, %dma_start3A_64] : memref<10112x16xf32, #tpu.memory_space<vmem_shared>> -> memref<10112x16xf32, #tpu.memory_space<vmem_shared>>
      tpu.enqueue_indirect_dma source(%arg11 : memref<128x16xf32, #tpu.memory_space<vmem>>) target(%dma_start3A_65 : memref<10112x16xf32, #tpu.memory_space<vmem_shared>>) offsets(%dma_start3A_62 : memref<128xi32, #tpu.memory_space<vmem>>) semaphore(%arg23 : memref<!tpu.dma_semaphore, #tpu.memory_space<semaphore_mem>>) {add = true}
      %dma_wait3A_66 = arith.constant 2 : i32
      %dma_wait3A_67 = arith.constant 0 : i32
      %dma_wait3A_68 = tpu.memref_slice %arg8[%dma_wait3A_66, %dma_wait3A_67] : memref<162x128xi32, #tpu.memory_space<vmem>> -> memref<1x128xi32, #tpu.memory_space<vmem>>
      %dma_wait3A_69 = tpu.memref_squeeze %dma_wait3A_68 : memref<1x128xi32, #tpu.memory_space<vmem>> -> memref<128xi32, #tpu.memory_space<vmem>>
      %dma_wait3A_70 = arith.constant 0 : i32
      %dma_wait3A_71 = arith.constant 0 : i32
      %dma_wait3A_72 = tpu.memref_slice %arg16[%dma_wait3A_70, %dma_wait3A_71] : memref<10112x16xf32, #tpu.memory_space<vmem_shared>> -> memref<10112x16xf32, #tpu.memory_space<vmem_shared>>
      tpu.wait_indirect_dma semaphore(%arg20 : memref<!tpu.dma_semaphore, #tpu.memory_space<semaphore_mem>>) src(%dma_wait3A_72 : memref<10112x16xf32, #tpu.memory_space<vmem_shared>>) dst(%arg12 : memref<128x16xf32, #tpu.memory_space<vmem>>)
      %dma_wait3A_73 = arith.constant 0 : i32
      %dma_wait3A_74 = arith.constant 0 : i32
      %dma_wait3A_75 = tpu.memref_slice %arg9[%dma_wait3A_73, %dma_wait3A_74] : memref<162x128xi32, #tpu.memory_space<vmem>> -> memref<1x128xi32, #tpu.memory_space<vmem>>
      %dma_wait3A_76 = tpu.memref_squeeze %dma_wait3A_75 : memref<1x128xi32, #tpu.memory_space<vmem>> -> memref<128xi32, #tpu.memory_space<vmem>>
      %dma_wait3A_77 = arith.constant 0 : i32
      %dma_wait3A_78 = arith.constant 0 : i32
      %dma_wait3A_79 = tpu.memref_slice %arg17[%dma_wait3A_77, %dma_wait3A_78] : memref<10112x16xf32, #tpu.memory_space<vmem_shared>> -> memref<10112x16xf32, #tpu.memory_space<vmem_shared>>
      tpu.wait_indirect_dma semaphore(%arg22 : memref<!tpu.dma_semaphore, #tpu.memory_space<semaphore_mem>>) src(%arg10 : memref<128x16xf32, #tpu.memory_space<vmem>>) dst(%dma_wait3A_79 : memref<10112x16xf32, #tpu.memory_space<vmem_shared>>)
      %dma_start3A_80 = arith.constant 4 : i32
      %dma_start3A_81 = arith.constant 0 : i32
      %dma_start3A_82 = tpu.memref_slice %arg8[%dma_start3A_80, %dma_start3A_81] : memref<162x128xi32, #tpu.memory_space<vmem>> -> memref<1x128xi32, #tpu.memory_space<vmem>>
      %dma_start3A_83 = tpu.memref_squeeze %dma_start3A_82 : memref<1x128xi32, #tpu.memory_space<vmem>> -> memref<128xi32, #tpu.memory_space<vmem>>
      %dma_start3A_84 = arith.constant 0 : i32
      %dma_start3A_85 = arith.constant 0 : i32
      %dma_start3A_86 = tpu.memref_slice %arg16[%dma_start3A_84, %dma_start3A_85] : memref<10112x16xf32, #tpu.memory_space<vmem_shared>> -> memref<10112x16xf32, #tpu.memory_space<vmem_shared>>
      tpu.enqueue_indirect_dma source(%dma_start3A_86 : memref<10112x16xf32, #tpu.memory_space<vmem_shared>>) target(%arg10 : memref<128x16xf32, #tpu.memory_space<vmem>>) offsets(%dma_start3A_83 : memref<128xi32, #tpu.memory_space<vmem>>) semaphore(%arg18 : memref<!tpu.dma_semaphore, #tpu.memory_space<semaphore_mem>>)
      %dma_start3A_87 = arith.constant 2 : i32
      %dma_start3A_88 = arith.constant 0 : i32
      %dma_start3A_89 = tpu.memref_slice %arg9[%dma_start3A_87, %dma_start3A_88] : memref<162x128xi32, #tpu.memory_space<vmem>> -> memref<1x128xi32, #tpu.memory_space<vmem>>
      %dma_start3A_90 = tpu.memref_squeeze %dma_start3A_89 : memref<1x128xi32, #tpu.memory_space<vmem>> -> memref<128xi32, #tpu.memory_space<vmem>>
      %dma_start3A_91 = arith.constant 0 : i32
      %dma_start3A_92 = arith.constant 0 : i32
      %dma_start3A_93 = tpu.memref_slice %arg17[%dma_start3A_91, %dma_start3A_92] : memref<10112x16xf32, #tpu.memory_space<vmem_shared>> -> memref<10112x16xf32, #tpu.memory_space<vmem_shared>>
      tpu.enqueue_indirect_dma source(%arg12 : memref<128x16xf32, #tpu.memory_space<vmem>>) target(%dma_start3A_93 : memref<10112x16xf32, #tpu.memory_space<vmem_shared>>) offsets(%dma_start3A_90 : memref<128xi32, #tpu.memory_space<vmem>>) semaphore(%arg24 : memref<!tpu.dma_semaphore, #tpu.memory_space<semaphore_mem>>) {add = true}
      %dma_wait3A_94 = arith.constant 3 : i32
      %dma_wait3A_95 = arith.constant 0 : i32
      %dma_wait3A_96 = tpu.memref_slice %arg8[%dma_wait3A_94, %dma_wait3A_95] : memref<162x128xi32, #tpu.memory_space<vmem>> -> memref<1x128xi32, #tpu.memory_space<vmem>>
      %dma_wait3A_97 = tpu.memref_squeeze %dma_wait3A_96 : memref<1x128xi32, #tpu.memory_space<vmem>> -> memref<128xi32, #tpu.memory_space<vmem>>
      %dma_wait3A_98 = arith.constant 0 : i32
      %dma_wait3A_99 = arith.constant 0 : i32
      %dma_wait3A_100 = tpu.memref_slice %arg16[%dma_wait3A_98, %dma_wait3A_99] : memref<10112x16xf32, #tpu.memory_space<vmem_shared>> -> memref<10112x16xf32, #tpu.memory_space<vmem_shared>>
      tpu.wait_indirect_dma semaphore(%arg21 : memref<!tpu.dma_semaphore, #tpu.memory_space<semaphore_mem>>) src(%dma_wait3A_100 : memref<10112x16xf32, #tpu.memory_space<vmem_shared>>) dst(%arg13 : memref<128x16xf32, #tpu.memory_space<vmem>>)
      %dma_wait3A_101 = arith.constant 1 : i32
      %dma_wait3A_102 = arith.constant 0 : i32
      %dma_wait3A_103 = tpu.memref_slice %arg9[%dma_wait3A_101, %dma_wait3A_102] : memref<162x128xi32, #tpu.memory_space<vmem>> -> memref<1x128xi32, #tpu.memory_space<vmem>>
      %dma_wait3A_104 = tpu.memref_squeeze %dma_wait3A_103 : memref<1x128xi32, #tpu.memory_space<vmem>> -> memref<128xi32, #tpu.memory_space<vmem>>
      %dma_wait3A_105 = arith.constant 0 : i32
      %dma_wait3A_106 = arith.constant 0 : i32
      %dma_wait3A_107 = tpu.memref_slice %arg17[%dma_wait3A_105, %dma_wait3A_106] : memref<10112x16xf32, #tpu.memory_space<vmem_shared>> -> memref<10112x16xf32, #tpu.memory_space<vmem_shared>>
      tpu.wait_indirect_dma semaphore(%arg23 : memref<!tpu.dma_semaphore, #tpu.memory_space<semaphore_mem>>) src(%arg11 : memref<128x16xf32, #tpu.memory_space<vmem>>) dst(%dma_wait3A_107 : memref<10112x16xf32, #tpu.memory_space<vmem_shared>>)
      %dma_start3A_108 = arith.constant 5 : i32
      %dma_start3A_109 = arith.constant 0 : i32
      %dma_start3A_110 = tpu.memref_slice %arg8[%dma_start3A_108, %dma_start3A_109] : memref<162x128xi32, #tpu.memory_space<vmem>> -> memref<1x128xi32, #tpu.memory_space<vmem>>
      %dma_start3A_111 = tpu.memref_squeeze %dma_start3A_110 : memref<1x128xi32, #tpu.memory_space<vmem>> -> memref<128xi32, #tpu.memory_space<vmem>>
      %dma_start3A_112 = arith.constant 0 : i32
      %dma_start3A_113 = arith.constant 0 : i32
      %dma_start3A_114 = tpu.memref_slice %arg16[%dma_start3A_112, %dma_start3A_113] : memref<10112x16xf32, #tpu.memory_space<vmem_shared>> -> memref<10112x16xf32, #tpu.memory_space<vmem_shared>>
      tpu.enqueue_indirect_dma source(%dma_start3A_114 : memref<10112x16xf32, #tpu.memory_space<vmem_shared>>) target(%arg11 : memref<128x16xf32, #tpu.memory_space<vmem>>) offsets(%dma_start3A_111 : memref<128xi32, #tpu.memory_space<vmem>>) semaphore(%arg19 : memref<!tpu.dma_semaphore, #tpu.memory_space<semaphore_mem>>)
      %dma_start3A_115 = arith.constant 3 : i32
      %dma_start3A_116 = arith.constant 0 : i32
      %dma_start3A_117 = tpu.memref_slice %arg9[%dma_start3A_115, %dma_start3A_116] : memref<162x128xi32, #tpu.memory_space<vmem>> -> memref<1x128xi32, #tpu.memory_space<vmem>>
      %dma_start3A_118 = tpu.memref_squeeze %dma_start3A_117 : memref<1x128xi32, #tpu.memory_space<vmem>> -> memref<128xi32, #tpu.memory_space<vmem>>
      %dma_start3A_119 = arith.constant 0 : i32
      %dma_start3A_120 = arith.constant 0 : i32
      %dma_start3A_121 = tpu.memref_slice %arg17[%dma_start3A_119, %dma_start3A_120] : memref<10112x16xf32, #tpu.memory_space<vmem_shared>> -> memref<10112x16xf32, #tpu.memory_space<vmem_shared>>
      tpu.enqueue_indirect_dma source(%arg13 : memref<128x16xf32, #tpu.memory_space<vmem>>) target(%dma_start3A_121 : memref<10112x16xf32, #tpu.memory_space<vmem_shared>>) offsets(%dma_start3A_118 : memref<128xi32, #tpu.memory_space<vmem>>) semaphore(%arg25 : memref<!tpu.dma_semaphore, #tpu.memory_space<semaphore_mem>>) {add = true}
      %scan3A_122 = arith.constant 0 : i32
      %scan3A_123 = arith.constant 1 : i32
      %scan3A_124 = arith.constant 39 : i32
      %scan3A_125 = arith.addi %scan3A_123, %scan3A_124 : i32
      %scan3A_126 = arith.constant 1 : i32
      scf.for %scan3A_634 = %scan3A_123 to %scan3A_125 step %scan3A_126  : i32 {
        %mul3A_635 = arith.constant 4 : i32
        %mul3A_636 = arith.muli %mul3A_635, %scan3A_634 : i32
        %add3A = arith.constant 0 : i32
        %add3A_637 = arith.addi %mul3A_636, %add3A : i32
        %dma_wait3A_638 = arith.constant 0 : i32
        %dma_wait3A_639 = tpu.memref_slice %arg8[%add3A_637, %dma_wait3A_638] : memref<162x128xi32, #tpu.memory_space<vmem>> -> memref<1x128xi32, #tpu.memory_space<vmem>>
        %dma_wait3A_640 = tpu.memref_squeeze %dma_wait3A_639 : memref<1x128xi32, #tpu.memory_space<vmem>> -> memref<128xi32, #tpu.memory_space<vmem>>
        %dma_wait3A_641 = arith.constant 0 : i32
        %dma_wait3A_642 = arith.constant 0 : i32
        %dma_wait3A_643 = tpu.memref_slice %arg16[%dma_wait3A_641, %dma_wait3A_642] : memref<10112x16xf32, #tpu.memory_space<vmem_shared>> -> memref<10112x16xf32, #tpu.memory_space<vmem_shared>>
        tpu.wait_indirect_dma semaphore(%arg18 : memref<!tpu.dma_semaphore, #tpu.memory_space<semaphore_mem>>) src(%dma_wait3A_643 : memref<10112x16xf32, #tpu.memory_space<vmem_shared>>) dst(%arg10 : memref<128x16xf32, #tpu.memory_space<vmem>>)
        %sub3A = arith.constant 2 : i32
        %sub3A_644 = arith.subi %add3A_637, %sub3A : i32
        %dma_wait3A_645 = arith.constant 0 : i32
        %dma_wait3A_646 = tpu.memref_slice %arg9[%sub3A_644, %dma_wait3A_645] : memref<162x128xi32, #tpu.memory_space<vmem>> -> memref<1x128xi32, #tpu.memory_space<vmem>>
        %dma_wait3A_647 = tpu.memref_squeeze %dma_wait3A_646 : memref<1x128xi32, #tpu.memory_space<vmem>> -> memref<128xi32, #tpu.memory_space<vmem>>
        %dma_wait3A_648 = arith.constant 0 : i32
        %dma_wait3A_649 = arith.constant 0 : i32
        %dma_wait3A_650 = tpu.memref_slice %arg17[%dma_wait3A_648, %dma_wait3A_649] : memref<10112x16xf32, #tpu.memory_space<vmem_shared>> -> memref<10112x16xf32, #tpu.memory_space<vmem_shared>>
        tpu.wait_indirect_dma semaphore(%arg24 : memref<!tpu.dma_semaphore, #tpu.memory_space<semaphore_mem>>) src(%arg12 : memref<128x16xf32, #tpu.memory_space<vmem>>) dst(%dma_wait3A_650 : memref<10112x16xf32, #tpu.memory_space<vmem_shared>>)
        %add3A_651 = arith.constant 2 : i32
        %add3A_652 = arith.addi %add3A_637, %add3A_651 : i32
        %dma_start3A_653 = arith.constant 0 : i32
        %dma_start3A_654 = tpu.memref_slice %arg8[%add3A_652, %dma_start3A_653] : memref<162x128xi32, #tpu.memory_space<vmem>> -> memref<1x128xi32, #tpu.memory_space<vmem>>
        %dma_start3A_655 = tpu.memref_squeeze %dma_start3A_654 : memref<1x128xi32, #tpu.memory_space<vmem>> -> memref<128xi32, #tpu.memory_space<vmem>>
        %dma_start3A_656 = arith.constant 0 : i32
        %dma_start3A_657 = arith.constant 0 : i32
        %dma_start3A_658 = tpu.memref_slice %arg16[%dma_start3A_656, %dma_start3A_657] : memref<10112x16xf32, #tpu.memory_space<vmem_shared>> -> memref<10112x16xf32, #tpu.memory_space<vmem_shared>>
        tpu.enqueue_indirect_dma source(%dma_start3A_658 : memref<10112x16xf32, #tpu.memory_space<vmem_shared>>) target(%arg12 : memref<128x16xf32, #tpu.memory_space<vmem>>) offsets(%dma_start3A_655 : memref<128xi32, #tpu.memory_space<vmem>>) semaphore(%arg20 : memref<!tpu.dma_semaphore, #tpu.memory_space<semaphore_mem>>)
        %dma_start3A_659 = arith.constant 0 : i32
        %dma_start3A_660 = tpu.memref_slice %arg9[%add3A_637, %dma_start3A_659] : memref<162x128xi32, #tpu.memory_space<vmem>> -> memref<1x128xi32, #tpu.memory_space<vmem>>
        %dma_start3A_661 = tpu.memref_squeeze %dma_start3A_660 : memref<1x128xi32, #tpu.memory_space<vmem>> -> memref<128xi32, #tpu.memory_space<vmem>>
        %dma_start3A_662 = arith.constant 0 : i32
        %dma_start3A_663 = arith.constant 0 : i32
        %dma_start3A_664 = tpu.memref_slice %arg17[%dma_start3A_662, %dma_start3A_663] : memref<10112x16xf32, #tpu.memory_space<vmem_shared>> -> memref<10112x16xf32, #tpu.memory_space<vmem_shared>>
        tpu.enqueue_indirect_dma source(%arg10 : memref<128x16xf32, #tpu.memory_space<vmem>>) target(%dma_start3A_664 : memref<10112x16xf32, #tpu.memory_space<vmem_shared>>) offsets(%dma_start3A_661 : memref<128xi32, #tpu.memory_space<vmem>>) semaphore(%arg22 : memref<!tpu.dma_semaphore, #tpu.memory_space<semaphore_mem>>) {add = true}
        %add3A_665 = arith.constant 1 : i32
        %add3A_666 = arith.addi %mul3A_636, %add3A_665 : i32
        %dma_wait3A_667 = arith.constant 0 : i32
        %dma_wait3A_668 = tpu.memref_slice %arg8[%add3A_666, %dma_wait3A_667] : memref<162x128xi32, #tpu.memory_space<vmem>> -> memref<1x128xi32, #tpu.memory_space<vmem>>
        %dma_wait3A_669 = tpu.memref_squeeze %dma_wait3A_668 : memref<1x128xi32, #tpu.memory_space<vmem>> -> memref<128xi32, #tpu.memory_space<vmem>>
        %dma_wait3A_670 = arith.constant 0 : i32
        %dma_wait3A_671 = arith.constant 0 : i32
        %dma_wait3A_672 = tpu.memref_slice %arg16[%dma_wait3A_670, %dma_wait3A_671] : memref<10112x16xf32, #tpu.memory_space<vmem_shared>> -> memref<10112x16xf32, #tpu.memory_space<vmem_shared>>
        tpu.wait_indirect_dma semaphore(%arg19 : memref<!tpu.dma_semaphore, #tpu.memory_space<semaphore_mem>>) src(%dma_wait3A_672 : memref<10112x16xf32, #tpu.memory_space<vmem_shared>>) dst(%arg11 : memref<128x16xf32, #tpu.memory_space<vmem>>)
        %sub3A_673 = arith.constant 2 : i32
        %sub3A_674 = arith.subi %add3A_666, %sub3A_673 : i32
        %dma_wait3A_675 = arith.constant 0 : i32
        %dma_wait3A_676 = tpu.memref_slice %arg9[%sub3A_674, %dma_wait3A_675] : memref<162x128xi32, #tpu.memory_space<vmem>> -> memref<1x128xi32, #tpu.memory_space<vmem>>
        %dma_wait3A_677 = tpu.memref_squeeze %dma_wait3A_676 : memref<1x128xi32, #tpu.memory_space<vmem>> -> memref<128xi32, #tpu.memory_space<vmem>>
        %dma_wait3A_678 = arith.constant 0 : i32
        %dma_wait3A_679 = arith.constant 0 : i32
        %dma_wait3A_680 = tpu.memref_slice %arg17[%dma_wait3A_678, %dma_wait3A_679] : memref<10112x16xf32, #tpu.memory_space<vmem_shared>> -> memref<10112x16xf32, #tpu.memory_space<vmem_shared>>
        tpu.wait_indirect_dma semaphore(%arg25 : memref<!tpu.dma_semaphore, #tpu.memory_space<semaphore_mem>>) src(%arg13 : memref<128x16xf32, #tpu.memory_space<vmem>>) dst(%dma_wait3A_680 : memref<10112x16xf32, #tpu.memory_space<vmem_shared>>)
        %add3A_681 = arith.constant 2 : i32
        %add3A_682 = arith.addi %add3A_666, %add3A_681 : i32
        %dma_start3A_683 = arith.constant 0 : i32
        %dma_start3A_684 = tpu.memref_slice %arg8[%add3A_682, %dma_start3A_683] : memref<162x128xi32, #tpu.memory_space<vmem>> -> memref<1x128xi32, #tpu.memory_space<vmem>>
        %dma_start3A_685 = tpu.memref_squeeze %dma_start3A_684 : memref<1x128xi32, #tpu.memory_space<vmem>> -> memref<128xi32, #tpu.memory_space<vmem>>
        %dma_start3A_686 = arith.constant 0 : i32
        %dma_start3A_687 = arith.constant 0 : i32
        %dma_start3A_688 = tpu.memref_slice %arg16[%dma_start3A_686, %dma_start3A_687] : memref<10112x16xf32, #tpu.memory_space<vmem_shared>> -> memref<10112x16xf32, #tpu.memory_space<vmem_shared>>
        tpu.enqueue_indirect_dma source(%dma_start3A_688 : memref<10112x16xf32, #tpu.memory_space<vmem_shared>>) target(%arg13 : memref<128x16xf32, #tpu.memory_space<vmem>>) offsets(%dma_start3A_685 : memref<128xi32, #tpu.memory_space<vmem>>) semaphore(%arg21 : memref<!tpu.dma_semaphore, #tpu.memory_space<semaphore_mem>>)
        %dma_start3A_689 = arith.constant 0 : i32
        %dma_start3A_690 = tpu.memref_slice %arg9[%add3A_666, %dma_start3A_689] : memref<162x128xi32, #tpu.memory_space<vmem>> -> memref<1x128xi32, #tpu.memory_space<vmem>>
        %dma_start3A_691 = tpu.memref_squeeze %dma_start3A_690 : memref<1x128xi32, #tpu.memory_space<vmem>> -> memref<128xi32, #tpu.memory_space<vmem>>
        %dma_start3A_692 = arith.constant 0 : i32
        %dma_start3A_693 = arith.constant 0 : i32
        %dma_start3A_694 = tpu.memref_slice %arg17[%dma_start3A_692, %dma_start3A_693] : memref<10112x16xf32, #tpu.memory_space<vmem_shared>> -> memref<10112x16xf32, #tpu.memory_space<vmem_shared>>
        tpu.enqueue_indirect_dma source(%arg11 : memref<128x16xf32, #tpu.memory_space<vmem>>) target(%dma_start3A_694 : memref<10112x16xf32, #tpu.memory_space<vmem_shared>>) offsets(%dma_start3A_691 : memref<128xi32, #tpu.memory_space<vmem>>) semaphore(%arg23 : memref<!tpu.dma_semaphore, #tpu.memory_space<semaphore_mem>>) {add = true}
        %add3A_695 = arith.constant 2 : i32
        %add3A_696 = arith.addi %mul3A_636, %add3A_695 : i32
        %dma_wait3A_697 = arith.constant 0 : i32
        %dma_wait3A_698 = tpu.memref_slice %arg8[%add3A_696, %dma_wait3A_697] : memref<162x128xi32, #tpu.memory_space<vmem>> -> memref<1x128xi32, #tpu.memory_space<vmem>>
        %dma_wait3A_699 = tpu.memref_squeeze %dma_wait3A_698 : memref<1x128xi32, #tpu.memory_space<vmem>> -> memref<128xi32, #tpu.memory_space<vmem>>
        %dma_wait3A_700 = arith.constant 0 : i32
        %dma_wait3A_701 = arith.constant 0 : i32
        %dma_wait3A_702 = tpu.memref_slice %arg16[%dma_wait3A_700, %dma_wait3A_701] : memref<10112x16xf32, #tpu.memory_space<vmem_shared>> -> memref<10112x16xf32, #tpu.memory_space<vmem_shared>>
        tpu.wait_indirect_dma semaphore(%arg20 : memref<!tpu.dma_semaphore, #tpu.memory_space<semaphore_mem>>) src(%dma_wait3A_702 : memref<10112x16xf32, #tpu.memory_space<vmem_shared>>) dst(%arg12 : memref<128x16xf32, #tpu.memory_space<vmem>>)
        %sub3A_703 = arith.constant 2 : i32
        %sub3A_704 = arith.subi %add3A_696, %sub3A_703 : i32
        %dma_wait3A_705 = arith.constant 0 : i32
        %dma_wait3A_706 = tpu.memref_slice %arg9[%sub3A_704, %dma_wait3A_705] : memref<162x128xi32, #tpu.memory_space<vmem>> -> memref<1x128xi32, #tpu.memory_space<vmem>>
        %dma_wait3A_707 = tpu.memref_squeeze %dma_wait3A_706 : memref<1x128xi32, #tpu.memory_space<vmem>> -> memref<128xi32, #tpu.memory_space<vmem>>
        %dma_wait3A_708 = arith.constant 0 : i32
        %dma_wait3A_709 = arith.constant 0 : i32
        %dma_wait3A_710 = tpu.memref_slice %arg17[%dma_wait3A_708, %dma_wait3A_709] : memref<10112x16xf32, #tpu.memory_space<vmem_shared>> -> memref<10112x16xf32, #tpu.memory_space<vmem_shared>>
        tpu.wait_indirect_dma semaphore(%arg22 : memref<!tpu.dma_semaphore, #tpu.memory_space<semaphore_mem>>) src(%arg10 : memref<128x16xf32, #tpu.memory_space<vmem>>) dst(%dma_wait3A_710 : memref<10112x16xf32, #tpu.memory_space<vmem_shared>>)
        %add3A_711 = arith.constant 2 : i32
        %add3A_712 = arith.addi %add3A_696, %add3A_711 : i32
        %dma_start3A_713 = arith.constant 0 : i32
        %dma_start3A_714 = tpu.memref_slice %arg8[%add3A_712, %dma_start3A_713] : memref<162x128xi32, #tpu.memory_space<vmem>> -> memref<1x128xi32, #tpu.memory_space<vmem>>
        %dma_start3A_715 = tpu.memref_squeeze %dma_start3A_714 : memref<1x128xi32, #tpu.memory_space<vmem>> -> memref<128xi32, #tpu.memory_space<vmem>>
        %dma_start3A_716 = arith.constant 0 : i32
        %dma_start3A_717 = arith.constant 0 : i32
        %dma_start3A_718 = tpu.memref_slice %arg16[%dma_start3A_716, %dma_start3A_717] : memref<10112x16xf32, #tpu.memory_space<vmem_shared>> -> memref<10112x16xf32, #tpu.memory_space<vmem_shared>>
        tpu.enqueue_indirect_dma source(%dma_start3A_718 : memref<10112x16xf32, #tpu.memory_space<vmem_shared>>) target(%arg10 : memref<128x16xf32, #tpu.memory_space<vmem>>) offsets(%dma_start3A_715 : memref<128xi32, #tpu.memory_space<vmem>>) semaphore(%arg18 : memref<!tpu.dma_semaphore, #tpu.memory_space<semaphore_mem>>)
        %dma_start3A_719 = arith.constant 0 : i32
        %dma_start3A_720 = tpu.memref_slice %arg9[%add3A_696, %dma_start3A_719] : memref<162x128xi32, #tpu.memory_space<vmem>> -> memref<1x128xi32, #tpu.memory_space<vmem>>
        %dma_start3A_721 = tpu.memref_squeeze %dma_start3A_720 : memref<1x128xi32, #tpu.memory_space<vmem>> -> memref<128xi32, #tpu.memory_space<vmem>>
        %dma_start3A_722 = arith.constant 0 : i32
        %dma_start3A_723 = arith.constant 0 : i32
        %dma_start3A_724 = tpu.memref_slice %arg17[%dma_start3A_722, %dma_start3A_723] : memref<10112x16xf32, #tpu.memory_space<vmem_shared>> -> memref<10112x16xf32, #tpu.memory_space<vmem_shared>>
        tpu.enqueue_indirect_dma source(%arg12 : memref<128x16xf32, #tpu.memory_space<vmem>>) target(%dma_start3A_724 : memref<10112x16xf32, #tpu.memory_space<vmem_shared>>) offsets(%dma_start3A_721 : memref<128xi32, #tpu.memory_space<vmem>>) semaphore(%arg24 : memref<!tpu.dma_semaphore, #tpu.memory_space<semaphore_mem>>) {add = true}
        %add3A_725 = arith.constant 3 : i32
        %add3A_726 = arith.addi %mul3A_636, %add3A_725 : i32
        %dma_wait3A_727 = arith.constant 0 : i32
        %dma_wait3A_728 = tpu.memref_slice %arg8[%add3A_726, %dma_wait3A_727] : memref<162x128xi32, #tpu.memory_space<vmem>> -> memref<1x128xi32, #tpu.memory_space<vmem>>
        %dma_wait3A_729 = tpu.memref_squeeze %dma_wait3A_728 : memref<1x128xi32, #tpu.memory_space<vmem>> -> memref<128xi32, #tpu.memory_space<vmem>>
        %dma_wait3A_730 = arith.constant 0 : i32
        %dma_wait3A_731 = arith.constant 0 : i32
        %dma_wait3A_732 = tpu.memref_slice %arg16[%dma_wait3A_730, %dma_wait3A_731] : memref<10112x16xf32, #tpu.memory_space<vmem_shared>> -> memref<10112x16xf32, #tpu.memory_space<vmem_shared>>
        tpu.wait_indirect_dma semaphore(%arg21 : memref<!tpu.dma_semaphore, #tpu.memory_space<semaphore_mem>>) src(%dma_wait3A_732 : memref<10112x16xf32, #tpu.memory_space<vmem_shared>>) dst(%arg13 : memref<128x16xf32, #tpu.memory_space<vmem>>)
        %sub3A_733 = arith.constant 2 : i32
        %sub3A_734 = arith.subi %add3A_726, %sub3A_733 : i32
        %dma_wait3A_735 = arith.constant 0 : i32
        %dma_wait3A_736 = tpu.memref_slice %arg9[%sub3A_734, %dma_wait3A_735] : memref<162x128xi32, #tpu.memory_space<vmem>> -> memref<1x128xi32, #tpu.memory_space<vmem>>
        %dma_wait3A_737 = tpu.memref_squeeze %dma_wait3A_736 : memref<1x128xi32, #tpu.memory_space<vmem>> -> memref<128xi32, #tpu.memory_space<vmem>>
        %dma_wait3A_738 = arith.constant 0 : i32
        %dma_wait3A_739 = arith.constant 0 : i32
        %dma_wait3A_740 = tpu.memref_slice %arg17[%dma_wait3A_738, %dma_wait3A_739] : memref<10112x16xf32, #tpu.memory_space<vmem_shared>> -> memref<10112x16xf32, #tpu.memory_space<vmem_shared>>
        tpu.wait_indirect_dma semaphore(%arg23 : memref<!tpu.dma_semaphore, #tpu.memory_space<semaphore_mem>>) src(%arg11 : memref<128x16xf32, #tpu.memory_space<vmem>>) dst(%dma_wait3A_740 : memref<10112x16xf32, #tpu.memory_space<vmem_shared>>)
        %add3A_741 = arith.constant 2 : i32
        %add3A_742 = arith.addi %add3A_726, %add3A_741 : i32
        %dma_start3A_743 = arith.constant 0 : i32
        %dma_start3A_744 = tpu.memref_slice %arg8[%add3A_742, %dma_start3A_743] : memref<162x128xi32, #tpu.memory_space<vmem>> -> memref<1x128xi32, #tpu.memory_space<vmem>>
        %dma_start3A_745 = tpu.memref_squeeze %dma_start3A_744 : memref<1x128xi32, #tpu.memory_space<vmem>> -> memref<128xi32, #tpu.memory_space<vmem>>
        %dma_start3A_746 = arith.constant 0 : i32
        %dma_start3A_747 = arith.constant 0 : i32
        %dma_start3A_748 = tpu.memref_slice %arg16[%dma_start3A_746, %dma_start3A_747] : memref<10112x16xf32, #tpu.memory_space<vmem_shared>> -> memref<10112x16xf32, #tpu.memory_space<vmem_shared>>
        tpu.enqueue_indirect_dma source(%dma_start3A_748 : memref<10112x16xf32, #tpu.memory_space<vmem_shared>>) target(%arg11 : memref<128x16xf32, #tpu.memory_space<vmem>>) offsets(%dma_start3A_745 : memref<128xi32, #tpu.memory_space<vmem>>) semaphore(%arg19 : memref<!tpu.dma_semaphore, #tpu.memory_space<semaphore_mem>>)
        %dma_start3A_749 = arith.constant 0 : i32
        %dma_start3A_750 = tpu.memref_slice %arg9[%add3A_726, %dma_start3A_749] : memref<162x128xi32, #tpu.memory_space<vmem>> -> memref<1x128xi32, #tpu.memory_space<vmem>>
        %dma_start3A_751 = tpu.memref_squeeze %dma_start3A_750 : memref<1x128xi32, #tpu.memory_space<vmem>> -> memref<128xi32, #tpu.memory_space<vmem>>
        %dma_start3A_752 = arith.constant 0 : i32
        %dma_start3A_753 = arith.constant 0 : i32
        %dma_start3A_754 = tpu.memref_slice %arg17[%dma_start3A_752, %dma_start3A_753] : memref<10112x16xf32, #tpu.memory_space<vmem_shared>> -> memref<10112x16xf32, #tpu.memory_space<vmem_shared>>
        tpu.enqueue_indirect_dma source(%arg13 : memref<128x16xf32, #tpu.memory_space<vmem>>) target(%dma_start3A_754 : memref<10112x16xf32, #tpu.memory_space<vmem_shared>>) offsets(%dma_start3A_751 : memref<128xi32, #tpu.memory_space<vmem>>) semaphore(%arg25 : memref<!tpu.dma_semaphore, #tpu.memory_space<semaphore_mem>>) {add = true}
      }
      %scan3A_127 = arith.constant 39 : i32
      %dma_wait3A_128 = arith.constant 160 : i32
      %dma_wait3A_129 = arith.constant 0 : i32
      %dma_wait3A_130 = tpu.memref_slice %arg8[%dma_wait3A_128, %dma_wait3A_129] : memref<162x128xi32, #tpu.memory_space<vmem>> -> memref<1x128xi32, #tpu.memory_space<vmem>>
      %dma_wait3A_131 = tpu.memref_squeeze %dma_wait3A_130 : memref<1x128xi32, #tpu.memory_space<vmem>> -> memref<128xi32, #tpu.memory_space<vmem>>
      %dma_wait3A_132 = arith.constant 0 : i32
      %dma_wait3A_133 = arith.constant 0 : i32
      %dma_wait3A_134 = tpu.memref_slice %arg16[%dma_wait3A_132, %dma_wait3A_133] : memref<10112x16xf32, #tpu.memory_space<vmem_shared>> -> memref<10112x16xf32, #tpu.memory_space<vmem_shared>>
      tpu.wait_indirect_dma semaphore(%arg18 : memref<!tpu.dma_semaphore, #tpu.memory_space<semaphore_mem>>) src(%dma_wait3A_134 : memref<10112x16xf32, #tpu.memory_space<vmem_shared>>) dst(%arg10 : memref<128x16xf32, #tpu.memory_space<vmem>>)
      %dma_wait3A_135 = arith.constant 161 : i32
      %dma_wait3A_136 = arith.constant 0 : i32
      %dma_wait3A_137 = tpu.memref_slice %arg8[%dma_wait3A_135, %dma_wait3A_136] : memref<162x128xi32, #tpu.memory_space<vmem>> -> memref<1x128xi32, #tpu.memory_space<vmem>>
      %dma_wait3A_138 = tpu.memref_squeeze %dma_wait3A_137 : memref<1x128xi32, #tpu.memory_space<vmem>> -> memref<128xi32, #tpu.memory_space<vmem>>
      %dma_wait3A_139 = arith.constant 0 : i32
      %dma_wait3A_140 = arith.constant 0 : i32
      %dma_wait3A_141 = tpu.memref_slice %arg16[%dma_wait3A_139, %dma_wait3A_140] : memref<10112x16xf32, #tpu.memory_space<vmem_shared>> -> memref<10112x16xf32, #tpu.memory_space<vmem_shared>>
      tpu.wait_indirect_dma semaphore(%arg19 : memref<!tpu.dma_semaphore, #tpu.memory_space<semaphore_mem>>) src(%dma_wait3A_141 : memref<10112x16xf32, #tpu.memory_space<vmem_shared>>) dst(%arg11 : memref<128x16xf32, #tpu.memory_space<vmem>>)
      %dma_wait3A_142 = arith.constant 158 : i32
      %dma_wait3A_143 = arith.constant 0 : i32
      %dma_wait3A_144 = tpu.memref_slice %arg9[%dma_wait3A_142, %dma_wait3A_143] : memref<162x128xi32, #tpu.memory_space<vmem>> -> memref<1x128xi32, #tpu.memory_space<vmem>>
      %dma_wait3A_145 = tpu.memref_squeeze %dma_wait3A_144 : memref<1x128xi32, #tpu.memory_space<vmem>> -> memref<128xi32, #tpu.memory_space<vmem>>
      %dma_wait3A_146 = arith.constant 0 : i32
      %dma_wait3A_147 = arith.constant 0 : i32
      %dma_wait3A_148 = tpu.memref_slice %arg17[%dma_wait3A_146, %dma_wait3A_147] : memref<10112x16xf32, #tpu.memory_space<vmem_shared>> -> memref<10112x16xf32, #tpu.memory_space<vmem_shared>>
      tpu.wait_indirect_dma semaphore(%arg24 : memref<!tpu.dma_semaphore, #tpu.memory_space<semaphore_mem>>) src(%arg12 : memref<128x16xf32, #tpu.memory_space<vmem>>) dst(%dma_wait3A_148 : memref<10112x16xf32, #tpu.memory_space<vmem_shared>>)
      %dma_wait3A_149 = arith.constant 159 : i32
      %dma_wait3A_150 = arith.constant 0 : i32
      %dma_wait3A_151 = tpu.memref_slice %arg9[%dma_wait3A_149, %dma_wait3A_150] : memref<162x128xi32, #tpu.memory_space<vmem>> -> memref<1x128xi32, #tpu.memory_space<vmem>>
      %dma_wait3A_152 = tpu.memref_squeeze %dma_wait3A_151 : memref<1x128xi32, #tpu.memory_space<vmem>> -> memref<128xi32, #tpu.memory_space<vmem>>
      %dma_wait3A_153 = arith.constant 0 : i32
      %dma_wait3A_154 = arith.constant 0 : i32
      %dma_wait3A_155 = tpu.memref_slice %arg17[%dma_wait3A_153, %dma_wait3A_154] : memref<10112x16xf32, #tpu.memory_space<vmem_shared>> -> memref<10112x16xf32, #tpu.memory_space<vmem_shared>>
      tpu.wait_indirect_dma semaphore(%arg25 : memref<!tpu.dma_semaphore, #tpu.memory_space<semaphore_mem>>) src(%arg13 : memref<128x16xf32, #tpu.memory_space<vmem>>) dst(%dma_wait3A_155 : memref<10112x16xf32, #tpu.memory_space<vmem_shared>>)
      %barrier3A_156 = arith.constant 0 : index
      tpu.barrier barrier_id(%barrier3A_156)
      %mul3A_157 = arith.constant 624 : i32
      %mul3A_158 = arith.muli %arg1, %mul3A_157 : i32
      "tpu.region"() ({
        %run_scoped3A = tpu.sem_alloc : memref<!tpu.dma_semaphore, #tpu.memory_space<semaphore_mem>>
        %dma_start3A_634 = arith.constant 0 : i32
        %dma_start3A_635 = arith.constant 0 : i32
        %dma_start3A_636 = tpu.memref_slice %arg15[%dma_start3A_634, %dma_start3A_635] : memref<632x16xf32, #tpu.memory_space<vmem>> -> memref<624x16xf32, #tpu.memory_space<vmem>>
        %dma_start3A_637 = arith.constant 0 : i32
        %dma_start3A_638 = tpu.memref_slice %arg17[%mul3A_158, %dma_start3A_637] : memref<10112x16xf32, #tpu.memory_space<vmem_shared>> -> memref<624x16xf32, #tpu.memory_space<vmem_shared>>
        %dma_start3A_639 = arith.constant 0 : i32
        %dma_start3A_640 = arith.constant 0 : i32
        %dma_start3A_641 = tpu.memref_slice %arg15[%dma_start3A_639, %dma_start3A_640] : memref<632x16xf32, #tpu.memory_space<vmem>> -> memref<624x16xf32, #tpu.memory_space<vmem>>
        %dma_start3A_642 = arith.constant 0 : i32
        %dma_start3A_643 = tpu.memref_slice %arg17[%mul3A_158, %dma_start3A_642] : memref<10112x16xf32, #tpu.memory_space<vmem_shared>> -> memref<624x16xf32, #tpu.memory_space<vmem_shared>>
        tpu.enqueue_dma source(%dma_start3A_643 : memref<624x16xf32, #tpu.memory_space<vmem_shared>>) target(%dma_start3A_641 : memref<624x16xf32, #tpu.memory_space<vmem>>) target_semaphore(%run_scoped3A : memref<!tpu.dma_semaphore, #tpu.memory_space<semaphore_mem>>)
        %dma_wait3A_644 = arith.constant 0 : i32
        %dma_wait3A_645 = arith.constant 0 : i32
        %dma_wait3A_646 = tpu.memref_slice %arg15[%dma_wait3A_644, %dma_wait3A_645] : memref<632x16xf32, #tpu.memory_space<vmem>> -> memref<624x16xf32, #tpu.memory_space<vmem>>
        %dma_wait3A_647 = arith.constant 0 : i32
        %dma_wait3A_648 = tpu.memref_slice %arg17[%mul3A_158, %dma_wait3A_647] : memref<10112x16xf32, #tpu.memory_space<vmem_shared>> -> memref<624x16xf32, #tpu.memory_space<vmem_shared>>
        %dma_wait3A_649 = arith.constant 0 : i32
        %dma_wait3A_650 = arith.constant 0 : i32
        %dma_wait3A_651 = tpu.memref_slice %arg15[%dma_wait3A_649, %dma_wait3A_650] : memref<632x16xf32, #tpu.memory_space<vmem>> -> memref<624x16xf32, #tpu.memory_space<vmem>>
        %dma_wait3A_652 = arith.constant 0 : i32
        %dma_wait3A_653 = tpu.memref_slice %arg17[%mul3A_158, %dma_wait3A_652] : memref<10112x16xf32, #tpu.memory_space<vmem_shared>> -> memref<624x16xf32, #tpu.memory_space<vmem_shared>>
        tpu.wait_dma2 semaphore(%run_scoped3A : memref<!tpu.dma_semaphore, #tpu.memory_space<semaphore_mem>>) src(%dma_wait3A_653 : memref<624x16xf32, #tpu.memory_space<vmem_shared>>) dst(%dma_wait3A_651 : memref<624x16xf32, #tpu.memory_space<vmem>>)
        tpu.yield
      }) : () -> ()
      %mul3A_159 = arith.constant 624 : i32
      %mul3A_160 = arith.muli %arg1, %mul3A_159 : i32
      "tpu.region"() ({
        %run_scoped3A = tpu.sem_alloc : memref<!tpu.dma_semaphore, #tpu.memory_space<semaphore_mem>>
        %dma_start3A_634 = arith.constant 0 : i32
        %dma_start3A_635 = arith.constant 0 : i32
        %dma_start3A_636 = tpu.memref_slice %arg15[%dma_start3A_634, %dma_start3A_635] : memref<632x16xf32, #tpu.memory_space<vmem>> -> memref<624x16xf32, #tpu.memory_space<vmem>>
        %dma_start3A_637 = arith.constant 0 : i32
        %dma_start3A_638 = tpu.memref_slice %arg5[%mul3A_160, %dma_start3A_637] : memref<10000x16xf32, #tpu.memory_space<hbm>> -> memref<624x16xf32, #tpu.memory_space<hbm>>
        %dma_start3A_639 = arith.constant 0 : i32
        %dma_start3A_640 = tpu.memref_slice %arg5[%mul3A_160, %dma_start3A_639] : memref<10000x16xf32, #tpu.memory_space<hbm>> -> memref<624x16xf32, #tpu.memory_space<hbm>>
        %dma_start3A_641 = arith.constant 0 : i32
        %dma_start3A_642 = arith.constant 0 : i32
        %dma_start3A_643 = tpu.memref_slice %arg15[%dma_start3A_641, %dma_start3A_642] : memref<632x16xf32, #tpu.memory_space<vmem>> -> memref<624x16xf32, #tpu.memory_space<vmem>>
        tpu.enqueue_dma source(%dma_start3A_643 : memref<624x16xf32, #tpu.memory_space<vmem>>) target(%dma_start3A_640 : memref<624x16xf32, #tpu.memory_space<hbm>>) target_semaphore(%run_scoped3A : memref<!tpu.dma_semaphore, #tpu.memory_space<semaphore_mem>>)
        %dma_wait3A_644 = arith.constant 0 : i32
        %dma_wait3A_645 = arith.constant 0 : i32
        %dma_wait3A_646 = tpu.memref_slice %arg15[%dma_wait3A_644, %dma_wait3A_645] : memref<632x16xf32, #tpu.memory_space<vmem>> -> memref<624x16xf32, #tpu.memory_space<vmem>>
        %dma_wait3A_647 = arith.constant 0 : i32
        %dma_wait3A_648 = tpu.memref_slice %arg5[%mul3A_160, %dma_wait3A_647] : memref<10000x16xf32, #tpu.memory_space<hbm>> -> memref<624x16xf32, #tpu.memory_space<hbm>>
        %dma_wait3A_649 = arith.constant 0 : i32
        %dma_wait3A_650 = tpu.memref_slice %arg5[%mul3A_160, %dma_wait3A_649] : memref<10000x16xf32, #tpu.memory_space<hbm>> -> memref<624x16xf32, #tpu.memory_space<hbm>>
        %dma_wait3A_651 = arith.constant 0 : i32
        %dma_wait3A_652 = arith.constant 0 : i32
        %dma_wait3A_653 = tpu.memref_slice %arg15[%dma_wait3A_651, %dma_wait3A_652] : memref<632x16xf32, #tpu.memory_space<vmem>> -> memref<624x16xf32, #tpu.memory_space<vmem>>
        tpu.wait_dma2 semaphore(%run_scoped3A : memref<!tpu.dma_semaphore, #tpu.memory_space<semaphore_mem>>) src(%dma_wait3A_653 : memref<624x16xf32, #tpu.memory_space<vmem>>) dst(%dma_wait3A_650 : memref<624x16xf32, #tpu.memory_space<hbm>>)
        tpu.yield
      }) : () -> ()
      %eq3A_161 = arith.constant 0 : i32
      %eq3A_162 = arith.cmpi eq, %arg1, %eq3A_161 : i32
      %convert_element_type3A_163 = arith.extui %eq3A_162 : i1 to i32
      %cond3A_164 = arith.constant 0 : i32
      %cond3A_165 = arith.cmpi ne, %convert_element_type3A_163, %cond3A_164 : i32
      scf.if %cond3A_165 {
        "tpu.region"() ({
          %run_scoped3A = tpu.sem_alloc : memref<!tpu.dma_semaphore, #tpu.memory_space<semaphore_mem>>
          %dma_start3A_634 = arith.constant 0 : i32
          %dma_start3A_635 = arith.constant 0 : i32
          %dma_start3A_636 = tpu.memref_slice %arg15[%dma_start3A_634, %dma_start3A_635] : memref<632x16xf32, #tpu.memory_space<vmem>> -> memref<16x16xf32, #tpu.memory_space<vmem>>
          %dma_start3A_637 = arith.constant 9984 : i32
          %dma_start3A_638 = arith.constant 0 : i32
          %dma_start3A_639 = tpu.memref_slice %arg17[%dma_start3A_637, %dma_start3A_638] : memref<10112x16xf32, #tpu.memory_space<vmem_shared>> -> memref<16x16xf32, #tpu.memory_space<vmem_shared>>
          %dma_start3A_640 = arith.constant 0 : i32
          %dma_start3A_641 = arith.constant 0 : i32
          %dma_start3A_642 = tpu.memref_slice %arg15[%dma_start3A_640, %dma_start3A_641] : memref<632x16xf32, #tpu.memory_space<vmem>> -> memref<16x16xf32, #tpu.memory_space<vmem>>
          %dma_start3A_643 = arith.constant 9984 : i32
          %dma_start3A_644 = arith.constant 0 : i32
          %dma_start3A_645 = tpu.memref_slice %arg17[%dma_start3A_643, %dma_start3A_644] : memref<10112x16xf32, #tpu.memory_space<vmem_shared>> -> memref<16x16xf32, #tpu.memory_space<vmem_shared>>
          tpu.enqueue_dma source(%dma_start3A_645 : memref<16x16xf32, #tpu.memory_space<vmem_shared>>) target(%dma_start3A_642 : memref<16x16xf32, #tpu.memory_space<vmem>>) target_semaphore(%run_scoped3A : memref<!tpu.dma_semaphore, #tpu.memory_space<semaphore_mem>>)
          %dma_wait3A_646 = arith.constant 0 : i32
          %dma_wait3A_647 = arith.constant 0 : i32
          %dma_wait3A_648 = tpu.memref_slice %arg15[%dma_wait3A_646, %dma_wait3A_647] : memref<632x16xf32, #tpu.memory_space<vmem>> -> memref<16x16xf32, #tpu.memory_space<vmem>>
          %dma_wait3A_649 = arith.constant 9984 : i32
          %dma_wait3A_650 = arith.constant 0 : i32
          %dma_wait3A_651 = tpu.memref_slice %arg17[%dma_wait3A_649, %dma_wait3A_650] : memref<10112x16xf32, #tpu.memory_space<vmem_shared>> -> memref<16x16xf32, #tpu.memory_space<vmem_shared>>
          %dma_wait3A_652 = arith.constant 0 : i32
          %dma_wait3A_653 = arith.constant 0 : i32
          %dma_wait3A_654 = tpu.memref_slice %arg15[%dma_wait3A_652, %dma_wait3A_653] : memref<632x16xf32, #tpu.memory_space<vmem>> -> memref<16x16xf32, #tpu.memory_space<vmem>>
          %dma_wait3A_655 = arith.constant 9984 : i32
          %dma_wait3A_656 = arith.constant 0 : i32
          %dma_wait3A_657 = tpu.memref_slice %arg17[%dma_wait3A_655, %dma_wait3A_656] : memref<10112x16xf32, #tpu.memory_space<vmem_shared>> -> memref<16x16xf32, #tpu.memory_space<vmem_shared>>
          tpu.wait_dma2 semaphore(%run_scoped3A : memref<!tpu.dma_semaphore, #tpu.memory_space<semaphore_mem>>) src(%dma_wait3A_657 : memref<16x16xf32, #tpu.memory_space<vmem_shared>>) dst(%dma_wait3A_654 : memref<16x16xf32, #tpu.memory_space<vmem>>)
          tpu.yield
        }) : () -> ()
        "tpu.region"() ({
          %run_scoped3A = tpu.sem_alloc : memref<!tpu.dma_semaphore, #tpu.memory_space<semaphore_mem>>
          %dma_start3A_634 = arith.constant 0 : i32
          %dma_start3A_635 = arith.constant 0 : i32
          %dma_start3A_636 = tpu.memref_slice %arg15[%dma_start3A_634, %dma_start3A_635] : memref<632x16xf32, #tpu.memory_space<vmem>> -> memref<16x16xf32, #tpu.memory_space<vmem>>
          %dma_start3A_637 = arith.constant 9984 : i32
          %dma_start3A_638 = arith.constant 0 : i32
          %dma_start3A_639 = tpu.memref_slice %arg5[%dma_start3A_637, %dma_start3A_638] : memref<10000x16xf32, #tpu.memory_space<hbm>> -> memref<16x16xf32, #tpu.memory_space<hbm>>
          %dma_start3A_640 = arith.constant 9984 : i32
          %dma_start3A_641 = arith.constant 0 : i32
          %dma_start3A_642 = tpu.memref_slice %arg5[%dma_start3A_640, %dma_start3A_641] : memref<10000x16xf32, #tpu.memory_space<hbm>> -> memref<16x16xf32, #tpu.memory_space<hbm>>
          %dma_start3A_643 = arith.constant 0 : i32
          %dma_start3A_644 = arith.constant 0 : i32
          %dma_start3A_645 = tpu.memref_slice %arg15[%dma_start3A_643, %dma_start3A_644] : memref<632x16xf32, #tpu.memory_space<vmem>> -> memref<16x16xf32, #tpu.memory_space<vmem>>
          tpu.enqueue_dma source(%dma_start3A_645 : memref<16x16xf32, #tpu.memory_space<vmem>>) target(%dma_start3A_642 : memref<16x16xf32, #tpu.memory_space<hbm>>) target_semaphore(%run_scoped3A : memref<!tpu.dma_semaphore, #tpu.memory_space<semaphore_mem>>)
          %dma_wait3A_646 = arith.constant 0 : i32
          %dma_wait3A_647 = arith.constant 0 : i32
          %dma_wait3A_648 = tpu.memref_slice %arg15[%dma_wait3A_646, %dma_wait3A_647] : memref<632x16xf32, #tpu.memory_space<vmem>> -> memref<16x16xf32, #tpu.memory_space<vmem>>
          %dma_wait3A_649 = arith.constant 9984 : i32
          %dma_wait3A_650 = arith.constant 0 : i32
          %dma_wait3A_651 = tpu.memref_slice %arg5[%dma_wait3A_649, %dma_wait3A_650] : memref<10000x16xf32, #tpu.memory_space<hbm>> -> memref<16x16xf32, #tpu.memory_space<hbm>>
          %dma_wait3A_652 = arith.constant 9984 : i32
          %dma_wait3A_653 = arith.constant 0 : i32
          %dma_wait3A_654 = tpu.memref_slice %arg5[%dma_wait3A_652, %dma_wait3A_653] : memref<10000x16xf32, #tpu.memory_space<hbm>> -> memref<16x16xf32, #tpu.memory_space<hbm>>
          %dma_wait3A_655 = arith.constant 0 : i32
          %dma_wait3A_656 = arith.constant 0 : i32
          %dma_wait3A_657 = tpu.memref_slice %arg15[%dma_wait3A_655, %dma_wait3A_656] : memref<632x16xf32, #tpu.memory_space<vmem>> -> memref<16x16xf32, #tpu.memory_space<vmem>>
          tpu.wait_dma2 semaphore(%run_scoped3A : memref<!tpu.dma_semaphore, #tpu.memory_space<semaphore_mem>>) src(%dma_wait3A_657 : memref<16x16xf32, #tpu.memory_space<vmem>>) dst(%dma_wait3A_654 : memref<16x16xf32, #tpu.memory_space<hbm>>)
          tpu.yield
        }) : () -> ()
      } else {
      }
      %mul3A_166 = arith.constant 632 : i32
      %mul3A_167 = arith.muli %arg1, %mul3A_166 : i32
      "tpu.region"() ({
        %run_scoped3A = tpu.sem_alloc : memref<!tpu.dma_semaphore, #tpu.memory_space<semaphore_mem>>
        %dma_start3A_634 = arith.constant 0 : i32
        %dma_start3A_635 = tpu.memref_slice %arg16[%mul3A_167, %dma_start3A_634] : memref<10112x16xf32, #tpu.memory_space<vmem_shared>> -> memref<632x16xf32, #tpu.memory_space<vmem_shared>>
        %dma_start3A_636 = arith.constant 0 : i32
        %dma_start3A_637 = tpu.memref_slice %arg16[%mul3A_167, %dma_start3A_636] : memref<10112x16xf32, #tpu.memory_space<vmem_shared>> -> memref<632x16xf32, #tpu.memory_space<vmem_shared>>
        tpu.enqueue_dma source(%arg14 : memref<632x16xf32, #tpu.memory_space<vmem>>) target(%dma_start3A_637 : memref<632x16xf32, #tpu.memory_space<vmem_shared>>) target_semaphore(%run_scoped3A : memref<!tpu.dma_semaphore, #tpu.memory_space<semaphore_mem>>)
        %dma_wait3A_638 = arith.constant 0 : i32
        %dma_wait3A_639 = tpu.memref_slice %arg16[%mul3A_167, %dma_wait3A_638] : memref<10112x16xf32, #tpu.memory_space<vmem_shared>> -> memref<632x16xf32, #tpu.memory_space<vmem_shared>>
        %dma_wait3A_640 = arith.constant 0 : i32
        %dma_wait3A_641 = tpu.memref_slice %arg16[%mul3A_167, %dma_wait3A_640] : memref<10112x16xf32, #tpu.memory_space<vmem_shared>> -> memref<632x16xf32, #tpu.memory_space<vmem_shared>>
        tpu.wait_dma2 semaphore(%run_scoped3A : memref<!tpu.dma_semaphore, #tpu.memory_space<semaphore_mem>>) src(%arg14 : memref<632x16xf32, #tpu.memory_space<vmem>>) dst(%dma_wait3A_641 : memref<632x16xf32, #tpu.memory_space<vmem_shared>>)
        tpu.yield
      }) : () -> ()
      %barrier3A_168 = arith.constant 0 : index
      tpu.barrier barrier_id(%barrier3A_168)
      %dma_start3A_169 = arith.constant 0 : i32
      %dma_start3A_170 = arith.constant 0 : i32
      %dma_start3A_171 = tpu.memref_slice %arg8[%dma_start3A_169, %dma_start3A_170] : memref<162x128xi32, #tpu.memory_space<vmem>> -> memref<1x128xi32, #tpu.memory_space<vmem>>
      %dma_start3A_172 = tpu.memref_squeeze %dma_start3A_171 : memref<1x128xi32, #tpu.memory_space<vmem>> -> memref<128xi32, #tpu.memory_space<vmem>>
      %dma_start3A_173 = arith.constant 0 : i32
      %dma_start3A_174 = arith.constant 0 : i32
      %dma_start3A_175 = tpu.memref_slice %arg17[%dma_start3A_173, %dma_start3A_174] : memref<10112x16xf32, #tpu.memory_space<vmem_shared>> -> memref<10112x16xf32, #tpu.memory_space<vmem_shared>>
      tpu.enqueue_indirect_dma source(%dma_start3A_175 : memref<10112x16xf32, #tpu.memory_space<vmem_shared>>) target(%arg10 : memref<128x16xf32, #tpu.memory_space<vmem>>) offsets(%dma_start3A_172 : memref<128xi32, #tpu.memory_space<vmem>>) semaphore(%arg18 : memref<!tpu.dma_semaphore, #tpu.memory_space<semaphore_mem>>)
      %dma_start3A_176 = arith.constant 1 : i32
      %dma_start3A_177 = arith.constant 0 : i32
      %dma_start3A_178 = tpu.memref_slice %arg8[%dma_start3A_176, %dma_start3A_177] : memref<162x128xi32, #tpu.memory_space<vmem>> -> memref<1x128xi32, #tpu.memory_space<vmem>>
      %dma_start3A_179 = tpu.memref_squeeze %dma_start3A_178 : memref<1x128xi32, #tpu.memory_space<vmem>> -> memref<128xi32, #tpu.memory_space<vmem>>
      %dma_start3A_180 = arith.constant 0 : i32
      %dma_start3A_181 = arith.constant 0 : i32
      %dma_start3A_182 = tpu.memref_slice %arg17[%dma_start3A_180, %dma_start3A_181] : memref<10112x16xf32, #tpu.memory_space<vmem_shared>> -> memref<10112x16xf32, #tpu.memory_space<vmem_shared>>
      tpu.enqueue_indirect_dma source(%dma_start3A_182 : memref<10112x16xf32, #tpu.memory_space<vmem_shared>>) target(%arg11 : memref<128x16xf32, #tpu.memory_space<vmem>>) offsets(%dma_start3A_179 : memref<128xi32, #tpu.memory_space<vmem>>) semaphore(%arg19 : memref<!tpu.dma_semaphore, #tpu.memory_space<semaphore_mem>>)
      %dma_wait3A_183 = arith.constant 0 : i32
      %dma_wait3A_184 = arith.constant 0 : i32
      %dma_wait3A_185 = tpu.memref_slice %arg8[%dma_wait3A_183, %dma_wait3A_184] : memref<162x128xi32, #tpu.memory_space<vmem>> -> memref<1x128xi32, #tpu.memory_space<vmem>>
      %dma_wait3A_186 = tpu.memref_squeeze %dma_wait3A_185 : memref<1x128xi32, #tpu.memory_space<vmem>> -> memref<128xi32, #tpu.memory_space<vmem>>
      %dma_wait3A_187 = arith.constant 0 : i32
      %dma_wait3A_188 = arith.constant 0 : i32
      %dma_wait3A_189 = tpu.memref_slice %arg17[%dma_wait3A_187, %dma_wait3A_188] : memref<10112x16xf32, #tpu.memory_space<vmem_shared>> -> memref<10112x16xf32, #tpu.memory_space<vmem_shared>>
      tpu.wait_indirect_dma semaphore(%arg18 : memref<!tpu.dma_semaphore, #tpu.memory_space<semaphore_mem>>) src(%dma_wait3A_189 : memref<10112x16xf32, #tpu.memory_space<vmem_shared>>) dst(%arg10 : memref<128x16xf32, #tpu.memory_space<vmem>>)
      %dma_start3A_190 = arith.constant 2 : i32
      %dma_start3A_191 = arith.constant 0 : i32
      %dma_start3A_192 = tpu.memref_slice %arg8[%dma_start3A_190, %dma_start3A_191] : memref<162x128xi32, #tpu.memory_space<vmem>> -> memref<1x128xi32, #tpu.memory_space<vmem>>
      %dma_start3A_193 = tpu.memref_squeeze %dma_start3A_192 : memref<1x128xi32, #tpu.memory_space<vmem>> -> memref<128xi32, #tpu.memory_space<vmem>>
      %dma_start3A_194 = arith.constant 0 : i32
      %dma_start3A_195 = arith.constant 0 : i32
      %dma_start3A_196 = tpu.memref_slice %arg17[%dma_start3A_194, %dma_start3A_195] : memref<10112x16xf32, #tpu.memory_space<vmem_shared>> -> memref<10112x16xf32, #tpu.memory_space<vmem_shared>>
      tpu.enqueue_indirect_dma source(%dma_start3A_196 : memref<10112x16xf32, #tpu.memory_space<vmem_shared>>) target(%arg12 : memref<128x16xf32, #tpu.memory_space<vmem>>) offsets(%dma_start3A_193 : memref<128xi32, #tpu.memory_space<vmem>>) semaphore(%arg20 : memref<!tpu.dma_semaphore, #tpu.memory_space<semaphore_mem>>)
      %dma_start3A_197 = arith.constant 0 : i32
      %dma_start3A_198 = arith.constant 0 : i32
      %dma_start3A_199 = tpu.memref_slice %arg9[%dma_start3A_197, %dma_start3A_198] : memref<162x128xi32, #tpu.memory_space<vmem>> -> memref<1x128xi32, #tpu.memory_space<vmem>>
      %dma_start3A_200 = tpu.memref_squeeze %dma_start3A_199 : memref<1x128xi32, #tpu.memory_space<vmem>> -> memref<128xi32, #tpu.memory_space<vmem>>
      %dma_start3A_201 = arith.constant 0 : i32
      %dma_start3A_202 = arith.constant 0 : i32
      %dma_start3A_203 = tpu.memref_slice %arg16[%dma_start3A_201, %dma_start3A_202] : memref<10112x16xf32, #tpu.memory_space<vmem_shared>> -> memref<10112x16xf32, #tpu.memory_space<vmem_shared>>
      tpu.enqueue_indirect_dma source(%arg10 : memref<128x16xf32, #tpu.memory_space<vmem>>) target(%dma_start3A_203 : memref<10112x16xf32, #tpu.memory_space<vmem_shared>>) offsets(%dma_start3A_200 : memref<128xi32, #tpu.memory_space<vmem>>) semaphore(%arg22 : memref<!tpu.dma_semaphore, #tpu.memory_space<semaphore_mem>>) {add = true}
      %dma_wait3A_204 = arith.constant 1 : i32
      %dma_wait3A_205 = arith.constant 0 : i32
      %dma_wait3A_206 = tpu.memref_slice %arg8[%dma_wait3A_204, %dma_wait3A_205] : memref<162x128xi32, #tpu.memory_space<vmem>> -> memref<1x128xi32, #tpu.memory_space<vmem>>
      %dma_wait3A_207 = tpu.memref_squeeze %dma_wait3A_206 : memref<1x128xi32, #tpu.memory_space<vmem>> -> memref<128xi32, #tpu.memory_space<vmem>>
      %dma_wait3A_208 = arith.constant 0 : i32
      %dma_wait3A_209 = arith.constant 0 : i32
      %dma_wait3A_210 = tpu.memref_slice %arg17[%dma_wait3A_208, %dma_wait3A_209] : memref<10112x16xf32, #tpu.memory_space<vmem_shared>> -> memref<10112x16xf32, #tpu.memory_space<vmem_shared>>
      tpu.wait_indirect_dma semaphore(%arg19 : memref<!tpu.dma_semaphore, #tpu.memory_space<semaphore_mem>>) src(%dma_wait3A_210 : memref<10112x16xf32, #tpu.memory_space<vmem_shared>>) dst(%arg11 : memref<128x16xf32, #tpu.memory_space<vmem>>)
      %dma_start3A_211 = arith.constant 3 : i32
      %dma_start3A_212 = arith.constant 0 : i32
      %dma_start3A_213 = tpu.memref_slice %arg8[%dma_start3A_211, %dma_start3A_212] : memref<162x128xi32, #tpu.memory_space<vmem>> -> memref<1x128xi32, #tpu.memory_space<vmem>>
      %dma_start3A_214 = tpu.memref_squeeze %dma_start3A_213 : memref<1x128xi32, #tpu.memory_space<vmem>> -> memref<128xi32, #tpu.memory_space<vmem>>
      %dma_start3A_215 = arith.constant 0 : i32
      %dma_start3A_216 = arith.constant 0 : i32
      %dma_start3A_217 = tpu.memref_slice %arg17[%dma_start3A_215, %dma_start3A_216] : memref<10112x16xf32, #tpu.memory_space<vmem_shared>> -> memref<10112x16xf32, #tpu.memory_space<vmem_shared>>
      tpu.enqueue_indirect_dma source(%dma_start3A_217 : memref<10112x16xf32, #tpu.memory_space<vmem_shared>>) target(%arg13 : memref<128x16xf32, #tpu.memory_space<vmem>>) offsets(%dma_start3A_214 : memref<128xi32, #tpu.memory_space<vmem>>) semaphore(%arg21 : memref<!tpu.dma_semaphore, #tpu.memory_space<semaphore_mem>>)
      %dma_start3A_218 = arith.constant 1 : i32
      %dma_start3A_219 = arith.constant 0 : i32
      %dma_start3A_220 = tpu.memref_slice %arg9[%dma_start3A_218, %dma_start3A_219] : memref<162x128xi32, #tpu.memory_space<vmem>> -> memref<1x128xi32, #tpu.memory_space<vmem>>
      %dma_start3A_221 = tpu.memref_squeeze %dma_start3A_220 : memref<1x128xi32, #tpu.memory_space<vmem>> -> memref<128xi32, #tpu.memory_space<vmem>>
      %dma_start3A_222 = arith.constant 0 : i32
      %dma_start3A_223 = arith.constant 0 : i32
      %dma_start3A_224 = tpu.memref_slice %arg16[%dma_start3A_222, %dma_start3A_223] : memref<10112x16xf32, #tpu.memory_space<vmem_shared>> -> memref<10112x16xf32, #tpu.memory_space<vmem_shared>>
      tpu.enqueue_indirect_dma source(%arg11 : memref<128x16xf32, #tpu.memory_space<vmem>>) target(%dma_start3A_224 : memref<10112x16xf32, #tpu.memory_space<vmem_shared>>) offsets(%dma_start3A_221 : memref<128xi32, #tpu.memory_space<vmem>>) semaphore(%arg23 : memref<!tpu.dma_semaphore, #tpu.memory_space<semaphore_mem>>) {add = true}
      %dma_wait3A_225 = arith.constant 2 : i32
      %dma_wait3A_226 = arith.constant 0 : i32
      %dma_wait3A_227 = tpu.memref_slice %arg8[%dma_wait3A_225, %dma_wait3A_226] : memref<162x128xi32, #tpu.memory_space<vmem>> -> memref<1x128xi32, #tpu.memory_space<vmem>>
      %dma_wait3A_228 = tpu.memref_squeeze %dma_wait3A_227 : memref<1x128xi32, #tpu.memory_space<vmem>> -> memref<128xi32, #tpu.memory_space<vmem>>
      %dma_wait3A_229 = arith.constant 0 : i32
      %dma_wait3A_230 = arith.constant 0 : i32
      %dma_wait3A_231 = tpu.memref_slice %arg17[%dma_wait3A_229, %dma_wait3A_230] : memref<10112x16xf32, #tpu.memory_space<vmem_shared>> -> memref<10112x16xf32, #tpu.memory_space<vmem_shared>>
      tpu.wait_indirect_dma semaphore(%arg20 : memref<!tpu.dma_semaphore, #tpu.memory_space<semaphore_mem>>) src(%dma_wait3A_231 : memref<10112x16xf32, #tpu.memory_space<vmem_shared>>) dst(%arg12 : memref<128x16xf32, #tpu.memory_space<vmem>>)
      %dma_wait3A_232 = arith.constant 0 : i32
      %dma_wait3A_233 = arith.constant 0 : i32
      %dma_wait3A_234 = tpu.memref_slice %arg9[%dma_wait3A_232, %dma_wait3A_233] : memref<162x128xi32, #tpu.memory_space<vmem>> -> memref<1x128xi32, #tpu.memory_space<vmem>>
      %dma_wait3A_235 = tpu.memref_squeeze %dma_wait3A_234 : memref<1x128xi32, #tpu.memory_space<vmem>> -> memref<128xi32, #tpu.memory_space<vmem>>
      %dma_wait3A_236 = arith.constant 0 : i32
      %dma_wait3A_237 = arith.constant 0 : i32
      %dma_wait3A_238 = tpu.memref_slice %arg16[%dma_wait3A_236, %dma_wait3A_237] : memref<10112x16xf32, #tpu.memory_space<vmem_shared>> -> memref<10112x16xf32, #tpu.memory_space<vmem_shared>>
      tpu.wait_indirect_dma semaphore(%arg22 : memref<!tpu.dma_semaphore, #tpu.memory_space<semaphore_mem>>) src(%arg10 : memref<128x16xf32, #tpu.memory_space<vmem>>) dst(%dma_wait3A_238 : memref<10112x16xf32, #tpu.memory_space<vmem_shared>>)
      %dma_start3A_239 = arith.constant 4 : i32
      %dma_start3A_240 = arith.constant 0 : i32
      %dma_start3A_241 = tpu.memref_slice %arg8[%dma_start3A_239, %dma_start3A_240] : memref<162x128xi32, #tpu.memory_space<vmem>> -> memref<1x128xi32, #tpu.memory_space<vmem>>
      %dma_start3A_242 = tpu.memref_squeeze %dma_start3A_241 : memref<1x128xi32, #tpu.memory_space<vmem>> -> memref<128xi32, #tpu.memory_space<vmem>>
      %dma_start3A_243 = arith.constant 0 : i32
      %dma_start3A_244 = arith.constant 0 : i32
      %dma_start3A_245 = tpu.memref_slice %arg17[%dma_start3A_243, %dma_start3A_244] : memref<10112x16xf32, #tpu.memory_space<vmem_shared>> -> memref<10112x16xf32, #tpu.memory_space<vmem_shared>>
      tpu.enqueue_indirect_dma source(%dma_start3A_245 : memref<10112x16xf32, #tpu.memory_space<vmem_shared>>) target(%arg10 : memref<128x16xf32, #tpu.memory_space<vmem>>) offsets(%dma_start3A_242 : memref<128xi32, #tpu.memory_space<vmem>>) semaphore(%arg18 : memref<!tpu.dma_semaphore, #tpu.memory_space<semaphore_mem>>)
      %dma_start3A_246 = arith.constant 2 : i32
      %dma_start3A_247 = arith.constant 0 : i32
      %dma_start3A_248 = tpu.memref_slice %arg9[%dma_start3A_246, %dma_start3A_247] : memref<162x128xi32, #tpu.memory_space<vmem>> -> memref<1x128xi32, #tpu.memory_space<vmem>>
      %dma_start3A_249 = tpu.memref_squeeze %dma_start3A_248 : memref<1x128xi32, #tpu.memory_space<vmem>> -> memref<128xi32, #tpu.memory_space<vmem>>
      %dma_start3A_250 = arith.constant 0 : i32
      %dma_start3A_251 = arith.constant 0 : i32
      %dma_start3A_252 = tpu.memref_slice %arg16[%dma_start3A_250, %dma_start3A_251] : memref<10112x16xf32, #tpu.memory_space<vmem_shared>> -> memref<10112x16xf32, #tpu.memory_space<vmem_shared>>
      tpu.enqueue_indirect_dma source(%arg12 : memref<128x16xf32, #tpu.memory_space<vmem>>) target(%dma_start3A_252 : memref<10112x16xf32, #tpu.memory_space<vmem_shared>>) offsets(%dma_start3A_249 : memref<128xi32, #tpu.memory_space<vmem>>) semaphore(%arg24 : memref<!tpu.dma_semaphore, #tpu.memory_space<semaphore_mem>>) {add = true}
      %dma_wait3A_253 = arith.constant 3 : i32
      %dma_wait3A_254 = arith.constant 0 : i32
      %dma_wait3A_255 = tpu.memref_slice %arg8[%dma_wait3A_253, %dma_wait3A_254] : memref<162x128xi32, #tpu.memory_space<vmem>> -> memref<1x128xi32, #tpu.memory_space<vmem>>
      %dma_wait3A_256 = tpu.memref_squeeze %dma_wait3A_255 : memref<1x128xi32, #tpu.memory_space<vmem>> -> memref<128xi32, #tpu.memory_space<vmem>>
      %dma_wait3A_257 = arith.constant 0 : i32
      %dma_wait3A_258 = arith.constant 0 : i32
      %dma_wait3A_259 = tpu.memref_slice %arg17[%dma_wait3A_257, %dma_wait3A_258] : memref<10112x16xf32, #tpu.memory_space<vmem_shared>> -> memref<10112x16xf32, #tpu.memory_space<vmem_shared>>
      tpu.wait_indirect_dma semaphore(%arg21 : memref<!tpu.dma_semaphore, #tpu.memory_space<semaphore_mem>>) src(%dma_wait3A_259 : memref<10112x16xf32, #tpu.memory_space<vmem_shared>>) dst(%arg13 : memref<128x16xf32, #tpu.memory_space<vmem>>)
      %dma_wait3A_260 = arith.constant 1 : i32
      %dma_wait3A_261 = arith.constant 0 : i32
      %dma_wait3A_262 = tpu.memref_slice %arg9[%dma_wait3A_260, %dma_wait3A_261] : memref<162x128xi32, #tpu.memory_space<vmem>> -> memref<1x128xi32, #tpu.memory_space<vmem>>
      %dma_wait3A_263 = tpu.memref_squeeze %dma_wait3A_262 : memref<1x128xi32, #tpu.memory_space<vmem>> -> memref<128xi32, #tpu.memory_space<vmem>>
      %dma_wait3A_264 = arith.constant 0 : i32
      %dma_wait3A_265 = arith.constant 0 : i32
      %dma_wait3A_266 = tpu.memref_slice %arg16[%dma_wait3A_264, %dma_wait3A_265] : memref<10112x16xf32, #tpu.memory_space<vmem_shared>> -> memref<10112x16xf32, #tpu.memory_space<vmem_shared>>
      tpu.wait_indirect_dma semaphore(%arg23 : memref<!tpu.dma_semaphore, #tpu.memory_space<semaphore_mem>>) src(%arg11 : memref<128x16xf32, #tpu.memory_space<vmem>>) dst(%dma_wait3A_266 : memref<10112x16xf32, #tpu.memory_space<vmem_shared>>)
      %dma_start3A_267 = arith.constant 5 : i32
      %dma_start3A_268 = arith.constant 0 : i32
      %dma_start3A_269 = tpu.memref_slice %arg8[%dma_start3A_267, %dma_start3A_268] : memref<162x128xi32, #tpu.memory_space<vmem>> -> memref<1x128xi32, #tpu.memory_space<vmem>>
      %dma_start3A_270 = tpu.memref_squeeze %dma_start3A_269 : memref<1x128xi32, #tpu.memory_space<vmem>> -> memref<128xi32, #tpu.memory_space<vmem>>
      %dma_start3A_271 = arith.constant 0 : i32
      %dma_start3A_272 = arith.constant 0 : i32
      %dma_start3A_273 = tpu.memref_slice %arg17[%dma_start3A_271, %dma_start3A_272] : memref<10112x16xf32, #tpu.memory_space<vmem_shared>> -> memref<10112x16xf32, #tpu.memory_space<vmem_shared>>
      tpu.enqueue_indirect_dma source(%dma_start3A_273 : memref<10112x16xf32, #tpu.memory_space<vmem_shared>>) target(%arg11 : memref<128x16xf32, #tpu.memory_space<vmem>>) offsets(%dma_start3A_270 : memref<128xi32, #tpu.memory_space<vmem>>) semaphore(%arg19 : memref<!tpu.dma_semaphore, #tpu.memory_space<semaphore_mem>>)
      %dma_start3A_274 = arith.constant 3 : i32
      %dma_start3A_275 = arith.constant 0 : i32
      %dma_start3A_276 = tpu.memref_slice %arg9[%dma_start3A_274, %dma_start3A_275] : memref<162x128xi32, #tpu.memory_space<vmem>> -> memref<1x128xi32, #tpu.memory_space<vmem>>
      %dma_start3A_277 = tpu.memref_squeeze %dma_start3A_276 : memref<1x128xi32, #tpu.memory_space<vmem>> -> memref<128xi32, #tpu.memory_space<vmem>>
      %dma_start3A_278 = arith.constant 0 : i32
      %dma_start3A_279 = arith.constant 0 : i32
      %dma_start3A_280 = tpu.memref_slice %arg16[%dma_start3A_278, %dma_start3A_279] : memref<10112x16xf32, #tpu.memory_space<vmem_shared>> -> memref<10112x16xf32, #tpu.memory_space<vmem_shared>>
      tpu.enqueue_indirect_dma source(%arg13 : memref<128x16xf32, #tpu.memory_space<vmem>>) target(%dma_start3A_280 : memref<10112x16xf32, #tpu.memory_space<vmem_shared>>) offsets(%dma_start3A_277 : memref<128xi32, #tpu.memory_space<vmem>>) semaphore(%arg25 : memref<!tpu.dma_semaphore, #tpu.memory_space<semaphore_mem>>) {add = true}
      %scan3A_281 = arith.constant 0 : i32
      %scan3A_282 = arith.constant 1 : i32
      %scan3A_283 = arith.constant 39 : i32
      %scan3A_284 = arith.addi %scan3A_282, %scan3A_283 : i32
      %scan3A_285 = arith.constant 1 : i32
      scf.for %scan3A_634 = %scan3A_282 to %scan3A_284 step %scan3A_285  : i32 {
        %mul3A_635 = arith.constant 4 : i32
        %mul3A_636 = arith.muli %mul3A_635, %scan3A_634 : i32
        %add3A = arith.constant 0 : i32
        %add3A_637 = arith.addi %mul3A_636, %add3A : i32
        %dma_wait3A_638 = arith.constant 0 : i32
        %dma_wait3A_639 = tpu.memref_slice %arg8[%add3A_637, %dma_wait3A_638] : memref<162x128xi32, #tpu.memory_space<vmem>> -> memref<1x128xi32, #tpu.memory_space<vmem>>
        %dma_wait3A_640 = tpu.memref_squeeze %dma_wait3A_639 : memref<1x128xi32, #tpu.memory_space<vmem>> -> memref<128xi32, #tpu.memory_space<vmem>>
        %dma_wait3A_641 = arith.constant 0 : i32
        %dma_wait3A_642 = arith.constant 0 : i32
        %dma_wait3A_643 = tpu.memref_slice %arg17[%dma_wait3A_641, %dma_wait3A_642] : memref<10112x16xf32, #tpu.memory_space<vmem_shared>> -> memref<10112x16xf32, #tpu.memory_space<vmem_shared>>
        tpu.wait_indirect_dma semaphore(%arg18 : memref<!tpu.dma_semaphore, #tpu.memory_space<semaphore_mem>>) src(%dma_wait3A_643 : memref<10112x16xf32, #tpu.memory_space<vmem_shared>>) dst(%arg10 : memref<128x16xf32, #tpu.memory_space<vmem>>)
        %sub3A = arith.constant 2 : i32
        %sub3A_644 = arith.subi %add3A_637, %sub3A : i32
        %dma_wait3A_645 = arith.constant 0 : i32
        %dma_wait3A_646 = tpu.memref_slice %arg9[%sub3A_644, %dma_wait3A_645] : memref<162x128xi32, #tpu.memory_space<vmem>> -> memref<1x128xi32, #tpu.memory_space<vmem>>
        %dma_wait3A_647 = tpu.memref_squeeze %dma_wait3A_646 : memref<1x128xi32, #tpu.memory_space<vmem>> -> memref<128xi32, #tpu.memory_space<vmem>>
        %dma_wait3A_648 = arith.constant 0 : i32
        %dma_wait3A_649 = arith.constant 0 : i32
        %dma_wait3A_650 = tpu.memref_slice %arg16[%dma_wait3A_648, %dma_wait3A_649] : memref<10112x16xf32, #tpu.memory_space<vmem_shared>> -> memref<10112x16xf32, #tpu.memory_space<vmem_shared>>
        tpu.wait_indirect_dma semaphore(%arg24 : memref<!tpu.dma_semaphore, #tpu.memory_space<semaphore_mem>>) src(%arg12 : memref<128x16xf32, #tpu.memory_space<vmem>>) dst(%dma_wait3A_650 : memref<10112x16xf32, #tpu.memory_space<vmem_shared>>)
        %add3A_651 = arith.constant 2 : i32
        %add3A_652 = arith.addi %add3A_637, %add3A_651 : i32
        %dma_start3A_653 = arith.constant 0 : i32
        %dma_start3A_654 = tpu.memref_slice %arg8[%add3A_652, %dma_start3A_653] : memref<162x128xi32, #tpu.memory_space<vmem>> -> memref<1x128xi32, #tpu.memory_space<vmem>>
        %dma_start3A_655 = tpu.memref_squeeze %dma_start3A_654 : memref<1x128xi32, #tpu.memory_space<vmem>> -> memref<128xi32, #tpu.memory_space<vmem>>
        %dma_start3A_656 = arith.constant 0 : i32
        %dma_start3A_657 = arith.constant 0 : i32
        %dma_start3A_658 = tpu.memref_slice %arg17[%dma_start3A_656, %dma_start3A_657] : memref<10112x16xf32, #tpu.memory_space<vmem_shared>> -> memref<10112x16xf32, #tpu.memory_space<vmem_shared>>
        tpu.enqueue_indirect_dma source(%dma_start3A_658 : memref<10112x16xf32, #tpu.memory_space<vmem_shared>>) target(%arg12 : memref<128x16xf32, #tpu.memory_space<vmem>>) offsets(%dma_start3A_655 : memref<128xi32, #tpu.memory_space<vmem>>) semaphore(%arg20 : memref<!tpu.dma_semaphore, #tpu.memory_space<semaphore_mem>>)
        %dma_start3A_659 = arith.constant 0 : i32
        %dma_start3A_660 = tpu.memref_slice %arg9[%add3A_637, %dma_start3A_659] : memref<162x128xi32, #tpu.memory_space<vmem>> -> memref<1x128xi32, #tpu.memory_space<vmem>>
        %dma_start3A_661 = tpu.memref_squeeze %dma_start3A_660 : memref<1x128xi32, #tpu.memory_space<vmem>> -> memref<128xi32, #tpu.memory_space<vmem>>
        %dma_start3A_662 = arith.constant 0 : i32
        %dma_start3A_663 = arith.constant 0 : i32
        %dma_start3A_664 = tpu.memref_slice %arg16[%dma_start3A_662, %dma_start3A_663] : memref<10112x16xf32, #tpu.memory_space<vmem_shared>> -> memref<10112x16xf32, #tpu.memory_space<vmem_shared>>
        tpu.enqueue_indirect_dma source(%arg10 : memref<128x16xf32, #tpu.memory_space<vmem>>) target(%dma_start3A_664 : memref<10112x16xf32, #tpu.memory_space<vmem_shared>>) offsets(%dma_start3A_661 : memref<128xi32, #tpu.memory_space<vmem>>) semaphore(%arg22 : memref<!tpu.dma_semaphore, #tpu.memory_space<semaphore_mem>>) {add = true}
        %add3A_665 = arith.constant 1 : i32
        %add3A_666 = arith.addi %mul3A_636, %add3A_665 : i32
        %dma_wait3A_667 = arith.constant 0 : i32
        %dma_wait3A_668 = tpu.memref_slice %arg8[%add3A_666, %dma_wait3A_667] : memref<162x128xi32, #tpu.memory_space<vmem>> -> memref<1x128xi32, #tpu.memory_space<vmem>>
        %dma_wait3A_669 = tpu.memref_squeeze %dma_wait3A_668 : memref<1x128xi32, #tpu.memory_space<vmem>> -> memref<128xi32, #tpu.memory_space<vmem>>
        %dma_wait3A_670 = arith.constant 0 : i32
        %dma_wait3A_671 = arith.constant 0 : i32
        %dma_wait3A_672 = tpu.memref_slice %arg17[%dma_wait3A_670, %dma_wait3A_671] : memref<10112x16xf32, #tpu.memory_space<vmem_shared>> -> memref<10112x16xf32, #tpu.memory_space<vmem_shared>>
        tpu.wait_indirect_dma semaphore(%arg19 : memref<!tpu.dma_semaphore, #tpu.memory_space<semaphore_mem>>) src(%dma_wait3A_672 : memref<10112x16xf32, #tpu.memory_space<vmem_shared>>) dst(%arg11 : memref<128x16xf32, #tpu.memory_space<vmem>>)
        %sub3A_673 = arith.constant 2 : i32
        %sub3A_674 = arith.subi %add3A_666, %sub3A_673 : i32
        %dma_wait3A_675 = arith.constant 0 : i32
        %dma_wait3A_676 = tpu.memref_slice %arg9[%sub3A_674, %dma_wait3A_675] : memref<162x128xi32, #tpu.memory_space<vmem>> -> memref<1x128xi32, #tpu.memory_space<vmem>>
        %dma_wait3A_677 = tpu.memref_squeeze %dma_wait3A_676 : memref<1x128xi32, #tpu.memory_space<vmem>> -> memref<128xi32, #tpu.memory_space<vmem>>
        %dma_wait3A_678 = arith.constant 0 : i32
        %dma_wait3A_679 = arith.constant 0 : i32
        %dma_wait3A_680 = tpu.memref_slice %arg16[%dma_wait3A_678, %dma_wait3A_679] : memref<10112x16xf32, #tpu.memory_space<vmem_shared>> -> memref<10112x16xf32, #tpu.memory_space<vmem_shared>>
        tpu.wait_indirect_dma semaphore(%arg25 : memref<!tpu.dma_semaphore, #tpu.memory_space<semaphore_mem>>) src(%arg13 : memref<128x16xf32, #tpu.memory_space<vmem>>) dst(%dma_wait3A_680 : memref<10112x16xf32, #tpu.memory_space<vmem_shared>>)
        %add3A_681 = arith.constant 2 : i32
        %add3A_682 = arith.addi %add3A_666, %add3A_681 : i32
        %dma_start3A_683 = arith.constant 0 : i32
        %dma_start3A_684 = tpu.memref_slice %arg8[%add3A_682, %dma_start3A_683] : memref<162x128xi32, #tpu.memory_space<vmem>> -> memref<1x128xi32, #tpu.memory_space<vmem>>
        %dma_start3A_685 = tpu.memref_squeeze %dma_start3A_684 : memref<1x128xi32, #tpu.memory_space<vmem>> -> memref<128xi32, #tpu.memory_space<vmem>>
        %dma_start3A_686 = arith.constant 0 : i32
        %dma_start3A_687 = arith.constant 0 : i32
        %dma_start3A_688 = tpu.memref_slice %arg17[%dma_start3A_686, %dma_start3A_687] : memref<10112x16xf32, #tpu.memory_space<vmem_shared>> -> memref<10112x16xf32, #tpu.memory_space<vmem_shared>>
        tpu.enqueue_indirect_dma source(%dma_start3A_688 : memref<10112x16xf32, #tpu.memory_space<vmem_shared>>) target(%arg13 : memref<128x16xf32, #tpu.memory_space<vmem>>) offsets(%dma_start3A_685 : memref<128xi32, #tpu.memory_space<vmem>>) semaphore(%arg21 : memref<!tpu.dma_semaphore, #tpu.memory_space<semaphore_mem>>)
        %dma_start3A_689 = arith.constant 0 : i32
        %dma_start3A_690 = tpu.memref_slice %arg9[%add3A_666, %dma_start3A_689] : memref<162x128xi32, #tpu.memory_space<vmem>> -> memref<1x128xi32, #tpu.memory_space<vmem>>
        %dma_start3A_691 = tpu.memref_squeeze %dma_start3A_690 : memref<1x128xi32, #tpu.memory_space<vmem>> -> memref<128xi32, #tpu.memory_space<vmem>>
        %dma_start3A_692 = arith.constant 0 : i32
        %dma_start3A_693 = arith.constant 0 : i32
        %dma_start3A_694 = tpu.memref_slice %arg16[%dma_start3A_692, %dma_start3A_693] : memref<10112x16xf32, #tpu.memory_space<vmem_shared>> -> memref<10112x16xf32, #tpu.memory_space<vmem_shared>>
        tpu.enqueue_indirect_dma source(%arg11 : memref<128x16xf32, #tpu.memory_space<vmem>>) target(%dma_start3A_694 : memref<10112x16xf32, #tpu.memory_space<vmem_shared>>) offsets(%dma_start3A_691 : memref<128xi32, #tpu.memory_space<vmem>>) semaphore(%arg23 : memref<!tpu.dma_semaphore, #tpu.memory_space<semaphore_mem>>) {add = true}
        %add3A_695 = arith.constant 2 : i32
        %add3A_696 = arith.addi %mul3A_636, %add3A_695 : i32
        %dma_wait3A_697 = arith.constant 0 : i32
        %dma_wait3A_698 = tpu.memref_slice %arg8[%add3A_696, %dma_wait3A_697] : memref<162x128xi32, #tpu.memory_space<vmem>> -> memref<1x128xi32, #tpu.memory_space<vmem>>
        %dma_wait3A_699 = tpu.memref_squeeze %dma_wait3A_698 : memref<1x128xi32, #tpu.memory_space<vmem>> -> memref<128xi32, #tpu.memory_space<vmem>>
        %dma_wait3A_700 = arith.constant 0 : i32
        %dma_wait3A_701 = arith.constant 0 : i32
        %dma_wait3A_702 = tpu.memref_slice %arg17[%dma_wait3A_700, %dma_wait3A_701] : memref<10112x16xf32, #tpu.memory_space<vmem_shared>> -> memref<10112x16xf32, #tpu.memory_space<vmem_shared>>
        tpu.wait_indirect_dma semaphore(%arg20 : memref<!tpu.dma_semaphore, #tpu.memory_space<semaphore_mem>>) src(%dma_wait3A_702 : memref<10112x16xf32, #tpu.memory_space<vmem_shared>>) dst(%arg12 : memref<128x16xf32, #tpu.memory_space<vmem>>)
        %sub3A_703 = arith.constant 2 : i32
        %sub3A_704 = arith.subi %add3A_696, %sub3A_703 : i32
        %dma_wait3A_705 = arith.constant 0 : i32
        %dma_wait3A_706 = tpu.memref_slice %arg9[%sub3A_704, %dma_wait3A_705] : memref<162x128xi32, #tpu.memory_space<vmem>> -> memref<1x128xi32, #tpu.memory_space<vmem>>
        %dma_wait3A_707 = tpu.memref_squeeze %dma_wait3A_706 : memref<1x128xi32, #tpu.memory_space<vmem>> -> memref<128xi32, #tpu.memory_space<vmem>>
        %dma_wait3A_708 = arith.constant 0 : i32
        %dma_wait3A_709 = arith.constant 0 : i32
        %dma_wait3A_710 = tpu.memref_slice %arg16[%dma_wait3A_708, %dma_wait3A_709] : memref<10112x16xf32, #tpu.memory_space<vmem_shared>> -> memref<10112x16xf32, #tpu.memory_space<vmem_shared>>
        tpu.wait_indirect_dma semaphore(%arg22 : memref<!tpu.dma_semaphore, #tpu.memory_space<semaphore_mem>>) src(%arg10 : memref<128x16xf32, #tpu.memory_space<vmem>>) dst(%dma_wait3A_710 : memref<10112x16xf32, #tpu.memory_space<vmem_shared>>)
        %add3A_711 = arith.constant 2 : i32
        %add3A_712 = arith.addi %add3A_696, %add3A_711 : i32
        %dma_start3A_713 = arith.constant 0 : i32
        %dma_start3A_714 = tpu.memref_slice %arg8[%add3A_712, %dma_start3A_713] : memref<162x128xi32, #tpu.memory_space<vmem>> -> memref<1x128xi32, #tpu.memory_space<vmem>>
        %dma_start3A_715 = tpu.memref_squeeze %dma_start3A_714 : memref<1x128xi32, #tpu.memory_space<vmem>> -> memref<128xi32, #tpu.memory_space<vmem>>
        %dma_start3A_716 = arith.constant 0 : i32
        %dma_start3A_717 = arith.constant 0 : i32
        %dma_start3A_718 = tpu.memref_slice %arg17[%dma_start3A_716, %dma_start3A_717] : memref<10112x16xf32, #tpu.memory_space<vmem_shared>> -> memref<10112x16xf32, #tpu.memory_space<vmem_shared>>
        tpu.enqueue_indirect_dma source(%dma_start3A_718 : memref<10112x16xf32, #tpu.memory_space<vmem_shared>>) target(%arg10 : memref<128x16xf32, #tpu.memory_space<vmem>>) offsets(%dma_start3A_715 : memref<128xi32, #tpu.memory_space<vmem>>) semaphore(%arg18 : memref<!tpu.dma_semaphore, #tpu.memory_space<semaphore_mem>>)
        %dma_start3A_719 = arith.constant 0 : i32
        %dma_start3A_720 = tpu.memref_slice %arg9[%add3A_696, %dma_start3A_719] : memref<162x128xi32, #tpu.memory_space<vmem>> -> memref<1x128xi32, #tpu.memory_space<vmem>>
        %dma_start3A_721 = tpu.memref_squeeze %dma_start3A_720 : memref<1x128xi32, #tpu.memory_space<vmem>> -> memref<128xi32, #tpu.memory_space<vmem>>
        %dma_start3A_722 = arith.constant 0 : i32
        %dma_start3A_723 = arith.constant 0 : i32
        %dma_start3A_724 = tpu.memref_slice %arg16[%dma_start3A_722, %dma_start3A_723] : memref<10112x16xf32, #tpu.memory_space<vmem_shared>> -> memref<10112x16xf32, #tpu.memory_space<vmem_shared>>
        tpu.enqueue_indirect_dma source(%arg12 : memref<128x16xf32, #tpu.memory_space<vmem>>) target(%dma_start3A_724 : memref<10112x16xf32, #tpu.memory_space<vmem_shared>>) offsets(%dma_start3A_721 : memref<128xi32, #tpu.memory_space<vmem>>) semaphore(%arg24 : memref<!tpu.dma_semaphore, #tpu.memory_space<semaphore_mem>>) {add = true}
        %add3A_725 = arith.constant 3 : i32
        %add3A_726 = arith.addi %mul3A_636, %add3A_725 : i32
        %dma_wait3A_727 = arith.constant 0 : i32
        %dma_wait3A_728 = tpu.memref_slice %arg8[%add3A_726, %dma_wait3A_727] : memref<162x128xi32, #tpu.memory_space<vmem>> -> memref<1x128xi32, #tpu.memory_space<vmem>>
        %dma_wait3A_729 = tpu.memref_squeeze %dma_wait3A_728 : memref<1x128xi32, #tpu.memory_space<vmem>> -> memref<128xi32, #tpu.memory_space<vmem>>
        %dma_wait3A_730 = arith.constant 0 : i32
        %dma_wait3A_731 = arith.constant 0 : i32
        %dma_wait3A_732 = tpu.memref_slice %arg17[%dma_wait3A_730, %dma_wait3A_731] : memref<10112x16xf32, #tpu.memory_space<vmem_shared>> -> memref<10112x16xf32, #tpu.memory_space<vmem_shared>>
        tpu.wait_indirect_dma semaphore(%arg21 : memref<!tpu.dma_semaphore, #tpu.memory_space<semaphore_mem>>) src(%dma_wait3A_732 : memref<10112x16xf32, #tpu.memory_space<vmem_shared>>) dst(%arg13 : memref<128x16xf32, #tpu.memory_space<vmem>>)
        %sub3A_733 = arith.constant 2 : i32
        %sub3A_734 = arith.subi %add3A_726, %sub3A_733 : i32
        %dma_wait3A_735 = arith.constant 0 : i32
        %dma_wait3A_736 = tpu.memref_slice %arg9[%sub3A_734, %dma_wait3A_735] : memref<162x128xi32, #tpu.memory_space<vmem>> -> memref<1x128xi32, #tpu.memory_space<vmem>>
        %dma_wait3A_737 = tpu.memref_squeeze %dma_wait3A_736 : memref<1x128xi32, #tpu.memory_space<vmem>> -> memref<128xi32, #tpu.memory_space<vmem>>
        %dma_wait3A_738 = arith.constant 0 : i32
        %dma_wait3A_739 = arith.constant 0 : i32
        %dma_wait3A_740 = tpu.memref_slice %arg16[%dma_wait3A_738, %dma_wait3A_739] : memref<10112x16xf32, #tpu.memory_space<vmem_shared>> -> memref<10112x16xf32, #tpu.memory_space<vmem_shared>>
        tpu.wait_indirect_dma semaphore(%arg23 : memref<!tpu.dma_semaphore, #tpu.memory_space<semaphore_mem>>) src(%arg11 : memref<128x16xf32, #tpu.memory_space<vmem>>) dst(%dma_wait3A_740 : memref<10112x16xf32, #tpu.memory_space<vmem_shared>>)
        %add3A_741 = arith.constant 2 : i32
        %add3A_742 = arith.addi %add3A_726, %add3A_741 : i32
        %dma_start3A_743 = arith.constant 0 : i32
        %dma_start3A_744 = tpu.memref_slice %arg8[%add3A_742, %dma_start3A_743] : memref<162x128xi32, #tpu.memory_space<vmem>> -> memref<1x128xi32, #tpu.memory_space<vmem>>
        %dma_start3A_745 = tpu.memref_squeeze %dma_start3A_744 : memref<1x128xi32, #tpu.memory_space<vmem>> -> memref<128xi32, #tpu.memory_space<vmem>>
        %dma_start3A_746 = arith.constant 0 : i32
        %dma_start3A_747 = arith.constant 0 : i32
        %dma_start3A_748 = tpu.memref_slice %arg17[%dma_start3A_746, %dma_start3A_747] : memref<10112x16xf32, #tpu.memory_space<vmem_shared>> -> memref<10112x16xf32, #tpu.memory_space<vmem_shared>>
        tpu.enqueue_indirect_dma source(%dma_start3A_748 : memref<10112x16xf32, #tpu.memory_space<vmem_shared>>) target(%arg11 : memref<128x16xf32, #tpu.memory_space<vmem>>) offsets(%dma_start3A_745 : memref<128xi32, #tpu.memory_space<vmem>>) semaphore(%arg19 : memref<!tpu.dma_semaphore, #tpu.memory_space<semaphore_mem>>)
        %dma_start3A_749 = arith.constant 0 : i32
        %dma_start3A_750 = tpu.memref_slice %arg9[%add3A_726, %dma_start3A_749] : memref<162x128xi32, #tpu.memory_space<vmem>> -> memref<1x128xi32, #tpu.memory_space<vmem>>
        %dma_start3A_751 = tpu.memref_squeeze %dma_start3A_750 : memref<1x128xi32, #tpu.memory_space<vmem>> -> memref<128xi32, #tpu.memory_space<vmem>>
        %dma_start3A_752 = arith.constant 0 : i32
        %dma_start3A_753 = arith.constant 0 : i32
        %dma_start3A_754 = tpu.memref_slice %arg16[%dma_start3A_752, %dma_start3A_753] : memref<10112x16xf32, #tpu.memory_space<vmem_shared>> -> memref<10112x16xf32, #tpu.memory_space<vmem_shared>>
        tpu.enqueue_indirect_dma source(%arg13 : memref<128x16xf32, #tpu.memory_space<vmem>>) target(%dma_start3A_754 : memref<10112x16xf32, #tpu.memory_space<vmem_shared>>) offsets(%dma_start3A_751 : memref<128xi32, #tpu.memory_space<vmem>>) semaphore(%arg25 : memref<!tpu.dma_semaphore, #tpu.memory_space<semaphore_mem>>) {add = true}
      }
      %scan3A_286 = arith.constant 39 : i32
      %dma_wait3A_287 = arith.constant 160 : i32
      %dma_wait3A_288 = arith.constant 0 : i32
      %dma_wait3A_289 = tpu.memref_slice %arg8[%dma_wait3A_287, %dma_wait3A_288] : memref<162x128xi32, #tpu.memory_space<vmem>> -> memref<1x128xi32, #tpu.memory_space<vmem>>
      %dma_wait3A_290 = tpu.memref_squeeze %dma_wait3A_289 : memref<1x128xi32, #tpu.memory_space<vmem>> -> memref<128xi32, #tpu.memory_space<vmem>>
      %dma_wait3A_291 = arith.constant 0 : i32
      %dma_wait3A_292 = arith.constant 0 : i32
      %dma_wait3A_293 = tpu.memref_slice %arg17[%dma_wait3A_291, %dma_wait3A_292] : memref<10112x16xf32, #tpu.memory_space<vmem_shared>> -> memref<10112x16xf32, #tpu.memory_space<vmem_shared>>
      tpu.wait_indirect_dma semaphore(%arg18 : memref<!tpu.dma_semaphore, #tpu.memory_space<semaphore_mem>>) src(%dma_wait3A_293 : memref<10112x16xf32, #tpu.memory_space<vmem_shared>>) dst(%arg10 : memref<128x16xf32, #tpu.memory_space<vmem>>)
      %dma_wait3A_294 = arith.constant 161 : i32
      %dma_wait3A_295 = arith.constant 0 : i32
      %dma_wait3A_296 = tpu.memref_slice %arg8[%dma_wait3A_294, %dma_wait3A_295] : memref<162x128xi32, #tpu.memory_space<vmem>> -> memref<1x128xi32, #tpu.memory_space<vmem>>
      %dma_wait3A_297 = tpu.memref_squeeze %dma_wait3A_296 : memref<1x128xi32, #tpu.memory_space<vmem>> -> memref<128xi32, #tpu.memory_space<vmem>>
      %dma_wait3A_298 = arith.constant 0 : i32
      %dma_wait3A_299 = arith.constant 0 : i32
      %dma_wait3A_300 = tpu.memref_slice %arg17[%dma_wait3A_298, %dma_wait3A_299] : memref<10112x16xf32, #tpu.memory_space<vmem_shared>> -> memref<10112x16xf32, #tpu.memory_space<vmem_shared>>
      tpu.wait_indirect_dma semaphore(%arg19 : memref<!tpu.dma_semaphore, #tpu.memory_space<semaphore_mem>>) src(%dma_wait3A_300 : memref<10112x16xf32, #tpu.memory_space<vmem_shared>>) dst(%arg11 : memref<128x16xf32, #tpu.memory_space<vmem>>)
      %dma_wait3A_301 = arith.constant 158 : i32
      %dma_wait3A_302 = arith.constant 0 : i32
      %dma_wait3A_303 = tpu.memref_slice %arg9[%dma_wait3A_301, %dma_wait3A_302] : memref<162x128xi32, #tpu.memory_space<vmem>> -> memref<1x128xi32, #tpu.memory_space<vmem>>
      %dma_wait3A_304 = tpu.memref_squeeze %dma_wait3A_303 : memref<1x128xi32, #tpu.memory_space<vmem>> -> memref<128xi32, #tpu.memory_space<vmem>>
      %dma_wait3A_305 = arith.constant 0 : i32
      %dma_wait3A_306 = arith.constant 0 : i32
      %dma_wait3A_307 = tpu.memref_slice %arg16[%dma_wait3A_305, %dma_wait3A_306] : memref<10112x16xf32, #tpu.memory_space<vmem_shared>> -> memref<10112x16xf32, #tpu.memory_space<vmem_shared>>
      tpu.wait_indirect_dma semaphore(%arg24 : memref<!tpu.dma_semaphore, #tpu.memory_space<semaphore_mem>>) src(%arg12 : memref<128x16xf32, #tpu.memory_space<vmem>>) dst(%dma_wait3A_307 : memref<10112x16xf32, #tpu.memory_space<vmem_shared>>)
      %dma_wait3A_308 = arith.constant 159 : i32
      %dma_wait3A_309 = arith.constant 0 : i32
      %dma_wait3A_310 = tpu.memref_slice %arg9[%dma_wait3A_308, %dma_wait3A_309] : memref<162x128xi32, #tpu.memory_space<vmem>> -> memref<1x128xi32, #tpu.memory_space<vmem>>
      %dma_wait3A_311 = tpu.memref_squeeze %dma_wait3A_310 : memref<1x128xi32, #tpu.memory_space<vmem>> -> memref<128xi32, #tpu.memory_space<vmem>>
      %dma_wait3A_312 = arith.constant 0 : i32
      %dma_wait3A_313 = arith.constant 0 : i32
      %dma_wait3A_314 = tpu.memref_slice %arg16[%dma_wait3A_312, %dma_wait3A_313] : memref<10112x16xf32, #tpu.memory_space<vmem_shared>> -> memref<10112x16xf32, #tpu.memory_space<vmem_shared>>
      tpu.wait_indirect_dma semaphore(%arg25 : memref<!tpu.dma_semaphore, #tpu.memory_space<semaphore_mem>>) src(%arg13 : memref<128x16xf32, #tpu.memory_space<vmem>>) dst(%dma_wait3A_314 : memref<10112x16xf32, #tpu.memory_space<vmem_shared>>)
      %barrier3A_315 = arith.constant 0 : index
      tpu.barrier barrier_id(%barrier3A_315)
      %mul3A_316 = arith.constant 624 : i32
      %mul3A_317 = arith.muli %arg1, %mul3A_316 : i32
      "tpu.region"() ({
        %run_scoped3A = tpu.sem_alloc : memref<!tpu.dma_semaphore, #tpu.memory_space<semaphore_mem>>
        %dma_start3A_634 = arith.constant 0 : i32
        %dma_start3A_635 = arith.constant 0 : i32
        %dma_start3A_636 = tpu.memref_slice %arg15[%dma_start3A_634, %dma_start3A_635] : memref<632x16xf32, #tpu.memory_space<vmem>> -> memref<624x16xf32, #tpu.memory_space<vmem>>
        %dma_start3A_637 = arith.constant 0 : i32
        %dma_start3A_638 = tpu.memref_slice %arg16[%mul3A_317, %dma_start3A_637] : memref<10112x16xf32, #tpu.memory_space<vmem_shared>> -> memref<624x16xf32, #tpu.memory_space<vmem_shared>>
        %dma_start3A_639 = arith.constant 0 : i32
        %dma_start3A_640 = arith.constant 0 : i32
        %dma_start3A_641 = tpu.memref_slice %arg15[%dma_start3A_639, %dma_start3A_640] : memref<632x16xf32, #tpu.memory_space<vmem>> -> memref<624x16xf32, #tpu.memory_space<vmem>>
        %dma_start3A_642 = arith.constant 0 : i32
        %dma_start3A_643 = tpu.memref_slice %arg16[%mul3A_317, %dma_start3A_642] : memref<10112x16xf32, #tpu.memory_space<vmem_shared>> -> memref<624x16xf32, #tpu.memory_space<vmem_shared>>
        tpu.enqueue_dma source(%dma_start3A_643 : memref<624x16xf32, #tpu.memory_space<vmem_shared>>) target(%dma_start3A_641 : memref<624x16xf32, #tpu.memory_space<vmem>>) target_semaphore(%run_scoped3A : memref<!tpu.dma_semaphore, #tpu.memory_space<semaphore_mem>>)
        %dma_wait3A_644 = arith.constant 0 : i32
        %dma_wait3A_645 = arith.constant 0 : i32
        %dma_wait3A_646 = tpu.memref_slice %arg15[%dma_wait3A_644, %dma_wait3A_645] : memref<632x16xf32, #tpu.memory_space<vmem>> -> memref<624x16xf32, #tpu.memory_space<vmem>>
        %dma_wait3A_647 = arith.constant 0 : i32
        %dma_wait3A_648 = tpu.memref_slice %arg16[%mul3A_317, %dma_wait3A_647] : memref<10112x16xf32, #tpu.memory_space<vmem_shared>> -> memref<624x16xf32, #tpu.memory_space<vmem_shared>>
        %dma_wait3A_649 = arith.constant 0 : i32
        %dma_wait3A_650 = arith.constant 0 : i32
        %dma_wait3A_651 = tpu.memref_slice %arg15[%dma_wait3A_649, %dma_wait3A_650] : memref<632x16xf32, #tpu.memory_space<vmem>> -> memref<624x16xf32, #tpu.memory_space<vmem>>
        %dma_wait3A_652 = arith.constant 0 : i32
        %dma_wait3A_653 = tpu.memref_slice %arg16[%mul3A_317, %dma_wait3A_652] : memref<10112x16xf32, #tpu.memory_space<vmem_shared>> -> memref<624x16xf32, #tpu.memory_space<vmem_shared>>
        tpu.wait_dma2 semaphore(%run_scoped3A : memref<!tpu.dma_semaphore, #tpu.memory_space<semaphore_mem>>) src(%dma_wait3A_653 : memref<624x16xf32, #tpu.memory_space<vmem_shared>>) dst(%dma_wait3A_651 : memref<624x16xf32, #tpu.memory_space<vmem>>)
        tpu.yield
      }) : () -> ()
      %mul3A_318 = arith.constant 624 : i32
      %mul3A_319 = arith.muli %arg1, %mul3A_318 : i32
      "tpu.region"() ({
        %run_scoped3A = tpu.sem_alloc : memref<!tpu.dma_semaphore, #tpu.memory_space<semaphore_mem>>
        %dma_start3A_634 = arith.constant 0 : i32
        %dma_start3A_635 = arith.constant 0 : i32
        %dma_start3A_636 = tpu.memref_slice %arg15[%dma_start3A_634, %dma_start3A_635] : memref<632x16xf32, #tpu.memory_space<vmem>> -> memref<624x16xf32, #tpu.memory_space<vmem>>
        %dma_start3A_637 = arith.constant 0 : i32
        %dma_start3A_638 = tpu.memref_slice %arg6[%mul3A_319, %dma_start3A_637] : memref<10000x16xf32, #tpu.memory_space<hbm>> -> memref<624x16xf32, #tpu.memory_space<hbm>>
        %dma_start3A_639 = arith.constant 0 : i32
        %dma_start3A_640 = tpu.memref_slice %arg6[%mul3A_319, %dma_start3A_639] : memref<10000x16xf32, #tpu.memory_space<hbm>> -> memref<624x16xf32, #tpu.memory_space<hbm>>
        %dma_start3A_641 = arith.constant 0 : i32
        %dma_start3A_642 = arith.constant 0 : i32
        %dma_start3A_643 = tpu.memref_slice %arg15[%dma_start3A_641, %dma_start3A_642] : memref<632x16xf32, #tpu.memory_space<vmem>> -> memref<624x16xf32, #tpu.memory_space<vmem>>
        tpu.enqueue_dma source(%dma_start3A_643 : memref<624x16xf32, #tpu.memory_space<vmem>>) target(%dma_start3A_640 : memref<624x16xf32, #tpu.memory_space<hbm>>) target_semaphore(%run_scoped3A : memref<!tpu.dma_semaphore, #tpu.memory_space<semaphore_mem>>)
        %dma_wait3A_644 = arith.constant 0 : i32
        %dma_wait3A_645 = arith.constant 0 : i32
        %dma_wait3A_646 = tpu.memref_slice %arg15[%dma_wait3A_644, %dma_wait3A_645] : memref<632x16xf32, #tpu.memory_space<vmem>> -> memref<624x16xf32, #tpu.memory_space<vmem>>
        %dma_wait3A_647 = arith.constant 0 : i32
        %dma_wait3A_648 = tpu.memref_slice %arg6[%mul3A_319, %dma_wait3A_647] : memref<10000x16xf32, #tpu.memory_space<hbm>> -> memref<624x16xf32, #tpu.memory_space<hbm>>
        %dma_wait3A_649 = arith.constant 0 : i32
        %dma_wait3A_650 = tpu.memref_slice %arg6[%mul3A_319, %dma_wait3A_649] : memref<10000x16xf32, #tpu.memory_space<hbm>> -> memref<624x16xf32, #tpu.memory_space<hbm>>
        %dma_wait3A_651 = arith.constant 0 : i32
        %dma_wait3A_652 = arith.constant 0 : i32
        %dma_wait3A_653 = tpu.memref_slice %arg15[%dma_wait3A_651, %dma_wait3A_652] : memref<632x16xf32, #tpu.memory_space<vmem>> -> memref<624x16xf32, #tpu.memory_space<vmem>>
        tpu.wait_dma2 semaphore(%run_scoped3A : memref<!tpu.dma_semaphore, #tpu.memory_space<semaphore_mem>>) src(%dma_wait3A_653 : memref<624x16xf32, #tpu.memory_space<vmem>>) dst(%dma_wait3A_650 : memref<624x16xf32, #tpu.memory_space<hbm>>)
        tpu.yield
      }) : () -> ()
      %eq3A_320 = arith.constant 0 : i32
      %eq3A_321 = arith.cmpi eq, %arg1, %eq3A_320 : i32
      %convert_element_type3A_322 = arith.extui %eq3A_321 : i1 to i32
      %cond3A_323 = arith.constant 0 : i32
      %cond3A_324 = arith.cmpi ne, %convert_element_type3A_322, %cond3A_323 : i32
      scf.if %cond3A_324 {
        "tpu.region"() ({
          %run_scoped3A = tpu.sem_alloc : memref<!tpu.dma_semaphore, #tpu.memory_space<semaphore_mem>>
          %dma_start3A_634 = arith.constant 0 : i32
          %dma_start3A_635 = arith.constant 0 : i32
          %dma_start3A_636 = tpu.memref_slice %arg15[%dma_start3A_634, %dma_start3A_635] : memref<632x16xf32, #tpu.memory_space<vmem>> -> memref<16x16xf32, #tpu.memory_space<vmem>>
          %dma_start3A_637 = arith.constant 9984 : i32
          %dma_start3A_638 = arith.constant 0 : i32
          %dma_start3A_639 = tpu.memref_slice %arg16[%dma_start3A_637, %dma_start3A_638] : memref<10112x16xf32, #tpu.memory_space<vmem_shared>> -> memref<16x16xf32, #tpu.memory_space<vmem_shared>>
          %dma_start3A_640 = arith.constant 0 : i32
          %dma_start3A_641 = arith.constant 0 : i32
          %dma_start3A_642 = tpu.memref_slice %arg15[%dma_start3A_640, %dma_start3A_641] : memref<632x16xf32, #tpu.memory_space<vmem>> -> memref<16x16xf32, #tpu.memory_space<vmem>>
          %dma_start3A_643 = arith.constant 9984 : i32
          %dma_start3A_644 = arith.constant 0 : i32
          %dma_start3A_645 = tpu.memref_slice %arg16[%dma_start3A_643, %dma_start3A_644] : memref<10112x16xf32, #tpu.memory_space<vmem_shared>> -> memref<16x16xf32, #tpu.memory_space<vmem_shared>>
          tpu.enqueue_dma source(%dma_start3A_645 : memref<16x16xf32, #tpu.memory_space<vmem_shared>>) target(%dma_start3A_642 : memref<16x16xf32, #tpu.memory_space<vmem>>) target_semaphore(%run_scoped3A : memref<!tpu.dma_semaphore, #tpu.memory_space<semaphore_mem>>)
          %dma_wait3A_646 = arith.constant 0 : i32
          %dma_wait3A_647 = arith.constant 0 : i32
          %dma_wait3A_648 = tpu.memref_slice %arg15[%dma_wait3A_646, %dma_wait3A_647] : memref<632x16xf32, #tpu.memory_space<vmem>> -> memref<16x16xf32, #tpu.memory_space<vmem>>
          %dma_wait3A_649 = arith.constant 9984 : i32
          %dma_wait3A_650 = arith.constant 0 : i32
          %dma_wait3A_651 = tpu.memref_slice %arg16[%dma_wait3A_649, %dma_wait3A_650] : memref<10112x16xf32, #tpu.memory_space<vmem_shared>> -> memref<16x16xf32, #tpu.memory_space<vmem_shared>>
          %dma_wait3A_652 = arith.constant 0 : i32
          %dma_wait3A_653 = arith.constant 0 : i32
          %dma_wait3A_654 = tpu.memref_slice %arg15[%dma_wait3A_652, %dma_wait3A_653] : memref<632x16xf32, #tpu.memory_space<vmem>> -> memref<16x16xf32, #tpu.memory_space<vmem>>
          %dma_wait3A_655 = arith.constant 9984 : i32
          %dma_wait3A_656 = arith.constant 0 : i32
          %dma_wait3A_657 = tpu.memref_slice %arg16[%dma_wait3A_655, %dma_wait3A_656] : memref<10112x16xf32, #tpu.memory_space<vmem_shared>> -> memref<16x16xf32, #tpu.memory_space<vmem_shared>>
          tpu.wait_dma2 semaphore(%run_scoped3A : memref<!tpu.dma_semaphore, #tpu.memory_space<semaphore_mem>>) src(%dma_wait3A_657 : memref<16x16xf32, #tpu.memory_space<vmem_shared>>) dst(%dma_wait3A_654 : memref<16x16xf32, #tpu.memory_space<vmem>>)
          tpu.yield
        }) : () -> ()
        "tpu.region"() ({
          %run_scoped3A = tpu.sem_alloc : memref<!tpu.dma_semaphore, #tpu.memory_space<semaphore_mem>>
          %dma_start3A_634 = arith.constant 0 : i32
          %dma_start3A_635 = arith.constant 0 : i32
          %dma_start3A_636 = tpu.memref_slice %arg15[%dma_start3A_634, %dma_start3A_635] : memref<632x16xf32, #tpu.memory_space<vmem>> -> memref<16x16xf32, #tpu.memory_space<vmem>>
          %dma_start3A_637 = arith.constant 9984 : i32
          %dma_start3A_638 = arith.constant 0 : i32
          %dma_start3A_639 = tpu.memref_slice %arg6[%dma_start3A_637, %dma_start3A_638] : memref<10000x16xf32, #tpu.memory_space<hbm>> -> memref<16x16xf32, #tpu.memory_space<hbm>>
          %dma_start3A_640 = arith.constant 9984 : i32
          %dma_start3A_641 = arith.constant 0 : i32
          %dma_start3A_642 = tpu.memref_slice %arg6[%dma_start3A_640, %dma_start3A_641] : memref<10000x16xf32, #tpu.memory_space<hbm>> -> memref<16x16xf32, #tpu.memory_space<hbm>>
          %dma_start3A_643 = arith.constant 0 : i32
          %dma_start3A_644 = arith.constant 0 : i32
          %dma_start3A_645 = tpu.memref_slice %arg15[%dma_start3A_643, %dma_start3A_644] : memref<632x16xf32, #tpu.memory_space<vmem>> -> memref<16x16xf32, #tpu.memory_space<vmem>>
          tpu.enqueue_dma source(%dma_start3A_645 : memref<16x16xf32, #tpu.memory_space<vmem>>) target(%dma_start3A_642 : memref<16x16xf32, #tpu.memory_space<hbm>>) target_semaphore(%run_scoped3A : memref<!tpu.dma_semaphore, #tpu.memory_space<semaphore_mem>>)
          %dma_wait3A_646 = arith.constant 0 : i32
          %dma_wait3A_647 = arith.constant 0 : i32
          %dma_wait3A_648 = tpu.memref_slice %arg15[%dma_wait3A_646, %dma_wait3A_647] : memref<632x16xf32, #tpu.memory_space<vmem>> -> memref<16x16xf32, #tpu.memory_space<vmem>>
          %dma_wait3A_649 = arith.constant 9984 : i32
          %dma_wait3A_650 = arith.constant 0 : i32
          %dma_wait3A_651 = tpu.memref_slice %arg6[%dma_wait3A_649, %dma_wait3A_650] : memref<10000x16xf32, #tpu.memory_space<hbm>> -> memref<16x16xf32, #tpu.memory_space<hbm>>
          %dma_wait3A_652 = arith.constant 9984 : i32
          %dma_wait3A_653 = arith.constant 0 : i32
          %dma_wait3A_654 = tpu.memref_slice %arg6[%dma_wait3A_652, %dma_wait3A_653] : memref<10000x16xf32, #tpu.memory_space<hbm>> -> memref<16x16xf32, #tpu.memory_space<hbm>>
          %dma_wait3A_655 = arith.constant 0 : i32
          %dma_wait3A_656 = arith.constant 0 : i32
          %dma_wait3A_657 = tpu.memref_slice %arg15[%dma_wait3A_655, %dma_wait3A_656] : memref<632x16xf32, #tpu.memory_space<vmem>> -> memref<16x16xf32, #tpu.memory_space<vmem>>
          tpu.wait_dma2 semaphore(%run_scoped3A : memref<!tpu.dma_semaphore, #tpu.memory_space<semaphore_mem>>) src(%dma_wait3A_657 : memref<16x16xf32, #tpu.memory_space<vmem>>) dst(%dma_wait3A_654 : memref<16x16xf32, #tpu.memory_space<hbm>>)
          tpu.yield
        }) : () -> ()
      } else {
      }
      %mul3A_325 = arith.constant 632 : i32
      %mul3A_326 = arith.muli %arg1, %mul3A_325 : i32
      "tpu.region"() ({
        %run_scoped3A = tpu.sem_alloc : memref<!tpu.dma_semaphore, #tpu.memory_space<semaphore_mem>>
        %dma_start3A_634 = arith.constant 0 : i32
        %dma_start3A_635 = tpu.memref_slice %arg17[%mul3A_326, %dma_start3A_634] : memref<10112x16xf32, #tpu.memory_space<vmem_shared>> -> memref<632x16xf32, #tpu.memory_space<vmem_shared>>
        %dma_start3A_636 = arith.constant 0 : i32
        %dma_start3A_637 = tpu.memref_slice %arg17[%mul3A_326, %dma_start3A_636] : memref<10112x16xf32, #tpu.memory_space<vmem_shared>> -> memref<632x16xf32, #tpu.memory_space<vmem_shared>>
        tpu.enqueue_dma source(%arg14 : memref<632x16xf32, #tpu.memory_space<vmem>>) target(%dma_start3A_637 : memref<632x16xf32, #tpu.memory_space<vmem_shared>>) target_semaphore(%run_scoped3A : memref<!tpu.dma_semaphore, #tpu.memory_space<semaphore_mem>>)
        %dma_wait3A_638 = arith.constant 0 : i32
        %dma_wait3A_639 = tpu.memref_slice %arg17[%mul3A_326, %dma_wait3A_638] : memref<10112x16xf32, #tpu.memory_space<vmem_shared>> -> memref<632x16xf32, #tpu.memory_space<vmem_shared>>
        %dma_wait3A_640 = arith.constant 0 : i32
        %dma_wait3A_641 = tpu.memref_slice %arg17[%mul3A_326, %dma_wait3A_640] : memref<10112x16xf32, #tpu.memory_space<vmem_shared>> -> memref<632x16xf32, #tpu.memory_space<vmem_shared>>
        tpu.wait_dma2 semaphore(%run_scoped3A : memref<!tpu.dma_semaphore, #tpu.memory_space<semaphore_mem>>) src(%arg14 : memref<632x16xf32, #tpu.memory_space<vmem>>) dst(%dma_wait3A_641 : memref<632x16xf32, #tpu.memory_space<vmem_shared>>)
        tpu.yield
      }) : () -> ()
      %barrier3A_327 = arith.constant 0 : index
      tpu.barrier barrier_id(%barrier3A_327)
      %dma_start3A_328 = arith.constant 0 : i32
      %dma_start3A_329 = arith.constant 0 : i32
      %dma_start3A_330 = tpu.memref_slice %arg8[%dma_start3A_328, %dma_start3A_329] : memref<162x128xi32, #tpu.memory_space<vmem>> -> memref<1x128xi32, #tpu.memory_space<vmem>>
      %dma_start3A_331 = tpu.memref_squeeze %dma_start3A_330 : memref<1x128xi32, #tpu.memory_space<vmem>> -> memref<128xi32, #tpu.memory_space<vmem>>
      %dma_start3A_332 = arith.constant 0 : i32
      %dma_start3A_333 = arith.constant 0 : i32
      %dma_start3A_334 = tpu.memref_slice %arg16[%dma_start3A_332, %dma_start3A_333] : memref<10112x16xf32, #tpu.memory_space<vmem_shared>> -> memref<10112x16xf32, #tpu.memory_space<vmem_shared>>
      tpu.enqueue_indirect_dma source(%dma_start3A_334 : memref<10112x16xf32, #tpu.memory_space<vmem_shared>>) target(%arg10 : memref<128x16xf32, #tpu.memory_space<vmem>>) offsets(%dma_start3A_331 : memref<128xi32, #tpu.memory_space<vmem>>) semaphore(%arg18 : memref<!tpu.dma_semaphore, #tpu.memory_space<semaphore_mem>>)
      %dma_start3A_335 = arith.constant 1 : i32
      %dma_start3A_336 = arith.constant 0 : i32
      %dma_start3A_337 = tpu.memref_slice %arg8[%dma_start3A_335, %dma_start3A_336] : memref<162x128xi32, #tpu.memory_space<vmem>> -> memref<1x128xi32, #tpu.memory_space<vmem>>
      %dma_start3A_338 = tpu.memref_squeeze %dma_start3A_337 : memref<1x128xi32, #tpu.memory_space<vmem>> -> memref<128xi32, #tpu.memory_space<vmem>>
      %dma_start3A_339 = arith.constant 0 : i32
      %dma_start3A_340 = arith.constant 0 : i32
      %dma_start3A_341 = tpu.memref_slice %arg16[%dma_start3A_339, %dma_start3A_340] : memref<10112x16xf32, #tpu.memory_space<vmem_shared>> -> memref<10112x16xf32, #tpu.memory_space<vmem_shared>>
      tpu.enqueue_indirect_dma source(%dma_start3A_341 : memref<10112x16xf32, #tpu.memory_space<vmem_shared>>) target(%arg11 : memref<128x16xf32, #tpu.memory_space<vmem>>) offsets(%dma_start3A_338 : memref<128xi32, #tpu.memory_space<vmem>>) semaphore(%arg19 : memref<!tpu.dma_semaphore, #tpu.memory_space<semaphore_mem>>)
      %dma_wait3A_342 = arith.constant 0 : i32
      %dma_wait3A_343 = arith.constant 0 : i32
      %dma_wait3A_344 = tpu.memref_slice %arg8[%dma_wait3A_342, %dma_wait3A_343] : memref<162x128xi32, #tpu.memory_space<vmem>> -> memref<1x128xi32, #tpu.memory_space<vmem>>
      %dma_wait3A_345 = tpu.memref_squeeze %dma_wait3A_344 : memref<1x128xi32, #tpu.memory_space<vmem>> -> memref<128xi32, #tpu.memory_space<vmem>>
      %dma_wait3A_346 = arith.constant 0 : i32
      %dma_wait3A_347 = arith.constant 0 : i32
      %dma_wait3A_348 = tpu.memref_slice %arg16[%dma_wait3A_346, %dma_wait3A_347] : memref<10112x16xf32, #tpu.memory_space<vmem_shared>> -> memref<10112x16xf32, #tpu.memory_space<vmem_shared>>
      tpu.wait_indirect_dma semaphore(%arg18 : memref<!tpu.dma_semaphore, #tpu.memory_space<semaphore_mem>>) src(%dma_wait3A_348 : memref<10112x16xf32, #tpu.memory_space<vmem_shared>>) dst(%arg10 : memref<128x16xf32, #tpu.memory_space<vmem>>)
      %dma_start3A_349 = arith.constant 2 : i32
      %dma_start3A_350 = arith.constant 0 : i32
      %dma_start3A_351 = tpu.memref_slice %arg8[%dma_start3A_349, %dma_start3A_350] : memref<162x128xi32, #tpu.memory_space<vmem>> -> memref<1x128xi32, #tpu.memory_space<vmem>>
      %dma_start3A_352 = tpu.memref_squeeze %dma_start3A_351 : memref<1x128xi32, #tpu.memory_space<vmem>> -> memref<128xi32, #tpu.memory_space<vmem>>
      %dma_start3A_353 = arith.constant 0 : i32
      %dma_start3A_354 = arith.constant 0 : i32
      %dma_start3A_355 = tpu.memref_slice %arg16[%dma_start3A_353, %dma_start3A_354] : memref<10112x16xf32, #tpu.memory_space<vmem_shared>> -> memref<10112x16xf32, #tpu.memory_space<vmem_shared>>
      tpu.enqueue_indirect_dma source(%dma_start3A_355 : memref<10112x16xf32, #tpu.memory_space<vmem_shared>>) target(%arg12 : memref<128x16xf32, #tpu.memory_space<vmem>>) offsets(%dma_start3A_352 : memref<128xi32, #tpu.memory_space<vmem>>) semaphore(%arg20 : memref<!tpu.dma_semaphore, #tpu.memory_space<semaphore_mem>>)
      %dma_start3A_356 = arith.constant 0 : i32
      %dma_start3A_357 = arith.constant 0 : i32
      %dma_start3A_358 = tpu.memref_slice %arg9[%dma_start3A_356, %dma_start3A_357] : memref<162x128xi32, #tpu.memory_space<vmem>> -> memref<1x128xi32, #tpu.memory_space<vmem>>
      %dma_start3A_359 = tpu.memref_squeeze %dma_start3A_358 : memref<1x128xi32, #tpu.memory_space<vmem>> -> memref<128xi32, #tpu.memory_space<vmem>>
      %dma_start3A_360 = arith.constant 0 : i32
      %dma_start3A_361 = arith.constant 0 : i32
      %dma_start3A_362 = tpu.memref_slice %arg17[%dma_start3A_360, %dma_start3A_361] : memref<10112x16xf32, #tpu.memory_space<vmem_shared>> -> memref<10112x16xf32, #tpu.memory_space<vmem_shared>>
      tpu.enqueue_indirect_dma source(%arg10 : memref<128x16xf32, #tpu.memory_space<vmem>>) target(%dma_start3A_362 : memref<10112x16xf32, #tpu.memory_space<vmem_shared>>) offsets(%dma_start3A_359 : memref<128xi32, #tpu.memory_space<vmem>>) semaphore(%arg22 : memref<!tpu.dma_semaphore, #tpu.memory_space<semaphore_mem>>) {add = true}
      %dma_wait3A_363 = arith.constant 1 : i32
      %dma_wait3A_364 = arith.constant 0 : i32
      %dma_wait3A_365 = tpu.memref_slice %arg8[%dma_wait3A_363, %dma_wait3A_364] : memref<162x128xi32, #tpu.memory_space<vmem>> -> memref<1x128xi32, #tpu.memory_space<vmem>>
      %dma_wait3A_366 = tpu.memref_squeeze %dma_wait3A_365 : memref<1x128xi32, #tpu.memory_space<vmem>> -> memref<128xi32, #tpu.memory_space<vmem>>
      %dma_wait3A_367 = arith.constant 0 : i32
      %dma_wait3A_368 = arith.constant 0 : i32
      %dma_wait3A_369 = tpu.memref_slice %arg16[%dma_wait3A_367, %dma_wait3A_368] : memref<10112x16xf32, #tpu.memory_space<vmem_shared>> -> memref<10112x16xf32, #tpu.memory_space<vmem_shared>>
      tpu.wait_indirect_dma semaphore(%arg19 : memref<!tpu.dma_semaphore, #tpu.memory_space<semaphore_mem>>) src(%dma_wait3A_369 : memref<10112x16xf32, #tpu.memory_space<vmem_shared>>) dst(%arg11 : memref<128x16xf32, #tpu.memory_space<vmem>>)
      %dma_start3A_370 = arith.constant 3 : i32
      %dma_start3A_371 = arith.constant 0 : i32
      %dma_start3A_372 = tpu.memref_slice %arg8[%dma_start3A_370, %dma_start3A_371] : memref<162x128xi32, #tpu.memory_space<vmem>> -> memref<1x128xi32, #tpu.memory_space<vmem>>
      %dma_start3A_373 = tpu.memref_squeeze %dma_start3A_372 : memref<1x128xi32, #tpu.memory_space<vmem>> -> memref<128xi32, #tpu.memory_space<vmem>>
      %dma_start3A_374 = arith.constant 0 : i32
      %dma_start3A_375 = arith.constant 0 : i32
      %dma_start3A_376 = tpu.memref_slice %arg16[%dma_start3A_374, %dma_start3A_375] : memref<10112x16xf32, #tpu.memory_space<vmem_shared>> -> memref<10112x16xf32, #tpu.memory_space<vmem_shared>>
      tpu.enqueue_indirect_dma source(%dma_start3A_376 : memref<10112x16xf32, #tpu.memory_space<vmem_shared>>) target(%arg13 : memref<128x16xf32, #tpu.memory_space<vmem>>) offsets(%dma_start3A_373 : memref<128xi32, #tpu.memory_space<vmem>>) semaphore(%arg21 : memref<!tpu.dma_semaphore, #tpu.memory_space<semaphore_mem>>)
      %dma_start3A_377 = arith.constant 1 : i32
      %dma_start3A_378 = arith.constant 0 : i32
      %dma_start3A_379 = tpu.memref_slice %arg9[%dma_start3A_377, %dma_start3A_378] : memref<162x128xi32, #tpu.memory_space<vmem>> -> memref<1x128xi32, #tpu.memory_space<vmem>>
      %dma_start3A_380 = tpu.memref_squeeze %dma_start3A_379 : memref<1x128xi32, #tpu.memory_space<vmem>> -> memref<128xi32, #tpu.memory_space<vmem>>
      %dma_start3A_381 = arith.constant 0 : i32
      %dma_start3A_382 = arith.constant 0 : i32
      %dma_start3A_383 = tpu.memref_slice %arg17[%dma_start3A_381, %dma_start3A_382] : memref<10112x16xf32, #tpu.memory_space<vmem_shared>> -> memref<10112x16xf32, #tpu.memory_space<vmem_shared>>
      tpu.enqueue_indirect_dma source(%arg11 : memref<128x16xf32, #tpu.memory_space<vmem>>) target(%dma_start3A_383 : memref<10112x16xf32, #tpu.memory_space<vmem_shared>>) offsets(%dma_start3A_380 : memref<128xi32, #tpu.memory_space<vmem>>) semaphore(%arg23 : memref<!tpu.dma_semaphore, #tpu.memory_space<semaphore_mem>>) {add = true}
      %dma_wait3A_384 = arith.constant 2 : i32
      %dma_wait3A_385 = arith.constant 0 : i32
      %dma_wait3A_386 = tpu.memref_slice %arg8[%dma_wait3A_384, %dma_wait3A_385] : memref<162x128xi32, #tpu.memory_space<vmem>> -> memref<1x128xi32, #tpu.memory_space<vmem>>
      %dma_wait3A_387 = tpu.memref_squeeze %dma_wait3A_386 : memref<1x128xi32, #tpu.memory_space<vmem>> -> memref<128xi32, #tpu.memory_space<vmem>>
      %dma_wait3A_388 = arith.constant 0 : i32
      %dma_wait3A_389 = arith.constant 0 : i32
      %dma_wait3A_390 = tpu.memref_slice %arg16[%dma_wait3A_388, %dma_wait3A_389] : memref<10112x16xf32, #tpu.memory_space<vmem_shared>> -> memref<10112x16xf32, #tpu.memory_space<vmem_shared>>
      tpu.wait_indirect_dma semaphore(%arg20 : memref<!tpu.dma_semaphore, #tpu.memory_space<semaphore_mem>>) src(%dma_wait3A_390 : memref<10112x16xf32, #tpu.memory_space<vmem_shared>>) dst(%arg12 : memref<128x16xf32, #tpu.memory_space<vmem>>)
      %dma_wait3A_391 = arith.constant 0 : i32
      %dma_wait3A_392 = arith.constant 0 : i32
      %dma_wait3A_393 = tpu.memref_slice %arg9[%dma_wait3A_391, %dma_wait3A_392] : memref<162x128xi32, #tpu.memory_space<vmem>> -> memref<1x128xi32, #tpu.memory_space<vmem>>
      %dma_wait3A_394 = tpu.memref_squeeze %dma_wait3A_393 : memref<1x128xi32, #tpu.memory_space<vmem>> -> memref<128xi32, #tpu.memory_space<vmem>>
      %dma_wait3A_395 = arith.constant 0 : i32
      %dma_wait3A_396 = arith.constant 0 : i32
      %dma_wait3A_397 = tpu.memref_slice %arg17[%dma_wait3A_395, %dma_wait3A_396] : memref<10112x16xf32, #tpu.memory_space<vmem_shared>> -> memref<10112x16xf32, #tpu.memory_space<vmem_shared>>
      tpu.wait_indirect_dma semaphore(%arg22 : memref<!tpu.dma_semaphore, #tpu.memory_space<semaphore_mem>>) src(%arg10 : memref<128x16xf32, #tpu.memory_space<vmem>>) dst(%dma_wait3A_397 : memref<10112x16xf32, #tpu.memory_space<vmem_shared>>)
      %dma_start3A_398 = arith.constant 4 : i32
      %dma_start3A_399 = arith.constant 0 : i32
      %dma_start3A_400 = tpu.memref_slice %arg8[%dma_start3A_398, %dma_start3A_399] : memref<162x128xi32, #tpu.memory_space<vmem>> -> memref<1x128xi32, #tpu.memory_space<vmem>>
      %dma_start3A_401 = tpu.memref_squeeze %dma_start3A_400 : memref<1x128xi32, #tpu.memory_space<vmem>> -> memref<128xi32, #tpu.memory_space<vmem>>
      %dma_start3A_402 = arith.constant 0 : i32
      %dma_start3A_403 = arith.constant 0 : i32
      %dma_start3A_404 = tpu.memref_slice %arg16[%dma_start3A_402, %dma_start3A_403] : memref<10112x16xf32, #tpu.memory_space<vmem_shared>> -> memref<10112x16xf32, #tpu.memory_space<vmem_shared>>
      tpu.enqueue_indirect_dma source(%dma_start3A_404 : memref<10112x16xf32, #tpu.memory_space<vmem_shared>>) target(%arg10 : memref<128x16xf32, #tpu.memory_space<vmem>>) offsets(%dma_start3A_401 : memref<128xi32, #tpu.memory_space<vmem>>) semaphore(%arg18 : memref<!tpu.dma_semaphore, #tpu.memory_space<semaphore_mem>>)
      %dma_start3A_405 = arith.constant 2 : i32
      %dma_start3A_406 = arith.constant 0 : i32
      %dma_start3A_407 = tpu.memref_slice %arg9[%dma_start3A_405, %dma_start3A_406] : memref<162x128xi32, #tpu.memory_space<vmem>> -> memref<1x128xi32, #tpu.memory_space<vmem>>
      %dma_start3A_408 = tpu.memref_squeeze %dma_start3A_407 : memref<1x128xi32, #tpu.memory_space<vmem>> -> memref<128xi32, #tpu.memory_space<vmem>>
      %dma_start3A_409 = arith.constant 0 : i32
      %dma_start3A_410 = arith.constant 0 : i32
      %dma_start3A_411 = tpu.memref_slice %arg17[%dma_start3A_409, %dma_start3A_410] : memref<10112x16xf32, #tpu.memory_space<vmem_shared>> -> memref<10112x16xf32, #tpu.memory_space<vmem_shared>>
      tpu.enqueue_indirect_dma source(%arg12 : memref<128x16xf32, #tpu.memory_space<vmem>>) target(%dma_start3A_411 : memref<10112x16xf32, #tpu.memory_space<vmem_shared>>) offsets(%dma_start3A_408 : memref<128xi32, #tpu.memory_space<vmem>>) semaphore(%arg24 : memref<!tpu.dma_semaphore, #tpu.memory_space<semaphore_mem>>) {add = true}
      %dma_wait3A_412 = arith.constant 3 : i32
      %dma_wait3A_413 = arith.constant 0 : i32
      %dma_wait3A_414 = tpu.memref_slice %arg8[%dma_wait3A_412, %dma_wait3A_413] : memref<162x128xi32, #tpu.memory_space<vmem>> -> memref<1x128xi32, #tpu.memory_space<vmem>>
      %dma_wait3A_415 = tpu.memref_squeeze %dma_wait3A_414 : memref<1x128xi32, #tpu.memory_space<vmem>> -> memref<128xi32, #tpu.memory_space<vmem>>
      %dma_wait3A_416 = arith.constant 0 : i32
      %dma_wait3A_417 = arith.constant 0 : i32
      %dma_wait3A_418 = tpu.memref_slice %arg16[%dma_wait3A_416, %dma_wait3A_417] : memref<10112x16xf32, #tpu.memory_space<vmem_shared>> -> memref<10112x16xf32, #tpu.memory_space<vmem_shared>>
      tpu.wait_indirect_dma semaphore(%arg21 : memref<!tpu.dma_semaphore, #tpu.memory_space<semaphore_mem>>) src(%dma_wait3A_418 : memref<10112x16xf32, #tpu.memory_space<vmem_shared>>) dst(%arg13 : memref<128x16xf32, #tpu.memory_space<vmem>>)
      %dma_wait3A_419 = arith.constant 1 : i32
      %dma_wait3A_420 = arith.constant 0 : i32
      %dma_wait3A_421 = tpu.memref_slice %arg9[%dma_wait3A_419, %dma_wait3A_420] : memref<162x128xi32, #tpu.memory_space<vmem>> -> memref<1x128xi32, #tpu.memory_space<vmem>>
      %dma_wait3A_422 = tpu.memref_squeeze %dma_wait3A_421 : memref<1x128xi32, #tpu.memory_space<vmem>> -> memref<128xi32, #tpu.memory_space<vmem>>
      %dma_wait3A_423 = arith.constant 0 : i32
      %dma_wait3A_424 = arith.constant 0 : i32
      %dma_wait3A_425 = tpu.memref_slice %arg17[%dma_wait3A_423, %dma_wait3A_424] : memref<10112x16xf32, #tpu.memory_space<vmem_shared>> -> memref<10112x16xf32, #tpu.memory_space<vmem_shared>>
      tpu.wait_indirect_dma semaphore(%arg23 : memref<!tpu.dma_semaphore, #tpu.memory_space<semaphore_mem>>) src(%arg11 : memref<128x16xf32, #tpu.memory_space<vmem>>) dst(%dma_wait3A_425 : memref<10112x16xf32, #tpu.memory_space<vmem_shared>>)
      %dma_start3A_426 = arith.constant 5 : i32
      %dma_start3A_427 = arith.constant 0 : i32
      %dma_start3A_428 = tpu.memref_slice %arg8[%dma_start3A_426, %dma_start3A_427] : memref<162x128xi32, #tpu.memory_space<vmem>> -> memref<1x128xi32, #tpu.memory_space<vmem>>
      %dma_start3A_429 = tpu.memref_squeeze %dma_start3A_428 : memref<1x128xi32, #tpu.memory_space<vmem>> -> memref<128xi32, #tpu.memory_space<vmem>>
      %dma_start3A_430 = arith.constant 0 : i32
      %dma_start3A_431 = arith.constant 0 : i32
      %dma_start3A_432 = tpu.memref_slice %arg16[%dma_start3A_430, %dma_start3A_431] : memref<10112x16xf32, #tpu.memory_space<vmem_shared>> -> memref<10112x16xf32, #tpu.memory_space<vmem_shared>>
      tpu.enqueue_indirect_dma source(%dma_start3A_432 : memref<10112x16xf32, #tpu.memory_space<vmem_shared>>) target(%arg11 : memref<128x16xf32, #tpu.memory_space<vmem>>) offsets(%dma_start3A_429 : memref<128xi32, #tpu.memory_space<vmem>>) semaphore(%arg19 : memref<!tpu.dma_semaphore, #tpu.memory_space<semaphore_mem>>)
      %dma_start3A_433 = arith.constant 3 : i32
      %dma_start3A_434 = arith.constant 0 : i32
      %dma_start3A_435 = tpu.memref_slice %arg9[%dma_start3A_433, %dma_start3A_434] : memref<162x128xi32, #tpu.memory_space<vmem>> -> memref<1x128xi32, #tpu.memory_space<vmem>>
      %dma_start3A_436 = tpu.memref_squeeze %dma_start3A_435 : memref<1x128xi32, #tpu.memory_space<vmem>> -> memref<128xi32, #tpu.memory_space<vmem>>
      %dma_start3A_437 = arith.constant 0 : i32
      %dma_start3A_438 = arith.constant 0 : i32
      %dma_start3A_439 = tpu.memref_slice %arg17[%dma_start3A_437, %dma_start3A_438] : memref<10112x16xf32, #tpu.memory_space<vmem_shared>> -> memref<10112x16xf32, #tpu.memory_space<vmem_shared>>
      tpu.enqueue_indirect_dma source(%arg13 : memref<128x16xf32, #tpu.memory_space<vmem>>) target(%dma_start3A_439 : memref<10112x16xf32, #tpu.memory_space<vmem_shared>>) offsets(%dma_start3A_436 : memref<128xi32, #tpu.memory_space<vmem>>) semaphore(%arg25 : memref<!tpu.dma_semaphore, #tpu.memory_space<semaphore_mem>>) {add = true}
      %scan3A_440 = arith.constant 0 : i32
      %scan3A_441 = arith.constant 1 : i32
      %scan3A_442 = arith.constant 39 : i32
      %scan3A_443 = arith.addi %scan3A_441, %scan3A_442 : i32
      %scan3A_444 = arith.constant 1 : i32
      scf.for %scan3A_634 = %scan3A_441 to %scan3A_443 step %scan3A_444  : i32 {
        %mul3A_635 = arith.constant 4 : i32
        %mul3A_636 = arith.muli %mul3A_635, %scan3A_634 : i32
        %add3A = arith.constant 0 : i32
        %add3A_637 = arith.addi %mul3A_636, %add3A : i32
        %dma_wait3A_638 = arith.constant 0 : i32
        %dma_wait3A_639 = tpu.memref_slice %arg8[%add3A_637, %dma_wait3A_638] : memref<162x128xi32, #tpu.memory_space<vmem>> -> memref<1x128xi32, #tpu.memory_space<vmem>>
        %dma_wait3A_640 = tpu.memref_squeeze %dma_wait3A_639 : memref<1x128xi32, #tpu.memory_space<vmem>> -> memref<128xi32, #tpu.memory_space<vmem>>
        %dma_wait3A_641 = arith.constant 0 : i32
        %dma_wait3A_642 = arith.constant 0 : i32
        %dma_wait3A_643 = tpu.memref_slice %arg16[%dma_wait3A_641, %dma_wait3A_642] : memref<10112x16xf32, #tpu.memory_space<vmem_shared>> -> memref<10112x16xf32, #tpu.memory_space<vmem_shared>>
        tpu.wait_indirect_dma semaphore(%arg18 : memref<!tpu.dma_semaphore, #tpu.memory_space<semaphore_mem>>) src(%dma_wait3A_643 : memref<10112x16xf32, #tpu.memory_space<vmem_shared>>) dst(%arg10 : memref<128x16xf32, #tpu.memory_space<vmem>>)
        %sub3A = arith.constant 2 : i32
        %sub3A_644 = arith.subi %add3A_637, %sub3A : i32
        %dma_wait3A_645 = arith.constant 0 : i32
        %dma_wait3A_646 = tpu.memref_slice %arg9[%sub3A_644, %dma_wait3A_645] : memref<162x128xi32, #tpu.memory_space<vmem>> -> memref<1x128xi32, #tpu.memory_space<vmem>>
        %dma_wait3A_647 = tpu.memref_squeeze %dma_wait3A_646 : memref<1x128xi32, #tpu.memory_space<vmem>> -> memref<128xi32, #tpu.memory_space<vmem>>
        %dma_wait3A_648 = arith.constant 0 : i32
        %dma_wait3A_649 = arith.constant 0 : i32
        %dma_wait3A_650 = tpu.memref_slice %arg17[%dma_wait3A_648, %dma_wait3A_649] : memref<10112x16xf32, #tpu.memory_space<vmem_shared>> -> memref<10112x16xf32, #tpu.memory_space<vmem_shared>>
        tpu.wait_indirect_dma semaphore(%arg24 : memref<!tpu.dma_semaphore, #tpu.memory_space<semaphore_mem>>) src(%arg12 : memref<128x16xf32, #tpu.memory_space<vmem>>) dst(%dma_wait3A_650 : memref<10112x16xf32, #tpu.memory_space<vmem_shared>>)
        %add3A_651 = arith.constant 2 : i32
        %add3A_652 = arith.addi %add3A_637, %add3A_651 : i32
        %dma_start3A_653 = arith.constant 0 : i32
        %dma_start3A_654 = tpu.memref_slice %arg8[%add3A_652, %dma_start3A_653] : memref<162x128xi32, #tpu.memory_space<vmem>> -> memref<1x128xi32, #tpu.memory_space<vmem>>
        %dma_start3A_655 = tpu.memref_squeeze %dma_start3A_654 : memref<1x128xi32, #tpu.memory_space<vmem>> -> memref<128xi32, #tpu.memory_space<vmem>>
        %dma_start3A_656 = arith.constant 0 : i32
        %dma_start3A_657 = arith.constant 0 : i32
        %dma_start3A_658 = tpu.memref_slice %arg16[%dma_start3A_656, %dma_start3A_657] : memref<10112x16xf32, #tpu.memory_space<vmem_shared>> -> memref<10112x16xf32, #tpu.memory_space<vmem_shared>>
        tpu.enqueue_indirect_dma source(%dma_start3A_658 : memref<10112x16xf32, #tpu.memory_space<vmem_shared>>) target(%arg12 : memref<128x16xf32, #tpu.memory_space<vmem>>) offsets(%dma_start3A_655 : memref<128xi32, #tpu.memory_space<vmem>>) semaphore(%arg20 : memref<!tpu.dma_semaphore, #tpu.memory_space<semaphore_mem>>)
        %dma_start3A_659 = arith.constant 0 : i32
        %dma_start3A_660 = tpu.memref_slice %arg9[%add3A_637, %dma_start3A_659] : memref<162x128xi32, #tpu.memory_space<vmem>> -> memref<1x128xi32, #tpu.memory_space<vmem>>
        %dma_start3A_661 = tpu.memref_squeeze %dma_start3A_660 : memref<1x128xi32, #tpu.memory_space<vmem>> -> memref<128xi32, #tpu.memory_space<vmem>>
        %dma_start3A_662 = arith.constant 0 : i32
        %dma_start3A_663 = arith.constant 0 : i32
        %dma_start3A_664 = tpu.memref_slice %arg17[%dma_start3A_662, %dma_start3A_663] : memref<10112x16xf32, #tpu.memory_space<vmem_shared>> -> memref<10112x16xf32, #tpu.memory_space<vmem_shared>>
        tpu.enqueue_indirect_dma source(%arg10 : memref<128x16xf32, #tpu.memory_space<vmem>>) target(%dma_start3A_664 : memref<10112x16xf32, #tpu.memory_space<vmem_shared>>) offsets(%dma_start3A_661 : memref<128xi32, #tpu.memory_space<vmem>>) semaphore(%arg22 : memref<!tpu.dma_semaphore, #tpu.memory_space<semaphore_mem>>) {add = true}
        %add3A_665 = arith.constant 1 : i32
        %add3A_666 = arith.addi %mul3A_636, %add3A_665 : i32
        %dma_wait3A_667 = arith.constant 0 : i32
        %dma_wait3A_668 = tpu.memref_slice %arg8[%add3A_666, %dma_wait3A_667] : memref<162x128xi32, #tpu.memory_space<vmem>> -> memref<1x128xi32, #tpu.memory_space<vmem>>
        %dma_wait3A_669 = tpu.memref_squeeze %dma_wait3A_668 : memref<1x128xi32, #tpu.memory_space<vmem>> -> memref<128xi32, #tpu.memory_space<vmem>>
        %dma_wait3A_670 = arith.constant 0 : i32
        %dma_wait3A_671 = arith.constant 0 : i32
        %dma_wait3A_672 = tpu.memref_slice %arg16[%dma_wait3A_670, %dma_wait3A_671] : memref<10112x16xf32, #tpu.memory_space<vmem_shared>> -> memref<10112x16xf32, #tpu.memory_space<vmem_shared>>
        tpu.wait_indirect_dma semaphore(%arg19 : memref<!tpu.dma_semaphore, #tpu.memory_space<semaphore_mem>>) src(%dma_wait3A_672 : memref<10112x16xf32, #tpu.memory_space<vmem_shared>>) dst(%arg11 : memref<128x16xf32, #tpu.memory_space<vmem>>)
        %sub3A_673 = arith.constant 2 : i32
        %sub3A_674 = arith.subi %add3A_666, %sub3A_673 : i32
        %dma_wait3A_675 = arith.constant 0 : i32
        %dma_wait3A_676 = tpu.memref_slice %arg9[%sub3A_674, %dma_wait3A_675] : memref<162x128xi32, #tpu.memory_space<vmem>> -> memref<1x128xi32, #tpu.memory_space<vmem>>
        %dma_wait3A_677 = tpu.memref_squeeze %dma_wait3A_676 : memref<1x128xi32, #tpu.memory_space<vmem>> -> memref<128xi32, #tpu.memory_space<vmem>>
        %dma_wait3A_678 = arith.constant 0 : i32
        %dma_wait3A_679 = arith.constant 0 : i32
        %dma_wait3A_680 = tpu.memref_slice %arg17[%dma_wait3A_678, %dma_wait3A_679] : memref<10112x16xf32, #tpu.memory_space<vmem_shared>> -> memref<10112x16xf32, #tpu.memory_space<vmem_shared>>
        tpu.wait_indirect_dma semaphore(%arg25 : memref<!tpu.dma_semaphore, #tpu.memory_space<semaphore_mem>>) src(%arg13 : memref<128x16xf32, #tpu.memory_space<vmem>>) dst(%dma_wait3A_680 : memref<10112x16xf32, #tpu.memory_space<vmem_shared>>)
        %add3A_681 = arith.constant 2 : i32
        %add3A_682 = arith.addi %add3A_666, %add3A_681 : i32
        %dma_start3A_683 = arith.constant 0 : i32
        %dma_start3A_684 = tpu.memref_slice %arg8[%add3A_682, %dma_start3A_683] : memref<162x128xi32, #tpu.memory_space<vmem>> -> memref<1x128xi32, #tpu.memory_space<vmem>>
        %dma_start3A_685 = tpu.memref_squeeze %dma_start3A_684 : memref<1x128xi32, #tpu.memory_space<vmem>> -> memref<128xi32, #tpu.memory_space<vmem>>
        %dma_start3A_686 = arith.constant 0 : i32
        %dma_start3A_687 = arith.constant 0 : i32
        %dma_start3A_688 = tpu.memref_slice %arg16[%dma_start3A_686, %dma_start3A_687] : memref<10112x16xf32, #tpu.memory_space<vmem_shared>> -> memref<10112x16xf32, #tpu.memory_space<vmem_shared>>
        tpu.enqueue_indirect_dma source(%dma_start3A_688 : memref<10112x16xf32, #tpu.memory_space<vmem_shared>>) target(%arg13 : memref<128x16xf32, #tpu.memory_space<vmem>>) offsets(%dma_start3A_685 : memref<128xi32, #tpu.memory_space<vmem>>) semaphore(%arg21 : memref<!tpu.dma_semaphore, #tpu.memory_space<semaphore_mem>>)
        %dma_start3A_689 = arith.constant 0 : i32
        %dma_start3A_690 = tpu.memref_slice %arg9[%add3A_666, %dma_start3A_689] : memref<162x128xi32, #tpu.memory_space<vmem>> -> memref<1x128xi32, #tpu.memory_space<vmem>>
        %dma_start3A_691 = tpu.memref_squeeze %dma_start3A_690 : memref<1x128xi32, #tpu.memory_space<vmem>> -> memref<128xi32, #tpu.memory_space<vmem>>
        %dma_start3A_692 = arith.constant 0 : i32
        %dma_start3A_693 = arith.constant 0 : i32
        %dma_start3A_694 = tpu.memref_slice %arg17[%dma_start3A_692, %dma_start3A_693] : memref<10112x16xf32, #tpu.memory_space<vmem_shared>> -> memref<10112x16xf32, #tpu.memory_space<vmem_shared>>
        tpu.enqueue_indirect_dma source(%arg11 : memref<128x16xf32, #tpu.memory_space<vmem>>) target(%dma_start3A_694 : memref<10112x16xf32, #tpu.memory_space<vmem_shared>>) offsets(%dma_start3A_691 : memref<128xi32, #tpu.memory_space<vmem>>) semaphore(%arg23 : memref<!tpu.dma_semaphore, #tpu.memory_space<semaphore_mem>>) {add = true}
        %add3A_695 = arith.constant 2 : i32
        %add3A_696 = arith.addi %mul3A_636, %add3A_695 : i32
        %dma_wait3A_697 = arith.constant 0 : i32
        %dma_wait3A_698 = tpu.memref_slice %arg8[%add3A_696, %dma_wait3A_697] : memref<162x128xi32, #tpu.memory_space<vmem>> -> memref<1x128xi32, #tpu.memory_space<vmem>>
        %dma_wait3A_699 = tpu.memref_squeeze %dma_wait3A_698 : memref<1x128xi32, #tpu.memory_space<vmem>> -> memref<128xi32, #tpu.memory_space<vmem>>
        %dma_wait3A_700 = arith.constant 0 : i32
        %dma_wait3A_701 = arith.constant 0 : i32
        %dma_wait3A_702 = tpu.memref_slice %arg16[%dma_wait3A_700, %dma_wait3A_701] : memref<10112x16xf32, #tpu.memory_space<vmem_shared>> -> memref<10112x16xf32, #tpu.memory_space<vmem_shared>>
        tpu.wait_indirect_dma semaphore(%arg20 : memref<!tpu.dma_semaphore, #tpu.memory_space<semaphore_mem>>) src(%dma_wait3A_702 : memref<10112x16xf32, #tpu.memory_space<vmem_shared>>) dst(%arg12 : memref<128x16xf32, #tpu.memory_space<vmem>>)
        %sub3A_703 = arith.constant 2 : i32
        %sub3A_704 = arith.subi %add3A_696, %sub3A_703 : i32
        %dma_wait3A_705 = arith.constant 0 : i32
        %dma_wait3A_706 = tpu.memref_slice %arg9[%sub3A_704, %dma_wait3A_705] : memref<162x128xi32, #tpu.memory_space<vmem>> -> memref<1x128xi32, #tpu.memory_space<vmem>>
        %dma_wait3A_707 = tpu.memref_squeeze %dma_wait3A_706 : memref<1x128xi32, #tpu.memory_space<vmem>> -> memref<128xi32, #tpu.memory_space<vmem>>
        %dma_wait3A_708 = arith.constant 0 : i32
        %dma_wait3A_709 = arith.constant 0 : i32
        %dma_wait3A_710 = tpu.memref_slice %arg17[%dma_wait3A_708, %dma_wait3A_709] : memref<10112x16xf32, #tpu.memory_space<vmem_shared>> -> memref<10112x16xf32, #tpu.memory_space<vmem_shared>>
        tpu.wait_indirect_dma semaphore(%arg22 : memref<!tpu.dma_semaphore, #tpu.memory_space<semaphore_mem>>) src(%arg10 : memref<128x16xf32, #tpu.memory_space<vmem>>) dst(%dma_wait3A_710 : memref<10112x16xf32, #tpu.memory_space<vmem_shared>>)
        %add3A_711 = arith.constant 2 : i32
        %add3A_712 = arith.addi %add3A_696, %add3A_711 : i32
        %dma_start3A_713 = arith.constant 0 : i32
        %dma_start3A_714 = tpu.memref_slice %arg8[%add3A_712, %dma_start3A_713] : memref<162x128xi32, #tpu.memory_space<vmem>> -> memref<1x128xi32, #tpu.memory_space<vmem>>
        %dma_start3A_715 = tpu.memref_squeeze %dma_start3A_714 : memref<1x128xi32, #tpu.memory_space<vmem>> -> memref<128xi32, #tpu.memory_space<vmem>>
        %dma_start3A_716 = arith.constant 0 : i32
        %dma_start3A_717 = arith.constant 0 : i32
        %dma_start3A_718 = tpu.memref_slice %arg16[%dma_start3A_716, %dma_start3A_717] : memref<10112x16xf32, #tpu.memory_space<vmem_shared>> -> memref<10112x16xf32, #tpu.memory_space<vmem_shared>>
        tpu.enqueue_indirect_dma source(%dma_start3A_718 : memref<10112x16xf32, #tpu.memory_space<vmem_shared>>) target(%arg10 : memref<128x16xf32, #tpu.memory_space<vmem>>) offsets(%dma_start3A_715 : memref<128xi32, #tpu.memory_space<vmem>>) semaphore(%arg18 : memref<!tpu.dma_semaphore, #tpu.memory_space<semaphore_mem>>)
        %dma_start3A_719 = arith.constant 0 : i32
        %dma_start3A_720 = tpu.memref_slice %arg9[%add3A_696, %dma_start3A_719] : memref<162x128xi32, #tpu.memory_space<vmem>> -> memref<1x128xi32, #tpu.memory_space<vmem>>
        %dma_start3A_721 = tpu.memref_squeeze %dma_start3A_720 : memref<1x128xi32, #tpu.memory_space<vmem>> -> memref<128xi32, #tpu.memory_space<vmem>>
        %dma_start3A_722 = arith.constant 0 : i32
        %dma_start3A_723 = arith.constant 0 : i32
        %dma_start3A_724 = tpu.memref_slice %arg17[%dma_start3A_722, %dma_start3A_723] : memref<10112x16xf32, #tpu.memory_space<vmem_shared>> -> memref<10112x16xf32, #tpu.memory_space<vmem_shared>>
        tpu.enqueue_indirect_dma source(%arg12 : memref<128x16xf32, #tpu.memory_space<vmem>>) target(%dma_start3A_724 : memref<10112x16xf32, #tpu.memory_space<vmem_shared>>) offsets(%dma_start3A_721 : memref<128xi32, #tpu.memory_space<vmem>>) semaphore(%arg24 : memref<!tpu.dma_semaphore, #tpu.memory_space<semaphore_mem>>) {add = true}
        %add3A_725 = arith.constant 3 : i32
        %add3A_726 = arith.addi %mul3A_636, %add3A_725 : i32
        %dma_wait3A_727 = arith.constant 0 : i32
        %dma_wait3A_728 = tpu.memref_slice %arg8[%add3A_726, %dma_wait3A_727] : memref<162x128xi32, #tpu.memory_space<vmem>> -> memref<1x128xi32, #tpu.memory_space<vmem>>
        %dma_wait3A_729 = tpu.memref_squeeze %dma_wait3A_728 : memref<1x128xi32, #tpu.memory_space<vmem>> -> memref<128xi32, #tpu.memory_space<vmem>>
        %dma_wait3A_730 = arith.constant 0 : i32
        %dma_wait3A_731 = arith.constant 0 : i32
        %dma_wait3A_732 = tpu.memref_slice %arg16[%dma_wait3A_730, %dma_wait3A_731] : memref<10112x16xf32, #tpu.memory_space<vmem_shared>> -> memref<10112x16xf32, #tpu.memory_space<vmem_shared>>
        tpu.wait_indirect_dma semaphore(%arg21 : memref<!tpu.dma_semaphore, #tpu.memory_space<semaphore_mem>>) src(%dma_wait3A_732 : memref<10112x16xf32, #tpu.memory_space<vmem_shared>>) dst(%arg13 : memref<128x16xf32, #tpu.memory_space<vmem>>)
        %sub3A_733 = arith.constant 2 : i32
        %sub3A_734 = arith.subi %add3A_726, %sub3A_733 : i32
        %dma_wait3A_735 = arith.constant 0 : i32
        %dma_wait3A_736 = tpu.memref_slice %arg9[%sub3A_734, %dma_wait3A_735] : memref<162x128xi32, #tpu.memory_space<vmem>> -> memref<1x128xi32, #tpu.memory_space<vmem>>
        %dma_wait3A_737 = tpu.memref_squeeze %dma_wait3A_736 : memref<1x128xi32, #tpu.memory_space<vmem>> -> memref<128xi32, #tpu.memory_space<vmem>>
        %dma_wait3A_738 = arith.constant 0 : i32
        %dma_wait3A_739 = arith.constant 0 : i32
        %dma_wait3A_740 = tpu.memref_slice %arg17[%dma_wait3A_738, %dma_wait3A_739] : memref<10112x16xf32, #tpu.memory_space<vmem_shared>> -> memref<10112x16xf32, #tpu.memory_space<vmem_shared>>
        tpu.wait_indirect_dma semaphore(%arg23 : memref<!tpu.dma_semaphore, #tpu.memory_space<semaphore_mem>>) src(%arg11 : memref<128x16xf32, #tpu.memory_space<vmem>>) dst(%dma_wait3A_740 : memref<10112x16xf32, #tpu.memory_space<vmem_shared>>)
        %add3A_741 = arith.constant 2 : i32
        %add3A_742 = arith.addi %add3A_726, %add3A_741 : i32
        %dma_start3A_743 = arith.constant 0 : i32
        %dma_start3A_744 = tpu.memref_slice %arg8[%add3A_742, %dma_start3A_743] : memref<162x128xi32, #tpu.memory_space<vmem>> -> memref<1x128xi32, #tpu.memory_space<vmem>>
        %dma_start3A_745 = tpu.memref_squeeze %dma_start3A_744 : memref<1x128xi32, #tpu.memory_space<vmem>> -> memref<128xi32, #tpu.memory_space<vmem>>
        %dma_start3A_746 = arith.constant 0 : i32
        %dma_start3A_747 = arith.constant 0 : i32
        %dma_start3A_748 = tpu.memref_slice %arg16[%dma_start3A_746, %dma_start3A_747] : memref<10112x16xf32, #tpu.memory_space<vmem_shared>> -> memref<10112x16xf32, #tpu.memory_space<vmem_shared>>
        tpu.enqueue_indirect_dma source(%dma_start3A_748 : memref<10112x16xf32, #tpu.memory_space<vmem_shared>>) target(%arg11 : memref<128x16xf32, #tpu.memory_space<vmem>>) offsets(%dma_start3A_745 : memref<128xi32, #tpu.memory_space<vmem>>) semaphore(%arg19 : memref<!tpu.dma_semaphore, #tpu.memory_space<semaphore_mem>>)
        %dma_start3A_749 = arith.constant 0 : i32
        %dma_start3A_750 = tpu.memref_slice %arg9[%add3A_726, %dma_start3A_749] : memref<162x128xi32, #tpu.memory_space<vmem>> -> memref<1x128xi32, #tpu.memory_space<vmem>>
        %dma_start3A_751 = tpu.memref_squeeze %dma_start3A_750 : memref<1x128xi32, #tpu.memory_space<vmem>> -> memref<128xi32, #tpu.memory_space<vmem>>
        %dma_start3A_752 = arith.constant 0 : i32
        %dma_start3A_753 = arith.constant 0 : i32
        %dma_start3A_754 = tpu.memref_slice %arg17[%dma_start3A_752, %dma_start3A_753] : memref<10112x16xf32, #tpu.memory_space<vmem_shared>> -> memref<10112x16xf32, #tpu.memory_space<vmem_shared>>
        tpu.enqueue_indirect_dma source(%arg13 : memref<128x16xf32, #tpu.memory_space<vmem>>) target(%dma_start3A_754 : memref<10112x16xf32, #tpu.memory_space<vmem_shared>>) offsets(%dma_start3A_751 : memref<128xi32, #tpu.memory_space<vmem>>) semaphore(%arg25 : memref<!tpu.dma_semaphore, #tpu.memory_space<semaphore_mem>>) {add = true}
      }
      %scan3A_445 = arith.constant 39 : i32
      %dma_wait3A_446 = arith.constant 160 : i32
      %dma_wait3A_447 = arith.constant 0 : i32
      %dma_wait3A_448 = tpu.memref_slice %arg8[%dma_wait3A_446, %dma_wait3A_447] : memref<162x128xi32, #tpu.memory_space<vmem>> -> memref<1x128xi32, #tpu.memory_space<vmem>>
      %dma_wait3A_449 = tpu.memref_squeeze %dma_wait3A_448 : memref<1x128xi32, #tpu.memory_space<vmem>> -> memref<128xi32, #tpu.memory_space<vmem>>
      %dma_wait3A_450 = arith.constant 0 : i32
      %dma_wait3A_451 = arith.constant 0 : i32
      %dma_wait3A_452 = tpu.memref_slice %arg16[%dma_wait3A_450, %dma_wait3A_451] : memref<10112x16xf32, #tpu.memory_space<vmem_shared>> -> memref<10112x16xf32, #tpu.memory_space<vmem_shared>>
      tpu.wait_indirect_dma semaphore(%arg18 : memref<!tpu.dma_semaphore, #tpu.memory_space<semaphore_mem>>) src(%dma_wait3A_452 : memref<10112x16xf32, #tpu.memory_space<vmem_shared>>) dst(%arg10 : memref<128x16xf32, #tpu.memory_space<vmem>>)
      %dma_wait3A_453 = arith.constant 161 : i32
      %dma_wait3A_454 = arith.constant 0 : i32
      %dma_wait3A_455 = tpu.memref_slice %arg8[%dma_wait3A_453, %dma_wait3A_454] : memref<162x128xi32, #tpu.memory_space<vmem>> -> memref<1x128xi32, #tpu.memory_space<vmem>>
      %dma_wait3A_456 = tpu.memref_squeeze %dma_wait3A_455 : memref<1x128xi32, #tpu.memory_space<vmem>> -> memref<128xi32, #tpu.memory_space<vmem>>
      %dma_wait3A_457 = arith.constant 0 : i32
      %dma_wait3A_458 = arith.constant 0 : i32
      %dma_wait3A_459 = tpu.memref_slice %arg16[%dma_wait3A_457, %dma_wait3A_458] : memref<10112x16xf32, #tpu.memory_space<vmem_shared>> -> memref<10112x16xf32, #tpu.memory_space<vmem_shared>>
      tpu.wait_indirect_dma semaphore(%arg19 : memref<!tpu.dma_semaphore, #tpu.memory_space<semaphore_mem>>) src(%dma_wait3A_459 : memref<10112x16xf32, #tpu.memory_space<vmem_shared>>) dst(%arg11 : memref<128x16xf32, #tpu.memory_space<vmem>>)
      %dma_wait3A_460 = arith.constant 158 : i32
      %dma_wait3A_461 = arith.constant 0 : i32
      %dma_wait3A_462 = tpu.memref_slice %arg9[%dma_wait3A_460, %dma_wait3A_461] : memref<162x128xi32, #tpu.memory_space<vmem>> -> memref<1x128xi32, #tpu.memory_space<vmem>>
      %dma_wait3A_463 = tpu.memref_squeeze %dma_wait3A_462 : memref<1x128xi32, #tpu.memory_space<vmem>> -> memref<128xi32, #tpu.memory_space<vmem>>
      %dma_wait3A_464 = arith.constant 0 : i32
      %dma_wait3A_465 = arith.constant 0 : i32
      %dma_wait3A_466 = tpu.memref_slice %arg17[%dma_wait3A_464, %dma_wait3A_465] : memref<10112x16xf32, #tpu.memory_space<vmem_shared>> -> memref<10112x16xf32, #tpu.memory_space<vmem_shared>>
      tpu.wait_indirect_dma semaphore(%arg24 : memref<!tpu.dma_semaphore, #tpu.memory_space<semaphore_mem>>) src(%arg12 : memref<128x16xf32, #tpu.memory_space<vmem>>) dst(%dma_wait3A_466 : memref<10112x16xf32, #tpu.memory_space<vmem_shared>>)
      %dma_wait3A_467 = arith.constant 159 : i32
      %dma_wait3A_468 = arith.constant 0 : i32
      %dma_wait3A_469 = tpu.memref_slice %arg9[%dma_wait3A_467, %dma_wait3A_468] : memref<162x128xi32, #tpu.memory_space<vmem>> -> memref<1x128xi32, #tpu.memory_space<vmem>>
      %dma_wait3A_470 = tpu.memref_squeeze %dma_wait3A_469 : memref<1x128xi32, #tpu.memory_space<vmem>> -> memref<128xi32, #tpu.memory_space<vmem>>
      %dma_wait3A_471 = arith.constant 0 : i32
      %dma_wait3A_472 = arith.constant 0 : i32
      %dma_wait3A_473 = tpu.memref_slice %arg17[%dma_wait3A_471, %dma_wait3A_472] : memref<10112x16xf32, #tpu.memory_space<vmem_shared>> -> memref<10112x16xf32, #tpu.memory_space<vmem_shared>>
      tpu.wait_indirect_dma semaphore(%arg25 : memref<!tpu.dma_semaphore, #tpu.memory_space<semaphore_mem>>) src(%arg13 : memref<128x16xf32, #tpu.memory_space<vmem>>) dst(%dma_wait3A_473 : memref<10112x16xf32, #tpu.memory_space<vmem_shared>>)
      %barrier3A_474 = arith.constant 0 : index
      tpu.barrier barrier_id(%barrier3A_474)
      %mul3A_475 = arith.constant 632 : i32
      %mul3A_476 = arith.muli %arg1, %mul3A_475 : i32
      "tpu.region"() ({
        %run_scoped3A = tpu.sem_alloc : memref<!tpu.dma_semaphore, #tpu.memory_space<semaphore_mem>>
        %dma_start3A_634 = arith.constant 0 : i32
        %dma_start3A_635 = tpu.memref_slice %arg16[%mul3A_476, %dma_start3A_634] : memref<10112x16xf32, #tpu.memory_space<vmem_shared>> -> memref<632x16xf32, #tpu.memory_space<vmem_shared>>
        %dma_start3A_636 = arith.constant 0 : i32
        %dma_start3A_637 = tpu.memref_slice %arg16[%mul3A_476, %dma_start3A_636] : memref<10112x16xf32, #tpu.memory_space<vmem_shared>> -> memref<632x16xf32, #tpu.memory_space<vmem_shared>>
        tpu.enqueue_dma source(%arg14 : memref<632x16xf32, #tpu.memory_space<vmem>>) target(%dma_start3A_637 : memref<632x16xf32, #tpu.memory_space<vmem_shared>>) target_semaphore(%run_scoped3A : memref<!tpu.dma_semaphore, #tpu.memory_space<semaphore_mem>>)
        %dma_wait3A_638 = arith.constant 0 : i32
        %dma_wait3A_639 = tpu.memref_slice %arg16[%mul3A_476, %dma_wait3A_638] : memref<10112x16xf32, #tpu.memory_space<vmem_shared>> -> memref<632x16xf32, #tpu.memory_space<vmem_shared>>
        %dma_wait3A_640 = arith.constant 0 : i32
        %dma_wait3A_641 = tpu.memref_slice %arg16[%mul3A_476, %dma_wait3A_640] : memref<10112x16xf32, #tpu.memory_space<vmem_shared>> -> memref<632x16xf32, #tpu.memory_space<vmem_shared>>
        tpu.wait_dma2 semaphore(%run_scoped3A : memref<!tpu.dma_semaphore, #tpu.memory_space<semaphore_mem>>) src(%arg14 : memref<632x16xf32, #tpu.memory_space<vmem>>) dst(%dma_wait3A_641 : memref<632x16xf32, #tpu.memory_space<vmem_shared>>)
        tpu.yield
      }) : () -> ()
      %barrier3A_477 = arith.constant 0 : index
      tpu.barrier barrier_id(%barrier3A_477)
      %dma_start3A_478 = arith.constant 0 : i32
      %dma_start3A_479 = arith.constant 0 : i32
      %dma_start3A_480 = tpu.memref_slice %arg8[%dma_start3A_478, %dma_start3A_479] : memref<162x128xi32, #tpu.memory_space<vmem>> -> memref<1x128xi32, #tpu.memory_space<vmem>>
      %dma_start3A_481 = tpu.memref_squeeze %dma_start3A_480 : memref<1x128xi32, #tpu.memory_space<vmem>> -> memref<128xi32, #tpu.memory_space<vmem>>
      %dma_start3A_482 = arith.constant 0 : i32
      %dma_start3A_483 = arith.constant 0 : i32
      %dma_start3A_484 = tpu.memref_slice %arg17[%dma_start3A_482, %dma_start3A_483] : memref<10112x16xf32, #tpu.memory_space<vmem_shared>> -> memref<10112x16xf32, #tpu.memory_space<vmem_shared>>
      tpu.enqueue_indirect_dma source(%dma_start3A_484 : memref<10112x16xf32, #tpu.memory_space<vmem_shared>>) target(%arg10 : memref<128x16xf32, #tpu.memory_space<vmem>>) offsets(%dma_start3A_481 : memref<128xi32, #tpu.memory_space<vmem>>) semaphore(%arg18 : memref<!tpu.dma_semaphore, #tpu.memory_space<semaphore_mem>>)
      %dma_start3A_485 = arith.constant 1 : i32
      %dma_start3A_486 = arith.constant 0 : i32
      %dma_start3A_487 = tpu.memref_slice %arg8[%dma_start3A_485, %dma_start3A_486] : memref<162x128xi32, #tpu.memory_space<vmem>> -> memref<1x128xi32, #tpu.memory_space<vmem>>
      %dma_start3A_488 = tpu.memref_squeeze %dma_start3A_487 : memref<1x128xi32, #tpu.memory_space<vmem>> -> memref<128xi32, #tpu.memory_space<vmem>>
      %dma_start3A_489 = arith.constant 0 : i32
      %dma_start3A_490 = arith.constant 0 : i32
      %dma_start3A_491 = tpu.memref_slice %arg17[%dma_start3A_489, %dma_start3A_490] : memref<10112x16xf32, #tpu.memory_space<vmem_shared>> -> memref<10112x16xf32, #tpu.memory_space<vmem_shared>>
      tpu.enqueue_indirect_dma source(%dma_start3A_491 : memref<10112x16xf32, #tpu.memory_space<vmem_shared>>) target(%arg11 : memref<128x16xf32, #tpu.memory_space<vmem>>) offsets(%dma_start3A_488 : memref<128xi32, #tpu.memory_space<vmem>>) semaphore(%arg19 : memref<!tpu.dma_semaphore, #tpu.memory_space<semaphore_mem>>)
      %dma_wait3A_492 = arith.constant 0 : i32
      %dma_wait3A_493 = arith.constant 0 : i32
      %dma_wait3A_494 = tpu.memref_slice %arg8[%dma_wait3A_492, %dma_wait3A_493] : memref<162x128xi32, #tpu.memory_space<vmem>> -> memref<1x128xi32, #tpu.memory_space<vmem>>
      %dma_wait3A_495 = tpu.memref_squeeze %dma_wait3A_494 : memref<1x128xi32, #tpu.memory_space<vmem>> -> memref<128xi32, #tpu.memory_space<vmem>>
      %dma_wait3A_496 = arith.constant 0 : i32
      %dma_wait3A_497 = arith.constant 0 : i32
      %dma_wait3A_498 = tpu.memref_slice %arg17[%dma_wait3A_496, %dma_wait3A_497] : memref<10112x16xf32, #tpu.memory_space<vmem_shared>> -> memref<10112x16xf32, #tpu.memory_space<vmem_shared>>
      tpu.wait_indirect_dma semaphore(%arg18 : memref<!tpu.dma_semaphore, #tpu.memory_space<semaphore_mem>>) src(%dma_wait3A_498 : memref<10112x16xf32, #tpu.memory_space<vmem_shared>>) dst(%arg10 : memref<128x16xf32, #tpu.memory_space<vmem>>)
      %dma_start3A_499 = arith.constant 2 : i32
      %dma_start3A_500 = arith.constant 0 : i32
      %dma_start3A_501 = tpu.memref_slice %arg8[%dma_start3A_499, %dma_start3A_500] : memref<162x128xi32, #tpu.memory_space<vmem>> -> memref<1x128xi32, #tpu.memory_space<vmem>>
      %dma_start3A_502 = tpu.memref_squeeze %dma_start3A_501 : memref<1x128xi32, #tpu.memory_space<vmem>> -> memref<128xi32, #tpu.memory_space<vmem>>
      %dma_start3A_503 = arith.constant 0 : i32
      %dma_start3A_504 = arith.constant 0 : i32
      %dma_start3A_505 = tpu.memref_slice %arg17[%dma_start3A_503, %dma_start3A_504] : memref<10112x16xf32, #tpu.memory_space<vmem_shared>> -> memref<10112x16xf32, #tpu.memory_space<vmem_shared>>
      tpu.enqueue_indirect_dma source(%dma_start3A_505 : memref<10112x16xf32, #tpu.memory_space<vmem_shared>>) target(%arg12 : memref<128x16xf32, #tpu.memory_space<vmem>>) offsets(%dma_start3A_502 : memref<128xi32, #tpu.memory_space<vmem>>) semaphore(%arg20 : memref<!tpu.dma_semaphore, #tpu.memory_space<semaphore_mem>>)
      %dma_start3A_506 = arith.constant 0 : i32
      %dma_start3A_507 = arith.constant 0 : i32
      %dma_start3A_508 = tpu.memref_slice %arg9[%dma_start3A_506, %dma_start3A_507] : memref<162x128xi32, #tpu.memory_space<vmem>> -> memref<1x128xi32, #tpu.memory_space<vmem>>
      %dma_start3A_509 = tpu.memref_squeeze %dma_start3A_508 : memref<1x128xi32, #tpu.memory_space<vmem>> -> memref<128xi32, #tpu.memory_space<vmem>>
      %dma_start3A_510 = arith.constant 0 : i32
      %dma_start3A_511 = arith.constant 0 : i32
      %dma_start3A_512 = tpu.memref_slice %arg16[%dma_start3A_510, %dma_start3A_511] : memref<10112x16xf32, #tpu.memory_space<vmem_shared>> -> memref<10112x16xf32, #tpu.memory_space<vmem_shared>>
      tpu.enqueue_indirect_dma source(%arg10 : memref<128x16xf32, #tpu.memory_space<vmem>>) target(%dma_start3A_512 : memref<10112x16xf32, #tpu.memory_space<vmem_shared>>) offsets(%dma_start3A_509 : memref<128xi32, #tpu.memory_space<vmem>>) semaphore(%arg22 : memref<!tpu.dma_semaphore, #tpu.memory_space<semaphore_mem>>) {add = true}
      %dma_wait3A_513 = arith.constant 1 : i32
      %dma_wait3A_514 = arith.constant 0 : i32
      %dma_wait3A_515 = tpu.memref_slice %arg8[%dma_wait3A_513, %dma_wait3A_514] : memref<162x128xi32, #tpu.memory_space<vmem>> -> memref<1x128xi32, #tpu.memory_space<vmem>>
      %dma_wait3A_516 = tpu.memref_squeeze %dma_wait3A_515 : memref<1x128xi32, #tpu.memory_space<vmem>> -> memref<128xi32, #tpu.memory_space<vmem>>
      %dma_wait3A_517 = arith.constant 0 : i32
      %dma_wait3A_518 = arith.constant 0 : i32
      %dma_wait3A_519 = tpu.memref_slice %arg17[%dma_wait3A_517, %dma_wait3A_518] : memref<10112x16xf32, #tpu.memory_space<vmem_shared>> -> memref<10112x16xf32, #tpu.memory_space<vmem_shared>>
      tpu.wait_indirect_dma semaphore(%arg19 : memref<!tpu.dma_semaphore, #tpu.memory_space<semaphore_mem>>) src(%dma_wait3A_519 : memref<10112x16xf32, #tpu.memory_space<vmem_shared>>) dst(%arg11 : memref<128x16xf32, #tpu.memory_space<vmem>>)
      %dma_start3A_520 = arith.constant 3 : i32
      %dma_start3A_521 = arith.constant 0 : i32
      %dma_start3A_522 = tpu.memref_slice %arg8[%dma_start3A_520, %dma_start3A_521] : memref<162x128xi32, #tpu.memory_space<vmem>> -> memref<1x128xi32, #tpu.memory_space<vmem>>
      %dma_start3A_523 = tpu.memref_squeeze %dma_start3A_522 : memref<1x128xi32, #tpu.memory_space<vmem>> -> memref<128xi32, #tpu.memory_space<vmem>>
      %dma_start3A_524 = arith.constant 0 : i32
      %dma_start3A_525 = arith.constant 0 : i32
      %dma_start3A_526 = tpu.memref_slice %arg17[%dma_start3A_524, %dma_start3A_525] : memref<10112x16xf32, #tpu.memory_space<vmem_shared>> -> memref<10112x16xf32, #tpu.memory_space<vmem_shared>>
      tpu.enqueue_indirect_dma source(%dma_start3A_526 : memref<10112x16xf32, #tpu.memory_space<vmem_shared>>) target(%arg13 : memref<128x16xf32, #tpu.memory_space<vmem>>) offsets(%dma_start3A_523 : memref<128xi32, #tpu.memory_space<vmem>>) semaphore(%arg21 : memref<!tpu.dma_semaphore, #tpu.memory_space<semaphore_mem>>)
      %dma_start3A_527 = arith.constant 1 : i32
      %dma_start3A_528 = arith.constant 0 : i32
      %dma_start3A_529 = tpu.memref_slice %arg9[%dma_start3A_527, %dma_start3A_528] : memref<162x128xi32, #tpu.memory_space<vmem>> -> memref<1x128xi32, #tpu.memory_space<vmem>>
      %dma_start3A_530 = tpu.memref_squeeze %dma_start3A_529 : memref<1x128xi32, #tpu.memory_space<vmem>> -> memref<128xi32, #tpu.memory_space<vmem>>
      %dma_start3A_531 = arith.constant 0 : i32
      %dma_start3A_532 = arith.constant 0 : i32
      %dma_start3A_533 = tpu.memref_slice %arg16[%dma_start3A_531, %dma_start3A_532] : memref<10112x16xf32, #tpu.memory_space<vmem_shared>> -> memref<10112x16xf32, #tpu.memory_space<vmem_shared>>
      tpu.enqueue_indirect_dma source(%arg11 : memref<128x16xf32, #tpu.memory_space<vmem>>) target(%dma_start3A_533 : memref<10112x16xf32, #tpu.memory_space<vmem_shared>>) offsets(%dma_start3A_530 : memref<128xi32, #tpu.memory_space<vmem>>) semaphore(%arg23 : memref<!tpu.dma_semaphore, #tpu.memory_space<semaphore_mem>>) {add = true}
      %dma_wait3A_534 = arith.constant 2 : i32
      %dma_wait3A_535 = arith.constant 0 : i32
      %dma_wait3A_536 = tpu.memref_slice %arg8[%dma_wait3A_534, %dma_wait3A_535] : memref<162x128xi32, #tpu.memory_space<vmem>> -> memref<1x128xi32, #tpu.memory_space<vmem>>
      %dma_wait3A_537 = tpu.memref_squeeze %dma_wait3A_536 : memref<1x128xi32, #tpu.memory_space<vmem>> -> memref<128xi32, #tpu.memory_space<vmem>>
      %dma_wait3A_538 = arith.constant 0 : i32
      %dma_wait3A_539 = arith.constant 0 : i32
      %dma_wait3A_540 = tpu.memref_slice %arg17[%dma_wait3A_538, %dma_wait3A_539] : memref<10112x16xf32, #tpu.memory_space<vmem_shared>> -> memref<10112x16xf32, #tpu.memory_space<vmem_shared>>
      tpu.wait_indirect_dma semaphore(%arg20 : memref<!tpu.dma_semaphore, #tpu.memory_space<semaphore_mem>>) src(%dma_wait3A_540 : memref<10112x16xf32, #tpu.memory_space<vmem_shared>>) dst(%arg12 : memref<128x16xf32, #tpu.memory_space<vmem>>)
      %dma_wait3A_541 = arith.constant 0 : i32
      %dma_wait3A_542 = arith.constant 0 : i32
      %dma_wait3A_543 = tpu.memref_slice %arg9[%dma_wait3A_541, %dma_wait3A_542] : memref<162x128xi32, #tpu.memory_space<vmem>> -> memref<1x128xi32, #tpu.memory_space<vmem>>
      %dma_wait3A_544 = tpu.memref_squeeze %dma_wait3A_543 : memref<1x128xi32, #tpu.memory_space<vmem>> -> memref<128xi32, #tpu.memory_space<vmem>>
      %dma_wait3A_545 = arith.constant 0 : i32
      %dma_wait3A_546 = arith.constant 0 : i32
      %dma_wait3A_547 = tpu.memref_slice %arg16[%dma_wait3A_545, %dma_wait3A_546] : memref<10112x16xf32, #tpu.memory_space<vmem_shared>> -> memref<10112x16xf32, #tpu.memory_space<vmem_shared>>
      tpu.wait_indirect_dma semaphore(%arg22 : memref<!tpu.dma_semaphore, #tpu.memory_space<semaphore_mem>>) src(%arg10 : memref<128x16xf32, #tpu.memory_space<vmem>>) dst(%dma_wait3A_547 : memref<10112x16xf32, #tpu.memory_space<vmem_shared>>)
      %dma_start3A_548 = arith.constant 4 : i32
      %dma_start3A_549 = arith.constant 0 : i32
      %dma_start3A_550 = tpu.memref_slice %arg8[%dma_start3A_548, %dma_start3A_549] : memref<162x128xi32, #tpu.memory_space<vmem>> -> memref<1x128xi32, #tpu.memory_space<vmem>>
      %dma_start3A_551 = tpu.memref_squeeze %dma_start3A_550 : memref<1x128xi32, #tpu.memory_space<vmem>> -> memref<128xi32, #tpu.memory_space<vmem>>
      %dma_start3A_552 = arith.constant 0 : i32
      %dma_start3A_553 = arith.constant 0 : i32
      %dma_start3A_554 = tpu.memref_slice %arg17[%dma_start3A_552, %dma_start3A_553] : memref<10112x16xf32, #tpu.memory_space<vmem_shared>> -> memref<10112x16xf32, #tpu.memory_space<vmem_shared>>
      tpu.enqueue_indirect_dma source(%dma_start3A_554 : memref<10112x16xf32, #tpu.memory_space<vmem_shared>>) target(%arg10 : memref<128x16xf32, #tpu.memory_space<vmem>>) offsets(%dma_start3A_551 : memref<128xi32, #tpu.memory_space<vmem>>) semaphore(%arg18 : memref<!tpu.dma_semaphore, #tpu.memory_space<semaphore_mem>>)
      %dma_start3A_555 = arith.constant 2 : i32
      %dma_start3A_556 = arith.constant 0 : i32
      %dma_start3A_557 = tpu.memref_slice %arg9[%dma_start3A_555, %dma_start3A_556] : memref<162x128xi32, #tpu.memory_space<vmem>> -> memref<1x128xi32, #tpu.memory_space<vmem>>
      %dma_start3A_558 = tpu.memref_squeeze %dma_start3A_557 : memref<1x128xi32, #tpu.memory_space<vmem>> -> memref<128xi32, #tpu.memory_space<vmem>>
      %dma_start3A_559 = arith.constant 0 : i32
      %dma_start3A_560 = arith.constant 0 : i32
      %dma_start3A_561 = tpu.memref_slice %arg16[%dma_start3A_559, %dma_start3A_560] : memref<10112x16xf32, #tpu.memory_space<vmem_shared>> -> memref<10112x16xf32, #tpu.memory_space<vmem_shared>>
      tpu.enqueue_indirect_dma source(%arg12 : memref<128x16xf32, #tpu.memory_space<vmem>>) target(%dma_start3A_561 : memref<10112x16xf32, #tpu.memory_space<vmem_shared>>) offsets(%dma_start3A_558 : memref<128xi32, #tpu.memory_space<vmem>>) semaphore(%arg24 : memref<!tpu.dma_semaphore, #tpu.memory_space<semaphore_mem>>) {add = true}
      %dma_wait3A_562 = arith.constant 3 : i32
      %dma_wait3A_563 = arith.constant 0 : i32
      %dma_wait3A_564 = tpu.memref_slice %arg8[%dma_wait3A_562, %dma_wait3A_563] : memref<162x128xi32, #tpu.memory_space<vmem>> -> memref<1x128xi32, #tpu.memory_space<vmem>>
      %dma_wait3A_565 = tpu.memref_squeeze %dma_wait3A_564 : memref<1x128xi32, #tpu.memory_space<vmem>> -> memref<128xi32, #tpu.memory_space<vmem>>
      %dma_wait3A_566 = arith.constant 0 : i32
      %dma_wait3A_567 = arith.constant 0 : i32
      %dma_wait3A_568 = tpu.memref_slice %arg17[%dma_wait3A_566, %dma_wait3A_567] : memref<10112x16xf32, #tpu.memory_space<vmem_shared>> -> memref<10112x16xf32, #tpu.memory_space<vmem_shared>>
      tpu.wait_indirect_dma semaphore(%arg21 : memref<!tpu.dma_semaphore, #tpu.memory_space<semaphore_mem>>) src(%dma_wait3A_568 : memref<10112x16xf32, #tpu.memory_space<vmem_shared>>) dst(%arg13 : memref<128x16xf32, #tpu.memory_space<vmem>>)
      %dma_wait3A_569 = arith.constant 1 : i32
      %dma_wait3A_570 = arith.constant 0 : i32
      %dma_wait3A_571 = tpu.memref_slice %arg9[%dma_wait3A_569, %dma_wait3A_570] : memref<162x128xi32, #tpu.memory_space<vmem>> -> memref<1x128xi32, #tpu.memory_space<vmem>>
      %dma_wait3A_572 = tpu.memref_squeeze %dma_wait3A_571 : memref<1x128xi32, #tpu.memory_space<vmem>> -> memref<128xi32, #tpu.memory_space<vmem>>
      %dma_wait3A_573 = arith.constant 0 : i32
      %dma_wait3A_574 = arith.constant 0 : i32
      %dma_wait3A_575 = tpu.memref_slice %arg16[%dma_wait3A_573, %dma_wait3A_574] : memref<10112x16xf32, #tpu.memory_space<vmem_shared>> -> memref<10112x16xf32, #tpu.memory_space<vmem_shared>>
      tpu.wait_indirect_dma semaphore(%arg23 : memref<!tpu.dma_semaphore, #tpu.memory_space<semaphore_mem>>) src(%arg11 : memref<128x16xf32, #tpu.memory_space<vmem>>) dst(%dma_wait3A_575 : memref<10112x16xf32, #tpu.memory_space<vmem_shared>>)
      %dma_start3A_576 = arith.constant 5 : i32
      %dma_start3A_577 = arith.constant 0 : i32
      %dma_start3A_578 = tpu.memref_slice %arg8[%dma_start3A_576, %dma_start3A_577] : memref<162x128xi32, #tpu.memory_space<vmem>> -> memref<1x128xi32, #tpu.memory_space<vmem>>
      %dma_start3A_579 = tpu.memref_squeeze %dma_start3A_578 : memref<1x128xi32, #tpu.memory_space<vmem>> -> memref<128xi32, #tpu.memory_space<vmem>>
      %dma_start3A_580 = arith.constant 0 : i32
      %dma_start3A_581 = arith.constant 0 : i32
      %dma_start3A_582 = tpu.memref_slice %arg17[%dma_start3A_580, %dma_start3A_581] : memref<10112x16xf32, #tpu.memory_space<vmem_shared>> -> memref<10112x16xf32, #tpu.memory_space<vmem_shared>>
      tpu.enqueue_indirect_dma source(%dma_start3A_582 : memref<10112x16xf32, #tpu.memory_space<vmem_shared>>) target(%arg11 : memref<128x16xf32, #tpu.memory_space<vmem>>) offsets(%dma_start3A_579 : memref<128xi32, #tpu.memory_space<vmem>>) semaphore(%arg19 : memref<!tpu.dma_semaphore, #tpu.memory_space<semaphore_mem>>)
      %dma_start3A_583 = arith.constant 3 : i32
      %dma_start3A_584 = arith.constant 0 : i32
      %dma_start3A_585 = tpu.memref_slice %arg9[%dma_start3A_583, %dma_start3A_584] : memref<162x128xi32, #tpu.memory_space<vmem>> -> memref<1x128xi32, #tpu.memory_space<vmem>>
      %dma_start3A_586 = tpu.memref_squeeze %dma_start3A_585 : memref<1x128xi32, #tpu.memory_space<vmem>> -> memref<128xi32, #tpu.memory_space<vmem>>
      %dma_start3A_587 = arith.constant 0 : i32
      %dma_start3A_588 = arith.constant 0 : i32
      %dma_start3A_589 = tpu.memref_slice %arg16[%dma_start3A_587, %dma_start3A_588] : memref<10112x16xf32, #tpu.memory_space<vmem_shared>> -> memref<10112x16xf32, #tpu.memory_space<vmem_shared>>
      tpu.enqueue_indirect_dma source(%arg13 : memref<128x16xf32, #tpu.memory_space<vmem>>) target(%dma_start3A_589 : memref<10112x16xf32, #tpu.memory_space<vmem_shared>>) offsets(%dma_start3A_586 : memref<128xi32, #tpu.memory_space<vmem>>) semaphore(%arg25 : memref<!tpu.dma_semaphore, #tpu.memory_space<semaphore_mem>>) {add = true}
      %scan3A_590 = arith.constant 0 : i32
      %scan3A_591 = arith.constant 1 : i32
      %scan3A_592 = arith.constant 39 : i32
      %scan3A_593 = arith.addi %scan3A_591, %scan3A_592 : i32
      %scan3A_594 = arith.constant 1 : i32
      scf.for %scan3A_634 = %scan3A_591 to %scan3A_593 step %scan3A_594  : i32 {
        %mul3A_635 = arith.constant 4 : i32
        %mul3A_636 = arith.muli %mul3A_635, %scan3A_634 : i32
        %add3A = arith.constant 0 : i32
        %add3A_637 = arith.addi %mul3A_636, %add3A : i32
        %dma_wait3A_638 = arith.constant 0 : i32
        %dma_wait3A_639 = tpu.memref_slice %arg8[%add3A_637, %dma_wait3A_638] : memref<162x128xi32, #tpu.memory_space<vmem>> -> memref<1x128xi32, #tpu.memory_space<vmem>>
        %dma_wait3A_640 = tpu.memref_squeeze %dma_wait3A_639 : memref<1x128xi32, #tpu.memory_space<vmem>> -> memref<128xi32, #tpu.memory_space<vmem>>
        %dma_wait3A_641 = arith.constant 0 : i32
        %dma_wait3A_642 = arith.constant 0 : i32
        %dma_wait3A_643 = tpu.memref_slice %arg17[%dma_wait3A_641, %dma_wait3A_642] : memref<10112x16xf32, #tpu.memory_space<vmem_shared>> -> memref<10112x16xf32, #tpu.memory_space<vmem_shared>>
        tpu.wait_indirect_dma semaphore(%arg18 : memref<!tpu.dma_semaphore, #tpu.memory_space<semaphore_mem>>) src(%dma_wait3A_643 : memref<10112x16xf32, #tpu.memory_space<vmem_shared>>) dst(%arg10 : memref<128x16xf32, #tpu.memory_space<vmem>>)
        %sub3A = arith.constant 2 : i32
        %sub3A_644 = arith.subi %add3A_637, %sub3A : i32
        %dma_wait3A_645 = arith.constant 0 : i32
        %dma_wait3A_646 = tpu.memref_slice %arg9[%sub3A_644, %dma_wait3A_645] : memref<162x128xi32, #tpu.memory_space<vmem>> -> memref<1x128xi32, #tpu.memory_space<vmem>>
        %dma_wait3A_647 = tpu.memref_squeeze %dma_wait3A_646 : memref<1x128xi32, #tpu.memory_space<vmem>> -> memref<128xi32, #tpu.memory_space<vmem>>
        %dma_wait3A_648 = arith.constant 0 : i32
        %dma_wait3A_649 = arith.constant 0 : i32
        %dma_wait3A_650 = tpu.memref_slice %arg16[%dma_wait3A_648, %dma_wait3A_649] : memref<10112x16xf32, #tpu.memory_space<vmem_shared>> -> memref<10112x16xf32, #tpu.memory_space<vmem_shared>>
        tpu.wait_indirect_dma semaphore(%arg24 : memref<!tpu.dma_semaphore, #tpu.memory_space<semaphore_mem>>) src(%arg12 : memref<128x16xf32, #tpu.memory_space<vmem>>) dst(%dma_wait3A_650 : memref<10112x16xf32, #tpu.memory_space<vmem_shared>>)
        %add3A_651 = arith.constant 2 : i32
        %add3A_652 = arith.addi %add3A_637, %add3A_651 : i32
        %dma_start3A_653 = arith.constant 0 : i32
        %dma_start3A_654 = tpu.memref_slice %arg8[%add3A_652, %dma_start3A_653] : memref<162x128xi32, #tpu.memory_space<vmem>> -> memref<1x128xi32, #tpu.memory_space<vmem>>
        %dma_start3A_655 = tpu.memref_squeeze %dma_start3A_654 : memref<1x128xi32, #tpu.memory_space<vmem>> -> memref<128xi32, #tpu.memory_space<vmem>>
        %dma_start3A_656 = arith.constant 0 : i32
        %dma_start3A_657 = arith.constant 0 : i32
        %dma_start3A_658 = tpu.memref_slice %arg17[%dma_start3A_656, %dma_start3A_657] : memref<10112x16xf32, #tpu.memory_space<vmem_shared>> -> memref<10112x16xf32, #tpu.memory_space<vmem_shared>>
        tpu.enqueue_indirect_dma source(%dma_start3A_658 : memref<10112x16xf32, #tpu.memory_space<vmem_shared>>) target(%arg12 : memref<128x16xf32, #tpu.memory_space<vmem>>) offsets(%dma_start3A_655 : memref<128xi32, #tpu.memory_space<vmem>>) semaphore(%arg20 : memref<!tpu.dma_semaphore, #tpu.memory_space<semaphore_mem>>)
        %dma_start3A_659 = arith.constant 0 : i32
        %dma_start3A_660 = tpu.memref_slice %arg9[%add3A_637, %dma_start3A_659] : memref<162x128xi32, #tpu.memory_space<vmem>> -> memref<1x128xi32, #tpu.memory_space<vmem>>
        %dma_start3A_661 = tpu.memref_squeeze %dma_start3A_660 : memref<1x128xi32, #tpu.memory_space<vmem>> -> memref<128xi32, #tpu.memory_space<vmem>>
        %dma_start3A_662 = arith.constant 0 : i32
        %dma_start3A_663 = arith.constant 0 : i32
        %dma_start3A_664 = tpu.memref_slice %arg16[%dma_start3A_662, %dma_start3A_663] : memref<10112x16xf32, #tpu.memory_space<vmem_shared>> -> memref<10112x16xf32, #tpu.memory_space<vmem_shared>>
        tpu.enqueue_indirect_dma source(%arg10 : memref<128x16xf32, #tpu.memory_space<vmem>>) target(%dma_start3A_664 : memref<10112x16xf32, #tpu.memory_space<vmem_shared>>) offsets(%dma_start3A_661 : memref<128xi32, #tpu.memory_space<vmem>>) semaphore(%arg22 : memref<!tpu.dma_semaphore, #tpu.memory_space<semaphore_mem>>) {add = true}
        %add3A_665 = arith.constant 1 : i32
        %add3A_666 = arith.addi %mul3A_636, %add3A_665 : i32
        %dma_wait3A_667 = arith.constant 0 : i32
        %dma_wait3A_668 = tpu.memref_slice %arg8[%add3A_666, %dma_wait3A_667] : memref<162x128xi32, #tpu.memory_space<vmem>> -> memref<1x128xi32, #tpu.memory_space<vmem>>
        %dma_wait3A_669 = tpu.memref_squeeze %dma_wait3A_668 : memref<1x128xi32, #tpu.memory_space<vmem>> -> memref<128xi32, #tpu.memory_space<vmem>>
        %dma_wait3A_670 = arith.constant 0 : i32
        %dma_wait3A_671 = arith.constant 0 : i32
        %dma_wait3A_672 = tpu.memref_slice %arg17[%dma_wait3A_670, %dma_wait3A_671] : memref<10112x16xf32, #tpu.memory_space<vmem_shared>> -> memref<10112x16xf32, #tpu.memory_space<vmem_shared>>
        tpu.wait_indirect_dma semaphore(%arg19 : memref<!tpu.dma_semaphore, #tpu.memory_space<semaphore_mem>>) src(%dma_wait3A_672 : memref<10112x16xf32, #tpu.memory_space<vmem_shared>>) dst(%arg11 : memref<128x16xf32, #tpu.memory_space<vmem>>)
        %sub3A_673 = arith.constant 2 : i32
        %sub3A_674 = arith.subi %add3A_666, %sub3A_673 : i32
        %dma_wait3A_675 = arith.constant 0 : i32
        %dma_wait3A_676 = tpu.memref_slice %arg9[%sub3A_674, %dma_wait3A_675] : memref<162x128xi32, #tpu.memory_space<vmem>> -> memref<1x128xi32, #tpu.memory_space<vmem>>
        %dma_wait3A_677 = tpu.memref_squeeze %dma_wait3A_676 : memref<1x128xi32, #tpu.memory_space<vmem>> -> memref<128xi32, #tpu.memory_space<vmem>>
        %dma_wait3A_678 = arith.constant 0 : i32
        %dma_wait3A_679 = arith.constant 0 : i32
        %dma_wait3A_680 = tpu.memref_slice %arg16[%dma_wait3A_678, %dma_wait3A_679] : memref<10112x16xf32, #tpu.memory_space<vmem_shared>> -> memref<10112x16xf32, #tpu.memory_space<vmem_shared>>
        tpu.wait_indirect_dma semaphore(%arg25 : memref<!tpu.dma_semaphore, #tpu.memory_space<semaphore_mem>>) src(%arg13 : memref<128x16xf32, #tpu.memory_space<vmem>>) dst(%dma_wait3A_680 : memref<10112x16xf32, #tpu.memory_space<vmem_shared>>)
        %add3A_681 = arith.constant 2 : i32
        %add3A_682 = arith.addi %add3A_666, %add3A_681 : i32
        %dma_start3A_683 = arith.constant 0 : i32
        %dma_start3A_684 = tpu.memref_slice %arg8[%add3A_682, %dma_start3A_683] : memref<162x128xi32, #tpu.memory_space<vmem>> -> memref<1x128xi32, #tpu.memory_space<vmem>>
        %dma_start3A_685 = tpu.memref_squeeze %dma_start3A_684 : memref<1x128xi32, #tpu.memory_space<vmem>> -> memref<128xi32, #tpu.memory_space<vmem>>
        %dma_start3A_686 = arith.constant 0 : i32
        %dma_start3A_687 = arith.constant 0 : i32
        %dma_start3A_688 = tpu.memref_slice %arg17[%dma_start3A_686, %dma_start3A_687] : memref<10112x16xf32, #tpu.memory_space<vmem_shared>> -> memref<10112x16xf32, #tpu.memory_space<vmem_shared>>
        tpu.enqueue_indirect_dma source(%dma_start3A_688 : memref<10112x16xf32, #tpu.memory_space<vmem_shared>>) target(%arg13 : memref<128x16xf32, #tpu.memory_space<vmem>>) offsets(%dma_start3A_685 : memref<128xi32, #tpu.memory_space<vmem>>) semaphore(%arg21 : memref<!tpu.dma_semaphore, #tpu.memory_space<semaphore_mem>>)
        %dma_start3A_689 = arith.constant 0 : i32
        %dma_start3A_690 = tpu.memref_slice %arg9[%add3A_666, %dma_start3A_689] : memref<162x128xi32, #tpu.memory_space<vmem>> -> memref<1x128xi32, #tpu.memory_space<vmem>>
        %dma_start3A_691 = tpu.memref_squeeze %dma_start3A_690 : memref<1x128xi32, #tpu.memory_space<vmem>> -> memref<128xi32, #tpu.memory_space<vmem>>
        %dma_start3A_692 = arith.constant 0 : i32
        %dma_start3A_693 = arith.constant 0 : i32
        %dma_start3A_694 = tpu.memref_slice %arg16[%dma_start3A_692, %dma_start3A_693] : memref<10112x16xf32, #tpu.memory_space<vmem_shared>> -> memref<10112x16xf32, #tpu.memory_space<vmem_shared>>
        tpu.enqueue_indirect_dma source(%arg11 : memref<128x16xf32, #tpu.memory_space<vmem>>) target(%dma_start3A_694 : memref<10112x16xf32, #tpu.memory_space<vmem_shared>>) offsets(%dma_start3A_691 : memref<128xi32, #tpu.memory_space<vmem>>) semaphore(%arg23 : memref<!tpu.dma_semaphore, #tpu.memory_space<semaphore_mem>>) {add = true}
        %add3A_695 = arith.constant 2 : i32
        %add3A_696 = arith.addi %mul3A_636, %add3A_695 : i32
        %dma_wait3A_697 = arith.constant 0 : i32
        %dma_wait3A_698 = tpu.memref_slice %arg8[%add3A_696, %dma_wait3A_697] : memref<162x128xi32, #tpu.memory_space<vmem>> -> memref<1x128xi32, #tpu.memory_space<vmem>>
        %dma_wait3A_699 = tpu.memref_squeeze %dma_wait3A_698 : memref<1x128xi32, #tpu.memory_space<vmem>> -> memref<128xi32, #tpu.memory_space<vmem>>
        %dma_wait3A_700 = arith.constant 0 : i32
        %dma_wait3A_701 = arith.constant 0 : i32
        %dma_wait3A_702 = tpu.memref_slice %arg17[%dma_wait3A_700, %dma_wait3A_701] : memref<10112x16xf32, #tpu.memory_space<vmem_shared>> -> memref<10112x16xf32, #tpu.memory_space<vmem_shared>>
        tpu.wait_indirect_dma semaphore(%arg20 : memref<!tpu.dma_semaphore, #tpu.memory_space<semaphore_mem>>) src(%dma_wait3A_702 : memref<10112x16xf32, #tpu.memory_space<vmem_shared>>) dst(%arg12 : memref<128x16xf32, #tpu.memory_space<vmem>>)
        %sub3A_703 = arith.constant 2 : i32
        %sub3A_704 = arith.subi %add3A_696, %sub3A_703 : i32
        %dma_wait3A_705 = arith.constant 0 : i32
        %dma_wait3A_706 = tpu.memref_slice %arg9[%sub3A_704, %dma_wait3A_705] : memref<162x128xi32, #tpu.memory_space<vmem>> -> memref<1x128xi32, #tpu.memory_space<vmem>>
        %dma_wait3A_707 = tpu.memref_squeeze %dma_wait3A_706 : memref<1x128xi32, #tpu.memory_space<vmem>> -> memref<128xi32, #tpu.memory_space<vmem>>
        %dma_wait3A_708 = arith.constant 0 : i32
        %dma_wait3A_709 = arith.constant 0 : i32
        %dma_wait3A_710 = tpu.memref_slice %arg16[%dma_wait3A_708, %dma_wait3A_709] : memref<10112x16xf32, #tpu.memory_space<vmem_shared>> -> memref<10112x16xf32, #tpu.memory_space<vmem_shared>>
        tpu.wait_indirect_dma semaphore(%arg22 : memref<!tpu.dma_semaphore, #tpu.memory_space<semaphore_mem>>) src(%arg10 : memref<128x16xf32, #tpu.memory_space<vmem>>) dst(%dma_wait3A_710 : memref<10112x16xf32, #tpu.memory_space<vmem_shared>>)
        %add3A_711 = arith.constant 2 : i32
        %add3A_712 = arith.addi %add3A_696, %add3A_711 : i32
        %dma_start3A_713 = arith.constant 0 : i32
        %dma_start3A_714 = tpu.memref_slice %arg8[%add3A_712, %dma_start3A_713] : memref<162x128xi32, #tpu.memory_space<vmem>> -> memref<1x128xi32, #tpu.memory_space<vmem>>
        %dma_start3A_715 = tpu.memref_squeeze %dma_start3A_714 : memref<1x128xi32, #tpu.memory_space<vmem>> -> memref<128xi32, #tpu.memory_space<vmem>>
        %dma_start3A_716 = arith.constant 0 : i32
        %dma_start3A_717 = arith.constant 0 : i32
        %dma_start3A_718 = tpu.memref_slice %arg17[%dma_start3A_716, %dma_start3A_717] : memref<10112x16xf32, #tpu.memory_space<vmem_shared>> -> memref<10112x16xf32, #tpu.memory_space<vmem_shared>>
        tpu.enqueue_indirect_dma source(%dma_start3A_718 : memref<10112x16xf32, #tpu.memory_space<vmem_shared>>) target(%arg10 : memref<128x16xf32, #tpu.memory_space<vmem>>) offsets(%dma_start3A_715 : memref<128xi32, #tpu.memory_space<vmem>>) semaphore(%arg18 : memref<!tpu.dma_semaphore, #tpu.memory_space<semaphore_mem>>)
        %dma_start3A_719 = arith.constant 0 : i32
        %dma_start3A_720 = tpu.memref_slice %arg9[%add3A_696, %dma_start3A_719] : memref<162x128xi32, #tpu.memory_space<vmem>> -> memref<1x128xi32, #tpu.memory_space<vmem>>
        %dma_start3A_721 = tpu.memref_squeeze %dma_start3A_720 : memref<1x128xi32, #tpu.memory_space<vmem>> -> memref<128xi32, #tpu.memory_space<vmem>>
        %dma_start3A_722 = arith.constant 0 : i32
        %dma_start3A_723 = arith.constant 0 : i32
        %dma_start3A_724 = tpu.memref_slice %arg16[%dma_start3A_722, %dma_start3A_723] : memref<10112x16xf32, #tpu.memory_space<vmem_shared>> -> memref<10112x16xf32, #tpu.memory_space<vmem_shared>>
        tpu.enqueue_indirect_dma source(%arg12 : memref<128x16xf32, #tpu.memory_space<vmem>>) target(%dma_start3A_724 : memref<10112x16xf32, #tpu.memory_space<vmem_shared>>) offsets(%dma_start3A_721 : memref<128xi32, #tpu.memory_space<vmem>>) semaphore(%arg24 : memref<!tpu.dma_semaphore, #tpu.memory_space<semaphore_mem>>) {add = true}
        %add3A_725 = arith.constant 3 : i32
        %add3A_726 = arith.addi %mul3A_636, %add3A_725 : i32
        %dma_wait3A_727 = arith.constant 0 : i32
        %dma_wait3A_728 = tpu.memref_slice %arg8[%add3A_726, %dma_wait3A_727] : memref<162x128xi32, #tpu.memory_space<vmem>> -> memref<1x128xi32, #tpu.memory_space<vmem>>
        %dma_wait3A_729 = tpu.memref_squeeze %dma_wait3A_728 : memref<1x128xi32, #tpu.memory_space<vmem>> -> memref<128xi32, #tpu.memory_space<vmem>>
        %dma_wait3A_730 = arith.constant 0 : i32
        %dma_wait3A_731 = arith.constant 0 : i32
        %dma_wait3A_732 = tpu.memref_slice %arg17[%dma_wait3A_730, %dma_wait3A_731] : memref<10112x16xf32, #tpu.memory_space<vmem_shared>> -> memref<10112x16xf32, #tpu.memory_space<vmem_shared>>
        tpu.wait_indirect_dma semaphore(%arg21 : memref<!tpu.dma_semaphore, #tpu.memory_space<semaphore_mem>>) src(%dma_wait3A_732 : memref<10112x16xf32, #tpu.memory_space<vmem_shared>>) dst(%arg13 : memref<128x16xf32, #tpu.memory_space<vmem>>)
        %sub3A_733 = arith.constant 2 : i32
        %sub3A_734 = arith.subi %add3A_726, %sub3A_733 : i32
        %dma_wait3A_735 = arith.constant 0 : i32
        %dma_wait3A_736 = tpu.memref_slice %arg9[%sub3A_734, %dma_wait3A_735] : memref<162x128xi32, #tpu.memory_space<vmem>> -> memref<1x128xi32, #tpu.memory_space<vmem>>
        %dma_wait3A_737 = tpu.memref_squeeze %dma_wait3A_736 : memref<1x128xi32, #tpu.memory_space<vmem>> -> memref<128xi32, #tpu.memory_space<vmem>>
        %dma_wait3A_738 = arith.constant 0 : i32
        %dma_wait3A_739 = arith.constant 0 : i32
        %dma_wait3A_740 = tpu.memref_slice %arg16[%dma_wait3A_738, %dma_wait3A_739] : memref<10112x16xf32, #tpu.memory_space<vmem_shared>> -> memref<10112x16xf32, #tpu.memory_space<vmem_shared>>
        tpu.wait_indirect_dma semaphore(%arg23 : memref<!tpu.dma_semaphore, #tpu.memory_space<semaphore_mem>>) src(%arg11 : memref<128x16xf32, #tpu.memory_space<vmem>>) dst(%dma_wait3A_740 : memref<10112x16xf32, #tpu.memory_space<vmem_shared>>)
        %add3A_741 = arith.constant 2 : i32
        %add3A_742 = arith.addi %add3A_726, %add3A_741 : i32
        %dma_start3A_743 = arith.constant 0 : i32
        %dma_start3A_744 = tpu.memref_slice %arg8[%add3A_742, %dma_start3A_743] : memref<162x128xi32, #tpu.memory_space<vmem>> -> memref<1x128xi32, #tpu.memory_space<vmem>>
        %dma_start3A_745 = tpu.memref_squeeze %dma_start3A_744 : memref<1x128xi32, #tpu.memory_space<vmem>> -> memref<128xi32, #tpu.memory_space<vmem>>
        %dma_start3A_746 = arith.constant 0 : i32
        %dma_start3A_747 = arith.constant 0 : i32
        %dma_start3A_748 = tpu.memref_slice %arg17[%dma_start3A_746, %dma_start3A_747] : memref<10112x16xf32, #tpu.memory_space<vmem_shared>> -> memref<10112x16xf32, #tpu.memory_space<vmem_shared>>
        tpu.enqueue_indirect_dma source(%dma_start3A_748 : memref<10112x16xf32, #tpu.memory_space<vmem_shared>>) target(%arg11 : memref<128x16xf32, #tpu.memory_space<vmem>>) offsets(%dma_start3A_745 : memref<128xi32, #tpu.memory_space<vmem>>) semaphore(%arg19 : memref<!tpu.dma_semaphore, #tpu.memory_space<semaphore_mem>>)
        %dma_start3A_749 = arith.constant 0 : i32
        %dma_start3A_750 = tpu.memref_slice %arg9[%add3A_726, %dma_start3A_749] : memref<162x128xi32, #tpu.memory_space<vmem>> -> memref<1x128xi32, #tpu.memory_space<vmem>>
        %dma_start3A_751 = tpu.memref_squeeze %dma_start3A_750 : memref<1x128xi32, #tpu.memory_space<vmem>> -> memref<128xi32, #tpu.memory_space<vmem>>
        %dma_start3A_752 = arith.constant 0 : i32
        %dma_start3A_753 = arith.constant 0 : i32
        %dma_start3A_754 = tpu.memref_slice %arg16[%dma_start3A_752, %dma_start3A_753] : memref<10112x16xf32, #tpu.memory_space<vmem_shared>> -> memref<10112x16xf32, #tpu.memory_space<vmem_shared>>
        tpu.enqueue_indirect_dma source(%arg13 : memref<128x16xf32, #tpu.memory_space<vmem>>) target(%dma_start3A_754 : memref<10112x16xf32, #tpu.memory_space<vmem_shared>>) offsets(%dma_start3A_751 : memref<128xi32, #tpu.memory_space<vmem>>) semaphore(%arg25 : memref<!tpu.dma_semaphore, #tpu.memory_space<semaphore_mem>>) {add = true}
      }
      %scan3A_595 = arith.constant 39 : i32
      %dma_wait3A_596 = arith.constant 160 : i32
      %dma_wait3A_597 = arith.constant 0 : i32
      %dma_wait3A_598 = tpu.memref_slice %arg8[%dma_wait3A_596, %dma_wait3A_597] : memref<162x128xi32, #tpu.memory_space<vmem>> -> memref<1x128xi32, #tpu.memory_space<vmem>>
      %dma_wait3A_599 = tpu.memref_squeeze %dma_wait3A_598 : memref<1x128xi32, #tpu.memory_space<vmem>> -> memref<128xi32, #tpu.memory_space<vmem>>
      %dma_wait3A_600 = arith.constant 0 : i32
      %dma_wait3A_601 = arith.constant 0 : i32
      %dma_wait3A_602 = tpu.memref_slice %arg17[%dma_wait3A_600, %dma_wait3A_601] : memref<10112x16xf32, #tpu.memory_space<vmem_shared>> -> memref<10112x16xf32, #tpu.memory_space<vmem_shared>>
      tpu.wait_indirect_dma semaphore(%arg18 : memref<!tpu.dma_semaphore, #tpu.memory_space<semaphore_mem>>) src(%dma_wait3A_602 : memref<10112x16xf32, #tpu.memory_space<vmem_shared>>) dst(%arg10 : memref<128x16xf32, #tpu.memory_space<vmem>>)
      %dma_wait3A_603 = arith.constant 161 : i32
      %dma_wait3A_604 = arith.constant 0 : i32
      %dma_wait3A_605 = tpu.memref_slice %arg8[%dma_wait3A_603, %dma_wait3A_604] : memref<162x128xi32, #tpu.memory_space<vmem>> -> memref<1x128xi32, #tpu.memory_space<vmem>>
      %dma_wait3A_606 = tpu.memref_squeeze %dma_wait3A_605 : memref<1x128xi32, #tpu.memory_space<vmem>> -> memref<128xi32, #tpu.memory_space<vmem>>
      %dma_wait3A_607 = arith.constant 0 : i32
      %dma_wait3A_608 = arith.constant 0 : i32
      %dma_wait3A_609 = tpu.memref_slice %arg17[%dma_wait3A_607, %dma_wait3A_608] : memref<10112x16xf32, #tpu.memory_space<vmem_shared>> -> memref<10112x16xf32, #tpu.memory_space<vmem_shared>>
      tpu.wait_indirect_dma semaphore(%arg19 : memref<!tpu.dma_semaphore, #tpu.memory_space<semaphore_mem>>) src(%dma_wait3A_609 : memref<10112x16xf32, #tpu.memory_space<vmem_shared>>) dst(%arg11 : memref<128x16xf32, #tpu.memory_space<vmem>>)
      %dma_wait3A_610 = arith.constant 158 : i32
      %dma_wait3A_611 = arith.constant 0 : i32
      %dma_wait3A_612 = tpu.memref_slice %arg9[%dma_wait3A_610, %dma_wait3A_611] : memref<162x128xi32, #tpu.memory_space<vmem>> -> memref<1x128xi32, #tpu.memory_space<vmem>>
      %dma_wait3A_613 = tpu.memref_squeeze %dma_wait3A_612 : memref<1x128xi32, #tpu.memory_space<vmem>> -> memref<128xi32, #tpu.memory_space<vmem>>
      %dma_wait3A_614 = arith.constant 0 : i32
      %dma_wait3A_615 = arith.constant 0 : i32
      %dma_wait3A_616 = tpu.memref_slice %arg16[%dma_wait3A_614, %dma_wait3A_615] : memref<10112x16xf32, #tpu.memory_space<vmem_shared>> -> memref<10112x16xf32, #tpu.memory_space<vmem_shared>>
      tpu.wait_indirect_dma semaphore(%arg24 : memref<!tpu.dma_semaphore, #tpu.memory_space<semaphore_mem>>) src(%arg12 : memref<128x16xf32, #tpu.memory_space<vmem>>) dst(%dma_wait3A_616 : memref<10112x16xf32, #tpu.memory_space<vmem_shared>>)
      %dma_wait3A_617 = arith.constant 159 : i32
      %dma_wait3A_618 = arith.constant 0 : i32
      %dma_wait3A_619 = tpu.memref_slice %arg9[%dma_wait3A_617, %dma_wait3A_618] : memref<162x128xi32, #tpu.memory_space<vmem>> -> memref<1x128xi32, #tpu.memory_space<vmem>>
      %dma_wait3A_620 = tpu.memref_squeeze %dma_wait3A_619 : memref<1x128xi32, #tpu.memory_space<vmem>> -> memref<128xi32, #tpu.memory_space<vmem>>
      %dma_wait3A_621 = arith.constant 0 : i32
      %dma_wait3A_622 = arith.constant 0 : i32
      %dma_wait3A_623 = tpu.memref_slice %arg16[%dma_wait3A_621, %dma_wait3A_622] : memref<10112x16xf32, #tpu.memory_space<vmem_shared>> -> memref<10112x16xf32, #tpu.memory_space<vmem_shared>>
      tpu.wait_indirect_dma semaphore(%arg25 : memref<!tpu.dma_semaphore, #tpu.memory_space<semaphore_mem>>) src(%arg13 : memref<128x16xf32, #tpu.memory_space<vmem>>) dst(%dma_wait3A_623 : memref<10112x16xf32, #tpu.memory_space<vmem_shared>>)
      %barrier3A_624 = arith.constant 0 : index
      tpu.barrier barrier_id(%barrier3A_624)
      %mul3A_625 = arith.constant 624 : i32
      %mul3A_626 = arith.muli %arg1, %mul3A_625 : i32
      "tpu.region"() ({
        %run_scoped3A = tpu.sem_alloc : memref<!tpu.dma_semaphore, #tpu.memory_space<semaphore_mem>>
        %dma_start3A_634 = arith.constant 0 : i32
        %dma_start3A_635 = arith.constant 0 : i32
        %dma_start3A_636 = tpu.memref_slice %arg15[%dma_start3A_634, %dma_start3A_635] : memref<632x16xf32, #tpu.memory_space<vmem>> -> memref<624x16xf32, #tpu.memory_space<vmem>>
        %dma_start3A_637 = arith.constant 0 : i32
        %dma_start3A_638 = tpu.memref_slice %arg16[%mul3A_626, %dma_start3A_637] : memref<10112x16xf32, #tpu.memory_space<vmem_shared>> -> memref<624x16xf32, #tpu.memory_space<vmem_shared>>
        %dma_start3A_639 = arith.constant 0 : i32
        %dma_start3A_640 = arith.constant 0 : i32
        %dma_start3A_641 = tpu.memref_slice %arg15[%dma_start3A_639, %dma_start3A_640] : memref<632x16xf32, #tpu.memory_space<vmem>> -> memref<624x16xf32, #tpu.memory_space<vmem>>
        %dma_start3A_642 = arith.constant 0 : i32
        %dma_start3A_643 = tpu.memref_slice %arg16[%mul3A_626, %dma_start3A_642] : memref<10112x16xf32, #tpu.memory_space<vmem_shared>> -> memref<624x16xf32, #tpu.memory_space<vmem_shared>>
        tpu.enqueue_dma source(%dma_start3A_643 : memref<624x16xf32, #tpu.memory_space<vmem_shared>>) target(%dma_start3A_641 : memref<624x16xf32, #tpu.memory_space<vmem>>) target_semaphore(%run_scoped3A : memref<!tpu.dma_semaphore, #tpu.memory_space<semaphore_mem>>)
        %dma_wait3A_644 = arith.constant 0 : i32
        %dma_wait3A_645 = arith.constant 0 : i32
        %dma_wait3A_646 = tpu.memref_slice %arg15[%dma_wait3A_644, %dma_wait3A_645] : memref<632x16xf32, #tpu.memory_space<vmem>> -> memref<624x16xf32, #tpu.memory_space<vmem>>
        %dma_wait3A_647 = arith.constant 0 : i32
        %dma_wait3A_648 = tpu.memref_slice %arg16[%mul3A_626, %dma_wait3A_647] : memref<10112x16xf32, #tpu.memory_space<vmem_shared>> -> memref<624x16xf32, #tpu.memory_space<vmem_shared>>
        %dma_wait3A_649 = arith.constant 0 : i32
        %dma_wait3A_650 = arith.constant 0 : i32
        %dma_wait3A_651 = tpu.memref_slice %arg15[%dma_wait3A_649, %dma_wait3A_650] : memref<632x16xf32, #tpu.memory_space<vmem>> -> memref<624x16xf32, #tpu.memory_space<vmem>>
        %dma_wait3A_652 = arith.constant 0 : i32
        %dma_wait3A_653 = tpu.memref_slice %arg16[%mul3A_626, %dma_wait3A_652] : memref<10112x16xf32, #tpu.memory_space<vmem_shared>> -> memref<624x16xf32, #tpu.memory_space<vmem_shared>>
        tpu.wait_dma2 semaphore(%run_scoped3A : memref<!tpu.dma_semaphore, #tpu.memory_space<semaphore_mem>>) src(%dma_wait3A_653 : memref<624x16xf32, #tpu.memory_space<vmem_shared>>) dst(%dma_wait3A_651 : memref<624x16xf32, #tpu.memory_space<vmem>>)
        tpu.yield
      }) : () -> ()
      %mul3A_627 = arith.constant 624 : i32
      %mul3A_628 = arith.muli %arg1, %mul3A_627 : i32
      "tpu.region"() ({
        %run_scoped3A = tpu.sem_alloc : memref<!tpu.dma_semaphore, #tpu.memory_space<semaphore_mem>>
        %dma_start3A_634 = arith.constant 0 : i32
        %dma_start3A_635 = arith.constant 0 : i32
        %dma_start3A_636 = tpu.memref_slice %arg15[%dma_start3A_634, %dma_start3A_635] : memref<632x16xf32, #tpu.memory_space<vmem>> -> memref<624x16xf32, #tpu.memory_space<vmem>>
        %dma_start3A_637 = arith.constant 0 : i32
        %dma_start3A_638 = tpu.memref_slice %arg7[%mul3A_628, %dma_start3A_637] : memref<10000x16xf32, #tpu.memory_space<hbm>> -> memref<624x16xf32, #tpu.memory_space<hbm>>
        %dma_start3A_639 = arith.constant 0 : i32
        %dma_start3A_640 = tpu.memref_slice %arg7[%mul3A_628, %dma_start3A_639] : memref<10000x16xf32, #tpu.memory_space<hbm>> -> memref<624x16xf32, #tpu.memory_space<hbm>>
        %dma_start3A_641 = arith.constant 0 : i32
        %dma_start3A_642 = arith.constant 0 : i32
        %dma_start3A_643 = tpu.memref_slice %arg15[%dma_start3A_641, %dma_start3A_642] : memref<632x16xf32, #tpu.memory_space<vmem>> -> memref<624x16xf32, #tpu.memory_space<vmem>>
        tpu.enqueue_dma source(%dma_start3A_643 : memref<624x16xf32, #tpu.memory_space<vmem>>) target(%dma_start3A_640 : memref<624x16xf32, #tpu.memory_space<hbm>>) target_semaphore(%run_scoped3A : memref<!tpu.dma_semaphore, #tpu.memory_space<semaphore_mem>>)
        %dma_wait3A_644 = arith.constant 0 : i32
        %dma_wait3A_645 = arith.constant 0 : i32
        %dma_wait3A_646 = tpu.memref_slice %arg15[%dma_wait3A_644, %dma_wait3A_645] : memref<632x16xf32, #tpu.memory_space<vmem>> -> memref<624x16xf32, #tpu.memory_space<vmem>>
        %dma_wait3A_647 = arith.constant 0 : i32
        %dma_wait3A_648 = tpu.memref_slice %arg7[%mul3A_628, %dma_wait3A_647] : memref<10000x16xf32, #tpu.memory_space<hbm>> -> memref<624x16xf32, #tpu.memory_space<hbm>>
        %dma_wait3A_649 = arith.constant 0 : i32
        %dma_wait3A_650 = tpu.memref_slice %arg7[%mul3A_628, %dma_wait3A_649] : memref<10000x16xf32, #tpu.memory_space<hbm>> -> memref<624x16xf32, #tpu.memory_space<hbm>>
        %dma_wait3A_651 = arith.constant 0 : i32
        %dma_wait3A_652 = arith.constant 0 : i32
        %dma_wait3A_653 = tpu.memref_slice %arg15[%dma_wait3A_651, %dma_wait3A_652] : memref<632x16xf32, #tpu.memory_space<vmem>> -> memref<624x16xf32, #tpu.memory_space<vmem>>
        tpu.wait_dma2 semaphore(%run_scoped3A : memref<!tpu.dma_semaphore, #tpu.memory_space<semaphore_mem>>) src(%dma_wait3A_653 : memref<624x16xf32, #tpu.memory_space<vmem>>) dst(%dma_wait3A_650 : memref<624x16xf32, #tpu.memory_space<hbm>>)
        tpu.yield
      }) : () -> ()
      %eq3A_629 = arith.constant 0 : i32
      %eq3A_630 = arith.cmpi eq, %arg1, %eq3A_629 : i32
      %convert_element_type3A_631 = arith.extui %eq3A_630 : i1 to i32
      %cond3A_632 = arith.constant 0 : i32
      %cond3A_633 = arith.cmpi ne, %convert_element_type3A_631, %cond3A_632 : i32
      scf.if %cond3A_633 {
        "tpu.region"() ({
          %run_scoped3A = tpu.sem_alloc : memref<!tpu.dma_semaphore, #tpu.memory_space<semaphore_mem>>
          %dma_start3A_634 = arith.constant 0 : i32
          %dma_start3A_635 = arith.constant 0 : i32
          %dma_start3A_636 = tpu.memref_slice %arg15[%dma_start3A_634, %dma_start3A_635] : memref<632x16xf32, #tpu.memory_space<vmem>> -> memref<16x16xf32, #tpu.memory_space<vmem>>
          %dma_start3A_637 = arith.constant 9984 : i32
          %dma_start3A_638 = arith.constant 0 : i32
          %dma_start3A_639 = tpu.memref_slice %arg16[%dma_start3A_637, %dma_start3A_638] : memref<10112x16xf32, #tpu.memory_space<vmem_shared>> -> memref<16x16xf32, #tpu.memory_space<vmem_shared>>
          %dma_start3A_640 = arith.constant 0 : i32
          %dma_start3A_641 = arith.constant 0 : i32
          %dma_start3A_642 = tpu.memref_slice %arg15[%dma_start3A_640, %dma_start3A_641] : memref<632x16xf32, #tpu.memory_space<vmem>> -> memref<16x16xf32, #tpu.memory_space<vmem>>
          %dma_start3A_643 = arith.constant 9984 : i32
          %dma_start3A_644 = arith.constant 0 : i32
          %dma_start3A_645 = tpu.memref_slice %arg16[%dma_start3A_643, %dma_start3A_644] : memref<10112x16xf32, #tpu.memory_space<vmem_shared>> -> memref<16x16xf32, #tpu.memory_space<vmem_shared>>
          tpu.enqueue_dma source(%dma_start3A_645 : memref<16x16xf32, #tpu.memory_space<vmem_shared>>) target(%dma_start3A_642 : memref<16x16xf32, #tpu.memory_space<vmem>>) target_semaphore(%run_scoped3A : memref<!tpu.dma_semaphore, #tpu.memory_space<semaphore_mem>>)
          %dma_wait3A_646 = arith.constant 0 : i32
          %dma_wait3A_647 = arith.constant 0 : i32
          %dma_wait3A_648 = tpu.memref_slice %arg15[%dma_wait3A_646, %dma_wait3A_647] : memref<632x16xf32, #tpu.memory_space<vmem>> -> memref<16x16xf32, #tpu.memory_space<vmem>>
          %dma_wait3A_649 = arith.constant 9984 : i32
          %dma_wait3A_650 = arith.constant 0 : i32
          %dma_wait3A_651 = tpu.memref_slice %arg16[%dma_wait3A_649, %dma_wait3A_650] : memref<10112x16xf32, #tpu.memory_space<vmem_shared>> -> memref<16x16xf32, #tpu.memory_space<vmem_shared>>
          %dma_wait3A_652 = arith.constant 0 : i32
          %dma_wait3A_653 = arith.constant 0 : i32
          %dma_wait3A_654 = tpu.memref_slice %arg15[%dma_wait3A_652, %dma_wait3A_653] : memref<632x16xf32, #tpu.memory_space<vmem>> -> memref<16x16xf32, #tpu.memory_space<vmem>>
          %dma_wait3A_655 = arith.constant 9984 : i32
          %dma_wait3A_656 = arith.constant 0 : i32
          %dma_wait3A_657 = tpu.memref_slice %arg16[%dma_wait3A_655, %dma_wait3A_656] : memref<10112x16xf32, #tpu.memory_space<vmem_shared>> -> memref<16x16xf32, #tpu.memory_space<vmem_shared>>
          tpu.wait_dma2 semaphore(%run_scoped3A : memref<!tpu.dma_semaphore, #tpu.memory_space<semaphore_mem>>) src(%dma_wait3A_657 : memref<16x16xf32, #tpu.memory_space<vmem_shared>>) dst(%dma_wait3A_654 : memref<16x16xf32, #tpu.memory_space<vmem>>)
          tpu.yield
        }) : () -> ()
        "tpu.region"() ({
          %run_scoped3A = tpu.sem_alloc : memref<!tpu.dma_semaphore, #tpu.memory_space<semaphore_mem>>
          %dma_start3A_634 = arith.constant 0 : i32
          %dma_start3A_635 = arith.constant 0 : i32
          %dma_start3A_636 = tpu.memref_slice %arg15[%dma_start3A_634, %dma_start3A_635] : memref<632x16xf32, #tpu.memory_space<vmem>> -> memref<16x16xf32, #tpu.memory_space<vmem>>
          %dma_start3A_637 = arith.constant 9984 : i32
          %dma_start3A_638 = arith.constant 0 : i32
          %dma_start3A_639 = tpu.memref_slice %arg7[%dma_start3A_637, %dma_start3A_638] : memref<10000x16xf32, #tpu.memory_space<hbm>> -> memref<16x16xf32, #tpu.memory_space<hbm>>
          %dma_start3A_640 = arith.constant 9984 : i32
          %dma_start3A_641 = arith.constant 0 : i32
          %dma_start3A_642 = tpu.memref_slice %arg7[%dma_start3A_640, %dma_start3A_641] : memref<10000x16xf32, #tpu.memory_space<hbm>> -> memref<16x16xf32, #tpu.memory_space<hbm>>
          %dma_start3A_643 = arith.constant 0 : i32
          %dma_start3A_644 = arith.constant 0 : i32
          %dma_start3A_645 = tpu.memref_slice %arg15[%dma_start3A_643, %dma_start3A_644] : memref<632x16xf32, #tpu.memory_space<vmem>> -> memref<16x16xf32, #tpu.memory_space<vmem>>
          tpu.enqueue_dma source(%dma_start3A_645 : memref<16x16xf32, #tpu.memory_space<vmem>>) target(%dma_start3A_642 : memref<16x16xf32, #tpu.memory_space<hbm>>) target_semaphore(%run_scoped3A : memref<!tpu.dma_semaphore, #tpu.memory_space<semaphore_mem>>)
          %dma_wait3A_646 = arith.constant 0 : i32
          %dma_wait3A_647 = arith.constant 0 : i32
          %dma_wait3A_648 = tpu.memref_slice %arg15[%dma_wait3A_646, %dma_wait3A_647] : memref<632x16xf32, #tpu.memory_space<vmem>> -> memref<16x16xf32, #tpu.memory_space<vmem>>
          %dma_wait3A_649 = arith.constant 9984 : i32
          %dma_wait3A_650 = arith.constant 0 : i32
          %dma_wait3A_651 = tpu.memref_slice %arg7[%dma_wait3A_649, %dma_wait3A_650] : memref<10000x16xf32, #tpu.memory_space<hbm>> -> memref<16x16xf32, #tpu.memory_space<hbm>>
          %dma_wait3A_652 = arith.constant 9984 : i32
          %dma_wait3A_653 = arith.constant 0 : i32
          %dma_wait3A_654 = tpu.memref_slice %arg7[%dma_wait3A_652, %dma_wait3A_653] : memref<10000x16xf32, #tpu.memory_space<hbm>> -> memref<16x16xf32, #tpu.memory_space<hbm>>
          %dma_wait3A_655 = arith.constant 0 : i32
          %dma_wait3A_656 = arith.constant 0 : i32
          %dma_wait3A_657 = tpu.memref_slice %arg15[%dma_wait3A_655, %dma_wait3A_656] : memref<632x16xf32, #tpu.memory_space<vmem>> -> memref<16x16xf32, #tpu.memory_space<vmem>>
          tpu.wait_dma2 semaphore(%run_scoped3A : memref<!tpu.dma_semaphore, #tpu.memory_space<semaphore_mem>>) src(%dma_wait3A_657 : memref<16x16xf32, #tpu.memory_space<vmem>>) dst(%dma_wait3A_654 : memref<16x16xf32, #tpu.memory_space<hbm>>)
          tpu.yield
        }) : () -> ()
      } else {
      }
    } else {
    }
    return
  }
}

module attributes {stable_mosaic.version = 14 : i64} {
  func.func @_tc_sweep_body(%arg0: i32, %arg1: memref<400x10000xf32, #tpu.memory_space<vmem>>, %arg2: memref<400x16xf32, #tpu.memory_space<vmem>>, %arg3: memref<400x1xf32, #tpu.memory_space<vmem>>, %arg4: memref<10000x16xf32, #tpu.memory_space<vmem>>, %arg5: memref<16x16xf32, #tpu.memory_space<vmem>>, %arg6: memref<16x16xf32, #tpu.memory_space<vmem>>, %arg7: memref<16x16xf32, #tpu.memory_space<vmem>>, %arg8: memref<1x16xf32, #tpu.memory_space<vmem>>, %arg9: memref<400x16xf32, #tpu.memory_space<vmem>>) attributes {dimension_semantics = [#tpu.dimension_semantics<arbitrary>], iteration_bounds = array<i64: 25>, scalar_prefetch = 0 : i64, scratch_operands = 0 : i64, tpu.core_type = #tpu.core_type<tc>, window_params = [{transform_indices = @transform_0, window_bounds = array<i64: 400, 10000>}, {transform_indices = @transform_1, window_bounds = array<i64: 400, 16>}, {transform_indices = @transform_2, window_bounds = array<i64: 400, 1>}, {pipeline_mode = #tpu.pipeline_mode<synchronous>, transform_indices = @transform_3, window_bounds = array<i64: 10000, 16>}, {pipeline_mode = #tpu.pipeline_mode<synchronous>, transform_indices = @transform_4, window_bounds = array<i64: 16, 16>}, {pipeline_mode = #tpu.pipeline_mode<synchronous>, transform_indices = @transform_5, window_bounds = array<i64: 16, 16>}, {pipeline_mode = #tpu.pipeline_mode<synchronous>, transform_indices = @transform_6, window_bounds = array<i64: 16, 16>}, {pipeline_mode = #tpu.pipeline_mode<synchronous>, transform_indices = @transform_7, window_bounds = array<i64: 1, 16>}, {transform_indices = @transform_8, window_bounds = array<i64: 400, 16>}]} {
    %get3A = arith.constant 0 : index
    %get3A_0 = arith.constant 0 : index
    %get3A_1 = vector.load %arg4[%get3A, %get3A_0] : memref<10000x16xf32, #tpu.memory_space<vmem>>, vector<10000x16xf32>
    %get3A_2 = arith.constant 0 : index
    %get3A_3 = arith.constant 0 : index
    %get3A_4 = vector.load %arg7[%get3A_2, %get3A_3] : memref<16x16xf32, #tpu.memory_space<vmem>>, vector<16x16xf32>
    %dot_general3A = arith.constant dense<0.000000e+00> : vector<10000x16xf32>
    %dot_general3A_5 = tpu.matmul %get3A_1, %get3A_4, %dot_general3A {dimension_numbers = #tpu.dot_dimension_numbers<[1], [0], [0], [1], [0, 0, 1, 1], [], []>, transpose_lhs_hint = false} : vector<10000x16xf32>, vector<16x16xf32>, vector<10000x16xf32> -> vector<10000x16xf32>
    %get3A_6 = arith.constant 0 : index
    %get3A_7 = arith.constant 0 : index
    %get3A_8 = vector.load %arg1[%get3A_6, %get3A_7] : memref<400x10000xf32, #tpu.memory_space<vmem>>, vector<400x10000xf32>
    %dot_general3A_9 = arith.constant dense<0.000000e+00> : vector<400x16xf32>
    %dot_general3A_10 = tpu.matmul %get3A_8, %dot_general3A_5, %dot_general3A_9 {dimension_numbers = #tpu.dot_dimension_numbers<[1], [0], [0], [1], [0, 0, 1, 1], [], []>, transpose_lhs_hint = false} : vector<400x10000xf32>, vector<10000x16xf32>, vector<400x16xf32> -> vector<400x16xf32>
    %get3A_11 = arith.constant 0 : index
    %get3A_12 = arith.constant 0 : index
    %get3A_13 = vector.load %arg2[%get3A_11, %get3A_12] : memref<400x16xf32, #tpu.memory_space<vmem>>, vector<400x16xf32>
    %get3A_14 = arith.constant 0 : index
    %get3A_15 = arith.constant 0 : index
    %get3A_16 = vector.load %arg5[%get3A_14, %get3A_15] : memref<16x16xf32, #tpu.memory_space<vmem>>, vector<16x16xf32>
    %dot_general3A_17 = arith.constant dense<0.000000e+00> : vector<400x16xf32>
    %dot_general3A_18 = tpu.matmul %get3A_13, %get3A_16, %dot_general3A_17 {dimension_numbers = #tpu.dot_dimension_numbers<[1], [0], [0], [1], [0, 0, 1, 1], [], []>, transpose_lhs_hint = false} : vector<400x16xf32>, vector<16x16xf32>, vector<400x16xf32> -> vector<400x16xf32>
    %add3A = arith.addf %dot_general3A_10, %dot_general3A_18 : vector<400x16xf32>
    %get3A_19 = arith.constant 0 : index
    %get3A_20 = arith.constant 0 : index
    %get3A_21 = vector.load %arg3[%get3A_19, %get3A_20] : memref<400x1xf32, #tpu.memory_space<vmem>>, vector<400x1xf32>
    %mul3A = vector.broadcast %get3A_21 : vector<400x1xf32> to vector<400x16xf32>
    %mul3A_22 = arith.mulf %mul3A, %get3A_13 : vector<400x16xf32>
    %get3A_23 = arith.constant 0 : index
    %get3A_24 = arith.constant 0 : index
    %get3A_25 = vector.load %arg6[%get3A_23, %get3A_24] : memref<16x16xf32, #tpu.memory_space<vmem>>, vector<16x16xf32>
    %dot_general3A_26 = arith.constant dense<0.000000e+00> : vector<400x16xf32>
    %dot_general3A_27 = tpu.matmul %mul3A_22, %get3A_25, %dot_general3A_26 {dimension_numbers = #tpu.dot_dimension_numbers<[1], [0], [0], [1], [0, 0, 1, 1], [], []>, transpose_lhs_hint = false} : vector<400x16xf32>, vector<16x16xf32>, vector<400x16xf32> -> vector<400x16xf32>
    %add3A_28 = arith.addf %add3A, %dot_general3A_27 : vector<400x16xf32>
    %get3A_29 = arith.constant 0 : index
    %get3A_30 = arith.constant 0 : index
    %get3A_31 = vector.load %arg8[%get3A_29, %get3A_30] : memref<1x16xf32, #tpu.memory_space<vmem>>, vector<1x16xf32>
    %add3A_32 = vector.broadcast %get3A_31 : vector<1x16xf32> to vector<400x16xf32>
    %add3A_33 = arith.addf %add3A_28, %add3A_32 : vector<400x16xf32>
    %swap3A = arith.constant 0 : index
    %swap3A_34 = arith.constant 0 : index
    %swap3A_35 = vector.load %arg9[%swap3A, %swap3A_34] : memref<400x16xf32, #tpu.memory_space<vmem>>, vector<400x16xf32>
    tpu.vector_store %arg9[%swap3A, %swap3A_34], %add3A_33 {strides = array<i32>} : memref<400x16xf32, #tpu.memory_space<vmem>>, vector<400x16xf32>,
    return
  }
  func.func @transform_0(%arg0: i32) -> (i32, i32) {
    %c0_i32 = arith.constant 0 : i32
    %c0_i32_0 = arith.constant 0 : i32
    return %arg0, %c0_i32 : i32, i32
  }
  func.func @transform_1(%arg0: i32) -> (i32, i32) {
    %c0_i32 = arith.constant 0 : i32
    %c0_i32_0 = arith.constant 0 : i32
    return %arg0, %c0_i32 : i32, i32
  }
  func.func @transform_2(%arg0: i32) -> (i32, i32) {
    %c0_i32 = arith.constant 0 : i32
    %c0_i32_0 = arith.constant 0 : i32
    return %arg0, %c0_i32 : i32, i32
  }
  func.func @transform_3(%arg0: i32) -> (i32, i32) {
    %c0_i32 = arith.constant 0 : i32
    %c0_i32_0 = arith.constant 0 : i32
    %c0_i32_1 = arith.constant 0 : i32
    return %c0_i32, %c0_i32_0 : i32, i32
  }
  func.func @transform_4(%arg0: i32) -> (i32, i32) {
    %c0_i32 = arith.constant 0 : i32
    %c0_i32_0 = arith.constant 0 : i32
    %c0_i32_1 = arith.constant 0 : i32
    return %c0_i32, %c0_i32_0 : i32, i32
  }
  func.func @transform_5(%arg0: i32) -> (i32, i32) {
    %c0_i32 = arith.constant 0 : i32
    %c0_i32_0 = arith.constant 0 : i32
    %c0_i32_1 = arith.constant 0 : i32
    return %c0_i32, %c0_i32_0 : i32, i32
  }
  func.func @transform_6(%arg0: i32) -> (i32, i32) {
    %c0_i32 = arith.constant 0 : i32
    %c0_i32_0 = arith.constant 0 : i32
    %c0_i32_1 = arith.constant 0 : i32
    return %c0_i32, %c0_i32_0 : i32, i32
  }
  func.func @transform_7(%arg0: i32) -> (i32, i32) {
    %c0_i32 = arith.constant 0 : i32
    %c0_i32_0 = arith.constant 0 : i32
    %c0_i32_1 = arith.constant 0 : i32
    return %c0_i32, %c0_i32_0 : i32, i32
  }
  func.func @transform_8(%arg0: i32) -> (i32, i32) {
    %c0_i32 = arith.constant 0 : i32
    %c0_i32_0 = arith.constant 0 : i32
    return %arg0, %c0_i32 : i32, i32
  }
}

module attributes {stable_mosaic.version = 14 : i64} {
  func.func @_tc_combine_body(%arg0: memref<10000x16xf32, #tpu.memory_space<vmem>>, %arg1: memref<10000x16xf32, #tpu.memory_space<vmem>>, %arg2: memref<10000x16xf32, #tpu.memory_space<vmem>>, %arg3: memref<10000x16xf32, #tpu.memory_space<vmem>>, %arg4: memref<3x16x16xf32, #tpu.memory_space<vmem>>, %arg5: memref<1x16xf32, #tpu.memory_space<vmem>>, %arg6: memref<1x16xf32, #tpu.memory_space<vmem>>, %arg7: memref<10000x16xf32, #tpu.memory_space<vmem>>) attributes {dimension_semantics = [], scalar_prefetch = 0 : i64, scratch_operands = 0 : i64, tpu.core_type = #tpu.core_type<tc>} {
    %get3A = arith.constant 0 : index
    %get3A_0 = arith.constant 0 : index
    %get3A_1 = vector.load %arg0[%get3A, %get3A_0] : memref<10000x16xf32, #tpu.memory_space<vmem>>, vector<10000x16xf32>
    %get3A_2 = arith.constant 0 : index
    %get3A_3 = arith.constant 0 : index
    %get3A_4 = vector.load %arg1[%get3A_2, %get3A_3] : memref<10000x16xf32, #tpu.memory_space<vmem>>, vector<10000x16xf32>
    %get3A_5 = arith.constant 0 : index
    %get3A_6 = arith.constant 0 : index
    %get3A_7 = arith.constant 0 : index
    %get3A_8 = vector.load %arg4[%get3A_5, %get3A_6, %get3A_7] : memref<3x16x16xf32, #tpu.memory_space<vmem>>, vector<1x16x16xf32>
    %get3A_9 = vector.shape_cast %get3A_8 : vector<1x16x16xf32> to vector<16x16xf32>
    %dot_general3A = arith.constant dense<0.000000e+00> : vector<10000x16xf32>
    %dot_general3A_10 = tpu.matmul %get3A_4, %get3A_9, %dot_general3A {dimension_numbers = #tpu.dot_dimension_numbers<[1], [0], [0], [1], [0, 0, 1, 1], [], []>, transpose_lhs_hint = false} : vector<10000x16xf32>, vector<16x16xf32>, vector<10000x16xf32> -> vector<10000x16xf32>
    %add3A = arith.addf %get3A_1, %dot_general3A_10 : vector<10000x16xf32>
    %get3A_11 = arith.constant 0 : index
    %get3A_12 = arith.constant 0 : index
    %get3A_13 = vector.load %arg2[%get3A_11, %get3A_12] : memref<10000x16xf32, #tpu.memory_space<vmem>>, vector<10000x16xf32>
    %get3A_14 = arith.constant 1 : index
    %get3A_15 = arith.constant 0 : index
    %get3A_16 = arith.constant 0 : index
    %get3A_17 = vector.load %arg4[%get3A_14, %get3A_15, %get3A_16] : memref<3x16x16xf32, #tpu.memory_space<vmem>>, vector<1x16x16xf32>
    %get3A_18 = vector.shape_cast %get3A_17 : vector<1x16x16xf32> to vector<16x16xf32>
    %dot_general3A_19 = arith.constant dense<0.000000e+00> : vector<10000x16xf32>
    %dot_general3A_20 = tpu.matmul %get3A_13, %get3A_18, %dot_general3A_19 {dimension_numbers = #tpu.dot_dimension_numbers<[1], [0], [0], [1], [0, 0, 1, 1], [], []>, transpose_lhs_hint = false} : vector<10000x16xf32>, vector<16x16xf32>, vector<10000x16xf32> -> vector<10000x16xf32>
    %add3A_21 = arith.addf %add3A, %dot_general3A_20 : vector<10000x16xf32>
    %get3A_22 = arith.constant 0 : index
    %get3A_23 = arith.constant 0 : index
    %get3A_24 = vector.load %arg3[%get3A_22, %get3A_23] : memref<10000x16xf32, #tpu.memory_space<vmem>>, vector<10000x16xf32>
    %get3A_25 = arith.constant 2 : index
    %get3A_26 = arith.constant 0 : index
    %get3A_27 = arith.constant 0 : index
    %get3A_28 = vector.load %arg4[%get3A_25, %get3A_26, %get3A_27] : memref<3x16x16xf32, #tpu.memory_space<vmem>>, vector<1x16x16xf32>
    %get3A_29 = vector.shape_cast %get3A_28 : vector<1x16x16xf32> to vector<16x16xf32>
    %dot_general3A_30 = arith.constant dense<0.000000e+00> : vector<10000x16xf32>
    %dot_general3A_31 = tpu.matmul %get3A_24, %get3A_29, %dot_general3A_30 {dimension_numbers = #tpu.dot_dimension_numbers<[1], [0], [0], [1], [0, 0, 1, 1], [], []>, transpose_lhs_hint = false} : vector<10000x16xf32>, vector<16x16xf32>, vector<10000x16xf32> -> vector<10000x16xf32>
    %add3A_32 = arith.addf %add3A_21, %dot_general3A_31 : vector<10000x16xf32>
    %iota3A = tpu.iota {dimensions = array<i32: 1>} : vector<10000x16xi32>
    %ge3A = arith.constant 8 : i32
    %ge3A_33 = vector.broadcast %ge3A : i32 to vector<10000x16xi32>
    %ge3A_34 = arith.cmpi sge, %iota3A, %ge3A_33 : vector<10000x16xi32>
    %max3A = arith.constant 0.000000e+00 : f32
    %max3A_35 = vector.broadcast %max3A : f32 to vector<10000x16xf32>
    %max3A_36 = arith.maximumf %add3A_32, %max3A_35 : vector<10000x16xf32>
    %select_n3A = arith.select %ge3A_34, %max3A_36, %add3A_32 : vector<10000x16xi1>, vector<10000x16xf32>
    %reduce_sum3A = arith.constant dense<0.000000e+00> : vector<16xf32>
    %reduce_sum3A_37 = vector.multi_reduction <add>, %select_n3A, %reduce_sum3A [0] : vector<10000x16xf32> to vector<16xf32>
    %broadcast_in_dim3A = vector.shape_cast %reduce_sum3A_37 : vector<16xf32> to vector<1x16xf32>
    %div3A = arith.constant 1.000000e+04 : f32
    %div3A_38 = vector.broadcast %div3A : f32 to vector<1x16xf32>
    %div3A_39 = arith.divf %broadcast_in_dim3A, %div3A_38 : vector<1x16xf32>
    %sub3A = vector.broadcast %div3A_39 : vector<1x16xf32> to vector<10000x16xf32>
    %sub3A_40 = arith.subf %select_n3A, %sub3A : vector<10000x16xf32>
    %mul3A = arith.mulf %sub3A_40, %sub3A_40 : vector<10000x16xf32>
    %reduce_sum3A_41 = arith.constant dense<0.000000e+00> : vector<16xf32>
    %reduce_sum3A_42 = vector.multi_reduction <add>, %mul3A, %reduce_sum3A_41 [0] : vector<10000x16xf32> to vector<16xf32>
    %broadcast_in_dim3A_43 = vector.shape_cast %reduce_sum3A_42 : vector<16xf32> to vector<1x16xf32>
    %div3A_44 = arith.constant 1.000000e+04 : f32
    %div3A_45 = vector.broadcast %div3A_44 : f32 to vector<1x16xf32>
    %div3A_46 = arith.divf %broadcast_in_dim3A_43, %div3A_45 : vector<1x16xf32>
    %get3A_47 = arith.constant 0 : index
    %get3A_48 = arith.constant 0 : index
    %get3A_49 = vector.load %arg5[%get3A_47, %get3A_48] : memref<1x16xf32, #tpu.memory_space<vmem>>, vector<1x16xf32>
    %mul3A_50 = vector.broadcast %get3A_49 : vector<1x16xf32> to vector<10000x16xf32>
    %mul3A_51 = arith.mulf %mul3A_50, %sub3A_40 : vector<10000x16xf32>
    %add3A_52 = arith.constant 9.99999974E-6 : f32
    %add3A_53 = vector.broadcast %add3A_52 : f32 to vector<1x16xf32>
    %add3A_54 = arith.addf %div3A_46, %add3A_53 : vector<1x16xf32>
    %rsqrt3A = math.rsqrt %add3A_54 : vector<1x16xf32>
    %mul3A_55 = vector.broadcast %rsqrt3A : vector<1x16xf32> to vector<10000x16xf32>
    %mul3A_56 = arith.mulf %mul3A_51, %mul3A_55 : vector<10000x16xf32>
    %get3A_57 = arith.constant 0 : index
    %get3A_58 = arith.constant 0 : index
    %get3A_59 = vector.load %arg6[%get3A_57, %get3A_58] : memref<1x16xf32, #tpu.memory_space<vmem>>, vector<1x16xf32>
    %add3A_60 = vector.broadcast %get3A_59 : vector<1x16xf32> to vector<10000x16xf32>
    %add3A_61 = arith.addf %mul3A_56, %add3A_60 : vector<10000x16xf32>
    %swap3A = arith.constant 0 : index
    %swap3A_62 = arith.constant 0 : index
    %swap3A_63 = vector.load %arg7[%swap3A, %swap3A_62] : memref<10000x16xf32, #tpu.memory_space<vmem>>, vector<10000x16xf32>
    tpu.vector_store %arg7[%swap3A, %swap3A_62], %add3A_61 {strides = array<i32>} : memref<10000x16xf32, #tpu.memory_space<vmem>>, vector<10000x16xf32>,
    return
  }
}

</mosaic_0001>

<sc_bundles>
// kernel: kernel.5.cloned.1.call-start
scs
__scs_entry_jumppad:
0x0: {  	(pc) =	sbr.rel $0x88, $3  }
0x1: {  	(tag) =	ssettag $0x0;
	lr =	simm.s32 $0x1  }
0x2: {  	[smem:$0x3F92] =	sst lr;
	_ =	strace $0xD0000000  }
0x3: {  	_ = 	snop  }
0x4: {  	_ = 	snop  }
0x5: {  	_ = 	snop  }
0x6: {  	_ = 	snop  }
0x7: {  	_ = 	snop  }
__scs_overlays_trampoline_lowered:
0x8: {  	[smem:$0x3FA1] =	sst s0  }
0x9: {  	[smem:$0x3FA2] =	sst s1  }
0xa: {  	[smem:$0x3FA3] =	sst s2  }
0xb: {  	[smem:$0x3FA4] =	sst s3  }
0xc: {  	[smem:$0x3FA5] =	sst s4  }
0xd: {  	[smem:$0x3FA6] =	sst s5  }
0xe: {  	[smem:$0x3FA7] =	sst s6  }
0xf: {  	[smem:$0x3FA8] =	sst s7  }
0x10: {  	[smem:$0x3FA9] =	sst s8  }
0x11: {  	[smem:$0x3FAA] =	sst s9;
	s0 =	simm.s32 @!p0 $0x0  }
0x12: {  	s1 =	sld [smem:$0x3F90];
	s0 =	simm.s32 @p0 $0x1  }
0x13: {  	[smem:$0x3FAB] =	sst s0;
	s0 =	simm.s32 @!p1 $0x0  }
0x14: {  	s2 =	sld [smem:$0x3F8F];
	s0 =	simm.s32 @p1 $0x1  }
0x15: {  	[smem:$0x3FAC] =	sst s0;
	s0 =	simm.s32 @!p2 $0x0  }
0x16: {  	s3 =	sld [smem:$0x3FDB];
	s0 =	simm.s32 @p2 $0x1  }
0x17: {  	s4 =	simm.s32 $0x1BF5;
	[smem:$0x3FAE] =	sst s0  }
0x18: {  	s0 =	sld [smem:$0x3F91];
	_ =	swait.ge [sflag:s4], $0x0  }
0x19: {  	s7 =	sld [smem:$0x3F92]  }
0x1a: {  	s8 =	sadd.s32 $0xFFFFE003, lr  }
0x1b: {  	s9 =	sadd.s32 $0xFFFFFEF7, lr;
	s5 =	simm.s32 $0xFFFFFFFF;
	p2 =	slt.u32 s8, $0xFFFFF086  }
0x1c: {  	p1 =	slt.u32 s9, $0xF7A;
	s5 =	simm.s32 @!p2 $0x0  }
0x1d: {  	s5 =	simm.s32 @p1 $0x1;
	p0 =	seq.s32 s7, s2  }
0x1e: {  	s7 =	smul.u32 @!p0 $0xF7A, s2;
	p2 =	seq.s32 @!p0 s5, $0x0  }
0x1f: {  	s9 =	smul.u32 $0xF7A, s1;
	s8 =	simm.s32 @!p0 $0x1BF5;
	p2 =	por !p2, p0  }
0x20: {  	[sflag:s8] =	ssyncset.s32 @!p0 $0xFFFFF086;
	s6 =	sadd.s32 @!p0 s3, s7;
	s7 =	simm.s32 @!p0 $0x108  }
0x21: {  	s3 =	sadd.s32 s3, s9;
	s6 =	sadd.s32 @!p0 $0x88, s6;
	s7 =	simm.s32 @p2 $0x1082  }
0x22: {  	[simem:s7], [sflag:s8] =	dma.local @!p0 [hbm:s6], $0xF7A  }
0x23: {  	s9 =	sor.u32 $0xD0000000, s2;
	s6 =	simm.s32 $0x108;
	_ =	swait.ge @!p0 [sflag:s8], $0x0  }
0x24: {  	s3 =	sadd.s32 $0x88, s3;
	s6 =	simm.s32 @!p1 $0x1082;
	[sflag:s4] =	ssyncset.s32 $0xFFFFF086  }
0x25: {  	[simem:s6], [sflag:s4] =	dma.local [hbm:s3], $0xF7A  }
0x26: {  	[smem:$0x3F92] =	sst s1;
	(tag) =	ssettag s2;
	_ =	strace s9  }
0x27: {  	s1 =	sld [smem:$0x3FA2]  }
0x28: {  	s2 =	sld [smem:$0x3FA3]  }
0x29: {  	s4 =	sld [smem:$0x3FA5]  }
0x2a: {  	p0 =	seq.s32 s5, $0x0;
	s5 =	sld [smem:$0x3FA6]  }
0x2b: {  	s6 =	sld [smem:$0x3FA7]  }
0x2c: {  	s7 =	sld [smem:$0x3FA8]  }
0x2d: {  	s3 =	simm.s32 $0x108;
	s8 =	sld [smem:$0x3FA9]  }
0x2e: {  	s3 =	simm.s32 @!p0 $0x1082;
	s9 =	sld [smem:$0x3FAA]  }
0x2f: {  	lr =	sadd.s32 s0, s3;
	s0 =	sld [smem:$0x3FA1]  }
0x30: {  	s3 =	sld [smem:$0x3FA4]  }
0x31: {  	[smem:$0x3FAD] =	sst s10  }
0x32: {  	s10 =	sld [smem:$0x3FAB];
	_ =	sdelay $0x3  }
0x33: {  	p0 =	seq.s32 s10, $0x1;
	s10 =	sld [smem:$0x3FAD];
	_ =	sdelay $0x3  }
0x34: {  	[smem:$0x3FAD] =	sst s10  }
0x35: {  	s10 =	sld [smem:$0x3FAC];
	_ =	sdelay $0x3  }
0x36: {  	p1 =	seq.s32 s10, $0x1;
	s10 =	sld [smem:$0x3FAD];
	_ =	sdelay $0x3  }
0x37: {  	[smem:$0x3FAD] =	sst s10  }
0x38: {  	s10 =	sld [smem:$0x3FAE]  }
0x39: {  	_ = 	snop;
	(pc) =	sbr.ind lr, $3  }
0x3a: {  	_ = 	snop  }
0x3b: {  	_ = 	snop  }
0x3c: {  	p2 =	seq.s32 s10, $0x1;
	s10 =	sld [smem:$0x3FAD]  }
0x3d: {  	_ =	shalt  }
0x3e: {  	_ =	shalt  }
0x3f: {  	_ =	shalt  }
0x40: {  	_ =	shalt  }
0x41: {  	_ =	shalt  }
0x42: {  	_ =	shalt  }
0x43: {  	_ =	shalt  }
0x44: {  	_ =	shalt  }
0x45: {  	_ =	shalt  }
0x46: {  	_ =	shalt  }
0x47: {  	_ =	shalt  }
0x48: {  	_ =	shalt  }
0x49: {  	_ =	shalt  }
0x4a: {  	_ =	shalt  }
0x4b: {  	_ =	shalt  }
0x4c: {  	_ =	shalt  }
0x4d: {  	_ =	shalt  }
0x4e: {  	_ =	shalt  }
0x4f: {  	_ =	shalt  }
0x50: {  	_ =	shalt  }
0x51: {  	_ =	shalt  }
0x52: {  	_ =	shalt  }
0x53: {  	_ =	shalt  }
0x54: {  	_ =	shalt  }
0x55: {  	_ =	shalt  }
0x56: {  	_ =	shalt  }
0x57: {  	_ =	shalt  }
0x58: {  	_ =	shalt  }
0x59: {  	_ =	shalt  }
0x5a: {  	_ =	shalt  }
0x5b: {  	_ =	shalt  }
0x5c: {  	_ =	shalt  }
0x5d: {  	_ =	shalt  }
0x5e: {  	_ =	shalt  }
0x5f: {  	_ =	shalt  }
0x60: {  	_ =	shalt  }
0x61: {  	_ =	shalt  }
0x62: {  	_ =	shalt  }
0x63: {  	_ =	shalt  }
0x64: {  	_ =	shalt  }
0x65: {  	_ =	shalt  }
0x66: {  	_ =	shalt  }
0x67: {  	_ =	shalt  }
0x68: {  	_ =	shalt  }
0x69: {  	_ =	shalt  }
0x6a: {  	_ =	shalt  }
0x6b: {  	_ =	shalt  }
0x6c: {  	_ =	shalt  }
0x6d: {  	_ =	shalt  }
0x6e: {  	_ =	shalt  }
0x6f: {  	_ =	shalt  }
0x70: {  	_ =	shalt  }
0x71: {  	_ =	shalt  }
0x72: {  	_ =	shalt  }
0x73: {  	_ =	shalt  }
0x74: {  	_ =	shalt  }
0x75: {  	_ =	shalt  }
0x76: {  	_ =	shalt  }
0x77: {  	_ =	shalt  }
0x78: {  	_ =	shalt  }
0x79: {  	_ =	shalt  }
0x7a: {  	_ =	shalt  }
0x7b: {  	_ =	shalt  }
0x7c: {  	_ =	shalt  }
0x7d: {  	_ =	shalt  }
0x7e: {  	_ =	shalt  }
0x7f: {  	_ =	shalt  }
0x80: {  	_ =	shalt  }
0x81: {  	_ =	shalt  }
0x82: {  	_ =	shalt  }
0x83: {  	_ =	shalt  }
0x84: {  	_ =	shalt  }
0x85: {  	_ =	shalt  }
0x86: {  	_ =	shalt  }
0x87: {  	_ =	shalt  }
.Lfunc_end0:
.L_simem_size_0:
called_computation_lowered:
.L_overlay_start_0:
0x88: {  	s2 =	sld [smem:$0x3FD9]  }
0x89: {  	s3 =	sld [smem:$0x3FFE];
	_ =	sdelay $0x1  }
0x8a: {  	s1 =	srdreg.scid  }
0x8b: {  	s0 =	sand.u32 $0x1, s1  }
0x8c: {  	s17 =	sshll.u32 s0, $0xA;
	s2 =	sadd.s32 s3, s2  }
0x8d: {  	s2 =	sadd.s32 s2, s17  }
0x8e: {  	[smem:$0x3FB9] =	sst s2  }
0x8f: {  	_ = 	snop  }
0x90: {  	s2 =	sld [smem:$0x3FD0];
	(tm) =	ssettm $0x1  }
0x91: {  	s18 =	sld [smem:$0x3FFB];
	_ =	sdelay $0x3  }
0x92: {  	_ =	strace s18  }
0x93: {  	s3 =	sld [smem:$0x3FFC];
	_ =	sdelay $0x3  }
0x94: {  	_ =	strace s3  }
0x95: {  	s3 =	sld [smem:$0x3FFD];
	_ =	sdelay $0x3  }
0x96: {  	_ =	strace s3  }
0x97: {  	_ =	strace $0x8FFFFFFF  }
0x98: {  	s19 =	sld [smem:$0x3FDB];
	_ =	sdelay $0x1  }
0x99: {  	s4 =	simm.s32 $_scs_section_size  }
0x9a: {  	s5 =	simm.s32 $_size__tile_overlayer_lowered;
	s6 =	simm.s32 $_tile_overlayer_lowered  }
0x9b: {  	s22 =	simm.s32 $0x1BFF;
	s21 =	sshll.u32 s6, $0x1;
	s3 =	sadd.s32 s4, s19  }
0x9c: {  	s7 =	simm.s32 $0x0;
	s20 =	sshll.u32 s5, $0x1;
	s5 =	sadd.s32 s21, s3  }
0x9d: {  	[timem:s7], [sflag:s22] =	dma.local [hbm:s5], s20  }
0x9e: {  	_ =	swait.ge [sflag:s22], s20  }
0x9f: {  	s4 =	ssub.s32 $0x0, s20;
	[sflag:s22] =	ssyncset.done $0x0  }
0xa0: {  	[sflag:s22] =	ssyncadd.s32 s4;
	_ =	sdelay $0x1  }
0xa1: {  	s23 =	simm.s32 $0x1B8B  }
0xa2: {  	_ =	swait.ge [sflag:s23], $0x1  }
0xa3: {  	[sflag:s23] =	ssyncset.done $0x0  }
0xa4: {  	s25 =	simm.s32 $0x1B8E;
	s24 =	sld [smem:$0x3FFE];
	[sflag:s23] =	ssyncadd.s32 $0xFFFFFFFF  }
0xa5: {  	s26 =	simm.s32 $execute0_lowered;
	[smem:$0x3FD2] =	sst s25  }
0xa6: {  	s5 =	sshll.u32 s26, $0x1;
	_ =	strace $0x80000046;
	[dreg:$0x1] =	wrdreg $0xFFFFFFFF  }
0xa7: {  	s28 =	simm.s32 $_size_execute0_lowered;
	s3 =	sadd.s32 s3, s5;
	[dreg:$0x0] =	wrdreg $0x0  }
0xa8: {  	s5 =	sshll.u32 s28, $0x1;
	[dreg:$0x2] =	wrdreg s3  }
0xa9: {  	[dreg:$0x3] =	wrdreg s5  }
0xaa: {  	[dreg:$0x4] =	wrdreg $0xC0  }
0xab: {  	_ =	task [dreg:s7], $0x5FFFF  }
0xac: {  	[dreg:$0x1] =	wrdreg $0xFFFFFFFF  }
0xad: {  	[dreg:$0x0] =	wrdreg $0x60  }
0xae: {  	[dreg:$0x2] =	wrdreg s2  }
0xaf: {  	[dreg:$0x3] =	wrdreg s24  }
0xb0: {  	[dreg:$0x4] =	wrdreg $0x111000  }
0xb1: {  	[dreg:$0x5] =	wrdreg $0x138800  }
0xb2: {  	[dreg:$0x6] =	wrdreg $0x9  }
0xb3: {  	_ =	task.clear_ibuf [dreg:s7], $0x7FFFF;
	_ =	strace $0x90000046  }
0xb4: {  	s29 =	simm.s32 $0x9;
	_ =	strace $0x80000048  }
0xb5: {  	_ =	swait.ge [sflag:s29], $0x1  }
0xb6: {  	[sflag:s29] =	ssyncadd.s32 $0xFFFFFFFF  }
0xb7: {  	_ =	strace $0x90000048  }
0xb8: {  	_ =	sfence  }
0xb9: {  	s30 =	sld [smem:$0x0];
	_ =	sdelay $0x2  }
0xba: {  	s31 =	sshll.u32 s1, $0xD;
	s1 =	sshrl.u32 s1, $0x2  }
0xbb: {  	s3 =	sand.u32 $0x4000, s31;
	s1 =	sadd.s32 s1, s30  }
0xbc: {  	s0 =	sor.u32 s3, s0;
	s1 =	sshll.u32 s1, $0x11  }
0xbd: {  	s0 =	sor.u32 s1, s0  }
0xbe: {  	s0 =	sadd.s32 $0x8F2B, s0  }
0xbf: {  	[sflag:s0] =	ssyncadd.remote.s32 $0x1  }
0xc0: {  	_ =	sfence.sel $0xFFFF  }
0xc1: {  	[dreg:$0x0] =	wrdreg $0xFFFFFFFF;
	(pc) =	sbr.abs _section_cstart, $3  }
0xc2: {  	[dreg:$0x1] =	wrdreg $0xFFFFFFFF  }
0xc3: {  	_ =	task.clear_ibuf [dreg:s7], $0x2FFFF;
	_ =	strace $0x9FFFFFFF  }
0xc4: {  	(tm) =	ssettm $0x7FFFFFFF  }
0xc5: {  	_ =	shalt  }
tec
execute0_lowered:
.L_overlay_start_1:
0x0: {  	(tag) =	ssettag $0x1  }
0x1: {  	s1 =	srdreg.scid  }
0x2: {  	s1 =	sand.u32 $0x1, s1  }
0x3: {  	s6 =	rddreg [dreg:$0x0];
	p0 =	seq.s32 s1, $0x1  }
.Ltmp0:
0x4: {  	s4 =	rddreg [dreg:$0x1];
	(pc) =	sbr.rel @p0 .LBB2_12-.Ltmp0, $4  }
0x5: {  	s2 =	rddreg [dreg:$0x2]  }
0x6: {  	s3 =	rddreg [dreg:$0x3];
	s5 =	simm.s32 $0x0  }
0x7: {  	[smem:$0x7FF] =	sst s5  }
0x8: {  	s0 =	rddreg [dreg:$0x4];
	_ =	strace $0x80000047;
	s1 =	stileid.u32  }
0x9: {  	s7 =	smul.u32 $0x2700, s1  }
0xa: {  	s9 =	smul.u32 $0x2780, s1;
	s10 =	sadd.s32 $0xBE00, s4  }
0xb: {  	s17 =	smul.u32 $0xA20, s1;
	s18 =	sadd.s32 $0x1C00, s4;
	s20 =	simm.s32 $0x9  }
0xc: {  	s13 =	sadd.s32 $0x27000, s3;
	s12 =	sadd.s32 $0x47000, s4;
	s31 =	simm.s32 $0x5100  }
0xd: {  	s8 =	sshrl.u32 s7, $0x3;
	s11 =	sshrl.u32 s9, $0x3;
	s29 =	sadd.s32 s10, s17  }
0xe: {  	s15 =	sadd.s32 s7, s3;
	s30 =	sadd.s32 s18, s17;
	s10 =	sadd.s32 $0x42000, s4  }
0xf: {  	[tilespmem:s5], [sflag:$0x9] =	stream.linear.gather [hbm4b:s29+s5], $0x5100, $0x38;
	[tilespmem:$0x16000] =	vst v63  }
0x10: {  	s17 =	simm.s32 $0x40;
	s18 =	simm.s32 $0x0;
	_ =	swait.ge [sflag:s20], $0x5100  }
0x11: {  	s19 =	sadd.s32 s8, s4;
	s16 =	sadd.s32 s6, s11;
	[sflag:s20] =	ssyncset.done $0x0  }
0x12: {  	s8 =	sadd.s32 s9, s2;
	s9 =	sadd.s32 s9, s3;
	[sflag:s20] =	ssyncadd.s32 $0xFFFFAF00  }
0x13: {  	[tilespmem:s31], [sflag:$0x9] =	stream.linear.gather [hbm4b:s30+s5], $0x5100, $0x38;
	[tilespmem:$0x16000] =	vst v63  }
0x14: {  	s6 =	sadd.s32 s7, s2;
	s4 =	sadd.s32 $0x4C000, s4;
	_ =	swait.ge [sflag:s20], $0x5100  }
0x15: {  	s14 =	sadd.s32 $0x42200, s19;
	s11 =	sadd.s32 $0x3D200, s19;
	[sflag:s20] =	ssyncset.done $0x0  }
0x16: {  	v0 =	vimm.f32 $0.0e+00;
	s7 =	sadd.s32 $0x47200, s19;
	s5 =	sadd.s32 $0x27000, s2;
	[sflag:s20] =	ssyncadd.s32 $0xFFFFAF00  }
.LBB2_2:
0x17: {  	p0 =	sne.s32 s17, $0x9DC0;
	[tilespmem:s18+$0xC200] =	vst v0;
	s18 =	smov.u32 s17;
	s17 =	sadd.s32 $0x40, s17  }
.Ltmp1:
0x18: {  	(pc) =	sbr.rel @p0 .LBB2_2-.Ltmp1, $2  }
0x19: {  	_ =	sdelay $0x2  }
0x1a: {  	s18 =	sshra.s32 s18, $0x2  }
0x1b: {  	[tilespmem:s18+$0xC200] =	vst v0;
	s21 =	simm.s32 $0x0;
	s17 =	simm.s32 $0xE980;
	s22 =	simm.s32 $0x9  }
0x1c: {  	[tilespmem:s17], [sflag:$0x9] =	stream.linear.gather [hbm4b:s16+s21], $0x2780, $0x38;
	[tilespmem:$0x16000] =	vst v63  }
0x1d: {  	_ =	swait.ge [sflag:s22], $0x2780  }
0x1e: {  	[sflag:s22] =	ssyncset.done $0x0  }
0x1f: {  	[sflag:s22] =	ssyncadd.s32 $0xFFFFD880  }
0x20: {  	[spmem:s8] =	stream.linear.scatter [tilespmem:s17], [sflag:$0x9], $0x2780, $0x38;
	[tilespmem:$0x16000] =	vst v63  }
0x21: {  	_ =	swait.ge [sflag:s22], $0x2780  }
0x22: {  	[sflag:s22] =	ssyncset.done $0x0  }
0x23: {  	s23 =	simm.s32 $0xC200;
	[sflag:s22] =	ssyncadd.s32 $0xFFFFD880  }
0x24: {  	[spmem:s9] =	stream.linear.scatter [tilespmem:s23], [sflag:$0x9], $0x2780, $0x38;
	[tilespmem:$0x16000] =	vst v63  }
0x25: {  	_ =	swait.ge [sflag:s22], $0x2780  }
0x26: {  	[sflag:s22] =	ssyncset.done $0x0  }
0x27: {  	[sflag:s22] =	ssyncadd.s32 $0xFFFFD880  }
0x28: {  	s16 =	simm.s32 $0x80;
	s17 =	simm.s32 $0xA200;
	[bflag:$0x0] =	sbarrier.arrive $0xFFFF  }
0x29: {  	[tilespmem:s17], [sflag:$0x1] =	stream.indirect.gather [spmem:s2], $0x10, s21, s16, $0xb8;
	[tilespmem:$0x16000] =	vst v63  }
0x2a: {  	s18 =	simm.s32 $0xAA00;
	s19 =	simm.s32 $0x1  }
0x2b: {  	[tilespmem:s18], [sflag:$0x2] =	stream.indirect.gather [spmem:s2], $0x10, s16, s16, $0xb8;
	[tilespmem:$0x16000] =	vst v63  }
0x2c: {  	_ =	swait.ge [sflag:s19], $0x800  }
0x2d: {  	[sflag:s19] =	ssyncset.done $0x0  }
0x2e: {  	s20 =	simm.s32 $0xB200;
	s21 =	simm.s32 $0x100;
	[sflag:s19] =	ssyncadd.s32 $0xFFFFF800  }
0x2f: {  	[tilespmem:s20], [sflag:$0x3] =	stream.indirect.gather [spmem:s2], $0x10, s21, s16, $0xb8;
	[tilespmem:$0x16000] =	vst v63  }
0x30: {  	s24 =	simm.s32 $0x5100;
	s21 =	simm.s32 $0x2  }
0x31: {  	[spmem:s3] =	stream.indirect.scatter.add.f32 [tilespmem:s17], [sflag:$0x5], $0x10, s24, s16, $0xb8;
	[tilespmem:$0x16000] =	vst v63  }
0x32: {  	_ =	swait.ge [sflag:s21], $0x800  }
0x33: {  	[sflag:s21] =	ssyncset.done $0x0  }
0x34: {  	s23 =	simm.s32 $0x180;
	s22 =	simm.s32 $0xBA00;
	[sflag:s21] =	ssyncadd.s32 $0xFFFFF800  }
0x35: {  	[tilespmem:s22], [sflag:$0x4] =	stream.indirect.gather [spmem:s2], $0x10, s23, s16, $0xb8;
	[tilespmem:$0x16000] =	vst v63  }
0x36: {  	s25 =	simm.s32 $0x5180;
	s23 =	simm.s32 $0x3  }
0x37: {  	[spmem:s3] =	stream.indirect.scatter.add.f32 [tilespmem:s18], [sflag:$0x6], $0x10, s25, s16, $0xb8;
	[tilespmem:$0x16000] =	vst v63  }
0x38: {  	_ =	swait.ge [sflag:s23], $0x800  }
0x39: {  	[sflag:s23] =	ssyncset.done $0x0  }
0x3a: {  	s24 =	simm.s32 $0x5;
	[sflag:s23] =	ssyncadd.s32 $0xFFFFF800  }
0x3b: {  	_ =	swait.ge [sflag:s24], $0x800  }
0x3c: {  	[sflag:s24] =	ssyncset.done $0x0  }
0x3d: {  	s25 =	simm.s32 $0x200;
	[sflag:s24] =	ssyncadd.s32 $0xFFFFF800  }
0x3e: {  	[tilespmem:s17], [sflag:$0x1] =	stream.indirect.gather [spmem:s2], $0x10, s25, s16, $0xb8;
	[tilespmem:$0x16000] =	vst v63  }
0x3f: {  	s26 =	simm.s32 $0x5200;
	s25 =	simm.s32 $0x4  }
0x40: {  	[spmem:s3] =	stream.indirect.scatter.add.f32 [tilespmem:s20], [sflag:$0x7], $0x10, s26, s16, $0xb8;
	[tilespmem:$0x16000] =	vst v63  }
0x41: {  	_ =	swait.ge [sflag:s25], $0x800  }
0x42: {  	[sflag:s25] =	ssyncset.done $0x0  }
0x43: {  	s26 =	simm.s32 $0x6;
	[sflag:s25] =	ssyncadd.s32 $0xFFFFF800  }
0x44: {  	_ =	swait.ge [sflag:s26], $0x800  }
0x45: {  	[sflag:s26] =	ssyncset.done $0x0  }
0x46: {  	s28 =	simm.s32 $0x280;
	[sflag:s26] =	ssyncadd.s32 $0xFFFFF800  }
0x47: {  	[tilespmem:s18], [sflag:$0x2] =	stream.indirect.gather [spmem:s2], $0x10, s28, s16, $0xb8;
	[tilespmem:$0x16000] =	vst v63  }
0x48: {  	s28 =	simm.s32 $0x5280  }
0x49: {  	[spmem:s3] =	stream.indirect.scatter.add.f32 [tilespmem:s22], [sflag:$0x8], $0x10, s28, s16, $0xb8;
	[tilespmem:$0x16000] =	vst v63  }
0x4a: {  	_ =	swait.ge [sflag:s19], $0x800  }
0x4b: {  	[sflag:s19] =	ssyncset.done $0x0  }
0x4c: {  	s28 =	simm.s32 $0x7;
	[sflag:s19] =	ssyncadd.s32 $0xFFFFF800  }
0x4d: {  	_ =	swait.ge [sflag:s28], $0x800  }
0x4e: {  	[sflag:s28] =	ssyncset.done $0x0  }
0x4f: {  	s29 =	simm.s32 $0x300;
	[sflag:s28] =	ssyncadd.s32 $0xFFFFF800  }
0x50: {  	[tilespmem:s20], [sflag:$0x3] =	stream.indirect.gather [spmem:s2], $0x10, s29, s16, $0xb8;
	[tilespmem:$0x16000] =	vst v63  }
0x51: {  	s29 =	simm.s32 $0x5300  }
0x52: {  	[spmem:s3] =	stream.indirect.scatter.add.f32 [tilespmem:s17], [sflag:$0x5], $0x10, s29, s16, $0xb8;
	[tilespmem:$0x16000] =	vst v63  }
0x53: {  	_ =	swait.ge [sflag:s21], $0x800  }
0x54: {  	[sflag:s21] =	ssyncset.done $0x0  }
0x55: {  	s29 =	simm.s32 $0x8;
	[sflag:s21] =	ssyncadd.s32 $0xFFFFF800  }
0x56: {  	_ =	swait.ge [sflag:s29], $0x800  }
0x57: {  	[sflag:s29] =	ssyncset.done $0x0  }
0x58: {  	s30 =	simm.s32 $0x380;
	[sflag:s29] =	ssyncadd.s32 $0xFFFFF800  }
0x59: {  	[tilespmem:s22], [sflag:$0x4] =	stream.indirect.gather [spmem:s2], $0x10, s30, s16, $0xb8;
	[tilespmem:$0x16000] =	vst v63  }
0x5a: {  	s30 =	simm.s32 $0x5380  }
0x5b: {  	[spmem:s3] =	stream.indirect.scatter.add.f32 [tilespmem:s18], [sflag:$0x6], $0x10, s30, s16, $0xb8;
	[tilespmem:$0x16000] =	vst v63  }
0x5c: {  	_ =	swait.ge [sflag:s23], $0x800  }
0x5d: {  	[sflag:s23] =	ssyncset.done $0x0  }
0x5e: {  	[sflag:s23] =	ssyncadd.s32 $0xFFFFF800  }
0x5f: {  	_ =	swait.ge [sflag:s24], $0x800  }
0x60: {  	[sflag:s24] =	ssyncset.done $0x0  }
0x61: {  	s30 =	simm.s32 $0x400;
	[sflag:s24] =	ssyncadd.s32 $0xFFFFF800  }
0x62: {  	[tilespmem:s17], [sflag:$0x1] =	stream.indirect.gather [spmem:s2], $0x10, s30, s16, $0xb8;
	[tilespmem:$0x16000] =	vst v63  }
0x63: {  	s30 =	simm.s32 $0x5400  }
0x64: {  	[spmem:s3] =	stream.indirect.scatter.add.f32 [tilespmem:s20], [sflag:$0x7], $0x10, s30, s16, $0xb8;
	[tilespmem:$0x16000] =	vst v63  }
0x65: {  	_ =	swait.ge [sflag:s25], $0x800  }
0x66: {  	[sflag:s25] =	ssyncset.done $0x0  }
0x67: {  	[sflag:s25] =	ssyncadd.s32 $0xFFFFF800  }
0x68: {  	_ =	swait.ge [sflag:s26], $0x800  }
0x69: {  	[sflag:s26] =	ssyncset.done $0x0  }
0x6a: {  	s30 =	simm.s32 $0x480;
	[sflag:s26] =	ssyncadd.s32 $0xFFFFF800  }
0x6b: {  	[tilespmem:s18], [sflag:$0x2] =	stream.indirect.gather [spmem:s2], $0x10, s30, s16, $0xb8;
	[tilespmem:$0x16000] =	vst v63  }
0x6c: {  	s31 =	simm.s32 $0x5480;
	s30 =	simm.s32 $0x800  }
.LBB2_4:
0x6d: {  	[spmem:s3] =	stream.indirect.scatter.add.f32 [tilespmem:s22], [sflag:$0x8], $0x10, s31, s16, $0xb8;
	[tilespmem:$0x16000] =	vst v63  }
0x6e: {  	s31 =	smov.u32 s30  }
0x6f: {  	p0 =	sne.s32 s30, $0x13000;
	s30 =	sadd.s32 $0x800, s30;
	_ =	swait.ge [sflag:s19], $0x800  }
0x70: {  	[sflag:s19] =	ssyncset.done $0x0  }
0x71: {  	[sflag:s19] =	ssyncadd.s32 $0xFFFFF800  }
0x72: {  	_ =	swait.ge [sflag:s28], $0x800  }
0x73: {  	s31 =	sshra.s32 s31, $0x2;
	[sflag:s28] =	ssyncset.done $0x0  }
0x74: {  	s0 =	sadd.s32 $0x300, s31;
	[sflag:s28] =	ssyncadd.s32 $0xFFFFF800  }
0x75: {  	[tilespmem:s20], [sflag:$0x3] =	stream.indirect.gather [spmem:s2], $0x10, s0, s16, $0xb8;
	[tilespmem:$0x16000] =	vst v63  }
0x76: {  	s0 =	sadd.s32 $0x5300, s31  }
0x77: {  	[spmem:s3] =	stream.indirect.scatter.add.f32 [tilespmem:s17], [sflag:$0x5], $0x10, s0, s16, $0xb8;
	[tilespmem:$0x16000] =	vst v63  }
0x78: {  	_ =	swait.ge [sflag:s21], $0x800  }
0x79: {  	[sflag:s21] =	ssyncset.done $0x0  }
0x7a: {  	[sflag:s21] =	ssyncadd.s32 $0xFFFFF800  }
0x7b: {  	_ =	swait.ge [sflag:s29], $0x800  }
0x7c: {  	[sflag:s29] =	ssyncset.done $0x0  }
0x7d: {  	s0 =	sadd.s32 $0x380, s31;
	[sflag:s29] =	ssyncadd.s32 $0xFFFFF800  }
0x7e: {  	[tilespmem:s22], [sflag:$0x4] =	stream.indirect.gather [spmem:s2], $0x10, s0, s16, $0xb8;
	[tilespmem:$0x16000] =	vst v63  }
0x7f: {  	s0 =	sadd.s32 $0x5380, s31  }
0x80: {  	[spmem:s3] =	stream.indirect.scatter.add.f32 [tilespmem:s18], [sflag:$0x6], $0x10, s0, s16, $0xb8;
	[tilespmem:$0x16000] =	vst v63  }
0x81: {  	_ =	swait.ge [sflag:s23], $0x800  }
0x82: {  	[sflag:s23] =	ssyncset.done $0x0  }
0x83: {  	[sflag:s23] =	ssyncadd.s32 $0xFFFFF800  }
0x84: {  	_ =	swait.ge [sflag:s24], $0x800  }
0x85: {  	[sflag:s24] =	ssyncset.done $0x0  }
0x86: {  	s0 =	sadd.s32 $0x400, s31;
	[sflag:s24] =	ssyncadd.s32 $0xFFFFF800  }
0x87: {  	[tilespmem:s17], [sflag:$0x1] =	stream.indirect.gather [spmem:s2], $0x10, s0, s16, $0xb8;
	[tilespmem:$0x16000] =	vst v63  }
0x88: {  	s0 =	sadd.s32 $0x5400, s31  }
0x89: {  	[spmem:s3] =	stream.indirect.scatter.add.f32 [tilespmem:s20], [sflag:$0x7], $0x10, s0, s16, $0xb8;
	[tilespmem:$0x16000] =	vst v63  }
0x8a: {  	_ =	swait.ge [sflag:s25], $0x800  }
0x8b: {  	[sflag:s25] =	ssyncset.done $0x0  }
0x8c: {  	[sflag:s25] =	ssyncadd.s32 $0xFFFFF800  }
.Ltmp2:
0x8d: {  	_ =	swait.ge [sflag:s26], $0x800;
	(pc) =	sbr.rel @p0 .LBB2_4-.Ltmp2, $4  }
0x8e: {  	[sflag:s26] =	ssyncset.done $0x0  }
0x8f: {  	s0 =	sadd.s32 $0x480, s31;
	[sflag:s26] =	ssyncadd.s32 $0xFFFFF800  }
0x90: {  	[tilespmem:s18], [sflag:$0x2] =	stream.indirect.gather [spmem:s2], $0x10, s0, s16, $0xb8;
	[tilespmem:$0x16000] =	vst v63  }
0x91: {  	s31 =	sadd.s32 $0x5480, s31  }
0x92: {  	[spmem:s3] =	stream.indirect.scatter.add.f32 [tilespmem:s22], [sflag:$0x8], $0x10, s31, s16, $0xb8;
	[tilespmem:$0x16000] =	vst v63  }
0x93: {  	s16 =	simm.s32 $0x1  }
0x94: {  	_ =	swait.ge [sflag:s16], $0x800  }
0x95: {  	[sflag:s16] =	ssyncset.done $0x0  }
0x96: {  	s17 =	simm.s32 $0x2;
	[sflag:s16] =	ssyncadd.s32 $0xFFFFF800  }
0x97: {  	_ =	swait.ge [sflag:s17], $0x800  }
0x98: {  	[sflag:s17] =	ssyncset.done $0x0  }
0x99: {  	s18 =	simm.s32 $0x7;
	[sflag:s17] =	ssyncadd.s32 $0xFFFFF800  }
0x9a: {  	_ =	swait.ge [sflag:s18], $0x800  }
0x9b: {  	[sflag:s18] =	ssyncset.done $0x0  }
0x9c: {  	s19 =	simm.s32 $0x8;
	[sflag:s18] =	ssyncadd.s32 $0xFFFFF800  }
0x9d: {  	_ =	swait.ge [sflag:s19], $0x800  }
0x9e: {  	[sflag:s19] =	ssyncset.done $0x0  }
0x9f: {  	[sflag:s19] =	ssyncadd.s32 $0xFFFFF800  }
0xa0: {  	s0 =	simm.s32 $0xE980;
	s31 =	simm.s32 $0x9;
	[bflag:$0x0] =	sbarrier.arrive $0xFFFF  }
0xa1: {  	[tilespmem:s0], [sflag:$0x9] =	stream.linear.gather [spmem:s15], $0x2700, $0x38;
	[tilespmem:$0x16000] =	vst v63  }
0xa2: {  	_ =	swait.ge [sflag:s31], $0x2700  }
0xa3: {  	[sflag:s31] =	ssyncset.done $0x0  }
0xa4: {  	s20 =	simm.s32 $0x0;
	[sflag:s31] =	ssyncadd.s32 $0xFFFFD900  }
0xa5: {  	[hbm4b:s14+s20] =	stream.linear.scatter [tilespmem:s0], [sflag:$0x9], $0x2700, $0x38;
	[tilespmem:$0x16000] =	vst v63  }
0xa6: {  	_ =	swait.ge [sflag:s31], $0x2700  }
0xa7: {  	p0 =	sne.s32 s1, $0x0;
	[sflag:s31] =	ssyncset.done $0x0  }
0xa8: {  	s0 =	simm.s32 @!p0 $0xE980;
	[sflag:s31] =	ssyncadd.s32 $0xFFFFD900  }
0xa9: {  	[tilespmem:s0], [sflag:$0x9] =	stream.linear.gather @!p0 [spmem:s13], $0x100, $0x38;
	[tilespmem:$0x16000] =	vst v63  }
0xaa: {  	s13 =	simm.s32 @!p0 $0x9  }
0xab: {  	_ =	swait.ge @!p0 [sflag:s13], $0x100  }
0xac: {  	[sflag:s13] =	ssyncset.done @!p0 $0x0  }
0xad: {  	s14 =	simm.s32 @!p0 $0x0;
	[sflag:s13] =	ssyncadd.s32 @!p0 $0xFFFFFF00  }
0xae: {  	[hbm4b:s12+s14] =	stream.linear.scatter @!p0 [tilespmem:s0], [sflag:$0x9], $0x100, $0x38;
	[tilespmem:$0x16000] =	vst v63  }
0xaf: {  	_ =	swait.ge @!p0 [sflag:s13], $0x100  }
0xb0: {  	[sflag:s13] =	ssyncset.done @!p0 $0x0  }
0xb1: {  	s21 =	simm.s32 $0xC200;
	[sflag:s13] =	ssyncadd.s32 @!p0 $0xFFFFFF00  }
0xb2: {  	[spmem:s8] =	stream.linear.scatter [tilespmem:s21], [sflag:$0x9], $0x2780, $0x38;
	[tilespmem:$0x16000] =	vst v63  }
0xb3: {  	_ =	swait.ge [sflag:s31], $0x2780  }
0xb4: {  	[sflag:s31] =	ssyncset.done $0x0  }
0xb5: {  	[sflag:s31] =	ssyncadd.s32 $0xFFFFD880  }
0xb6: {  	s12 =	simm.s32 $0x80;
	s13 =	simm.s32 $0xA200;
	[bflag:$0x0] =	sbarrier.arrive $0xFFFF  }
0xb7: {  	[tilespmem:s13], [sflag:$0x1] =	stream.indirect.gather [spmem:s3], $0x10, s20, s12, $0xb8;
	[tilespmem:$0x16000] =	vst v63  }
0xb8: {  	s14 =	simm.s32 $0xAA00  }
0xb9: {  	[tilespmem:s14], [sflag:$0x2] =	stream.indirect.gather [spmem:s3], $0x10, s12, s12, $0xb8;
	[tilespmem:$0x16000] =	vst v63  }
0xba: {  	_ =	swait.ge [sflag:s16], $0x800  }
0xbb: {  	[sflag:s16] =	ssyncset.done $0x0  }
0xbc: {  	s22 =	simm.s32 $0x100;
	s15 =	simm.s32 $0xB200;
	[sflag:s16] =	ssyncadd.s32 $0xFFFFF800  }
0xbd: {  	[tilespmem:s15], [sflag:$0x3] =	stream.indirect.gather [spmem:s3], $0x10, s22, s12, $0xb8;
	[tilespmem:$0x16000] =	vst v63  }
0xbe: {  	s23 =	simm.s32 $0x5100  }
0xbf: {  	[spmem:s2] =	stream.indirect.scatter.add.f32 [tilespmem:s13], [sflag:$0x5], $0x10, s23, s12, $0xb8;
	[tilespmem:$0x16000] =	vst v63  }
0xc0: {  	_ =	swait.ge [sflag:s17], $0x800  }
0xc1: {  	[sflag:s17] =	ssyncset.done $0x0  }
0xc2: {  	s24 =	simm.s32 $0x180;
	s20 =	simm.s32 $0xBA00;
	[sflag:s17] =	ssyncadd.s32 $0xFFFFF800  }
0xc3: {  	[tilespmem:s20], [sflag:$0x4] =	stream.indirect.gather [spmem:s3], $0x10, s24, s12, $0xb8;
	[tilespmem:$0x16000] =	vst v63  }
0xc4: {  	s25 =	simm.s32 $0x5180;
	s21 =	simm.s32 $0x3  }
0xc5: {  	[spmem:s2] =	stream.indirect.scatter.add.f32 [tilespmem:s14], [sflag:$0x6], $0x10, s25, s12, $0xb8;
	[tilespmem:$0x16000] =	vst v63  }
0xc6: {  	_ =	swait.ge [sflag:s21], $0x800  }
0xc7: {  	[sflag:s21] =	ssyncset.done $0x0  }
0xc8: {  	s22 =	simm.s32 $0x5;
	[sflag:s21] =	ssyncadd.s32 $0xFFFFF800  }
0xc9: {  	_ =	swait.ge [sflag:s22], $0x800  }
0xca: {  	[sflag:s22] =	ssyncset.done $0x0  }
0xcb: {  	s26 =	simm.s32 $0x200;
	[sflag:s22] =	ssyncadd.s32 $0xFFFFF800  }
0xcc: {  	[tilespmem:s13], [sflag:$0x1] =	stream.indirect.gather [spmem:s3], $0x10, s26, s12, $0xb8;
	[tilespmem:$0x16000] =	vst v63  }
0xcd: {  	s28 =	simm.s32 $0x5200;
	s23 =	simm.s32 $0x4  }
0xce: {  	[spmem:s2] =	stream.indirect.scatter.add.f32 [tilespmem:s15], [sflag:$0x7], $0x10, s28, s12, $0xb8;
	[tilespmem:$0x16000] =	vst v63  }
0xcf: {  	_ =	swait.ge [sflag:s23], $0x800  }
0xd0: {  	[sflag:s23] =	ssyncset.done $0x0  }
0xd1: {  	s24 =	simm.s32 $0x6;
	[sflag:s23] =	ssyncadd.s32 $0xFFFFF800  }
0xd2: {  	_ =	swait.ge [sflag:s24], $0x800  }
0xd3: {  	[sflag:s24] =	ssyncset.done $0x0  }
0xd4: {  	s29 =	simm.s32 $0x280;
	[sflag:s24] =	ssyncadd.s32 $0xFFFFF800  }
0xd5: {  	[tilespmem:s14], [sflag:$0x2] =	stream.indirect.gather [spmem:s3], $0x10, s29, s12, $0xb8;
	[tilespmem:$0x16000] =	vst v63  }
0xd6: {  	s30 =	simm.s32 $0x5280  }
0xd7: {  	[spmem:s2] =	stream.indirect.scatter.add.f32 [tilespmem:s20], [sflag:$0x8], $0x10, s30, s12, $0xb8;
	[tilespmem:$0x16000] =	vst v63  }
0xd8: {  	_ =	swait.ge [sflag:s16], $0x800  }
0xd9: {  	[sflag:s16] =	ssyncset.done $0x0  }
0xda: {  	[sflag:s16] =	ssyncadd.s32 $0xFFFFF800  }
0xdb: {  	_ =	swait.ge [sflag:s18], $0x800  }
0xdc: {  	[sflag:s18] =	ssyncset.done $0x0  }
0xdd: {  	s31 =	simm.s32 $0x300;
	[sflag:s18] =	ssyncadd.s32 $0xFFFFF800  }
0xde: {  	[tilespmem:s15], [sflag:$0x3] =	stream.indirect.gather [spmem:s3], $0x10, s31, s12, $0xb8;
	[tilespmem:$0x16000] =	vst v63  }
0xdf: {  	s25 =	simm.s32 $0x5300  }
0xe0: {  	[spmem:s2] =	stream.indirect.scatter.add.f32 [tilespmem:s13], [sflag:$0x5], $0x10, s25, s12, $0xb8;
	[tilespmem:$0x16000] =	vst v63  }
0xe1: {  	_ =	swait.ge [sflag:s17], $0x800  }
0xe2: {  	[sflag:s17] =	ssyncset.done $0x0  }
0xe3: {  	[sflag:s17] =	ssyncadd.s32 $0xFFFFF800  }
0xe4: {  	_ =	swait.ge [sflag:s19], $0x800  }
0xe5: {  	[sflag:s19] =	ssyncset.done $0x0  }
0xe6: {  	s26 =	simm.s32 $0x380;
	[sflag:s19] =	ssyncadd.s32 $0xFFFFF800  }
0xe7: {  	[tilespmem:s20], [sflag:$0x4] =	stream.indirect.gather [spmem:s3], $0x10, s26, s12, $0xb8;
	[tilespmem:$0x16000] =	vst v63  }
0xe8: {  	s28 =	simm.s32 $0x5380  }
0xe9: {  	[spmem:s2] =	stream.indirect.scatter.add.f32 [tilespmem:s14], [sflag:$0x6], $0x10, s28, s12, $0xb8;
	[tilespmem:$0x16000] =	vst v63  }
0xea: {  	_ =	swait.ge [sflag:s21], $0x800  }
0xeb: {  	[sflag:s21] =	ssyncset.done $0x0  }
0xec: {  	[sflag:s21] =	ssyncadd.s32 $0xFFFFF800  }
0xed: {  	_ =	swait.ge [sflag:s22], $0x800  }
0xee: {  	[sflag:s22] =	ssyncset.done $0x0  }
0xef: {  	s29 =	simm.s32 $0x400;
	[sflag:s22] =	ssyncadd.s32 $0xFFFFF800  }
0xf0: {  	[tilespmem:s13], [sflag:$0x1] =	stream.indirect.gather [spmem:s3], $0x10, s29, s12, $0xb8;
	[tilespmem:$0x16000] =	vst v63  }
0xf1: {  	s30 =	simm.s32 $0x5400  }
0xf2: {  	[spmem:s2] =	stream.indirect.scatter.add.f32 [tilespmem:s15], [sflag:$0x7], $0x10, s30, s12, $0xb8;
	[tilespmem:$0x16000] =	vst v63  }
0xf3: {  	_ =	swait.ge [sflag:s23], $0x800  }
0xf4: {  	[sflag:s23] =	ssyncset.done $0x0  }
0xf5: {  	[sflag:s23] =	ssyncadd.s32 $0xFFFFF800  }
0xf6: {  	_ =	swait.ge [sflag:s24], $0x800  }
0xf7: {  	s31 =	simm.s32 $0x480;
	[sflag:s24] =	ssyncset.done $0x0  }
0xf8: {  	s25 =	simm.s32 $0x800;
	s26 =	simm.s32 $0x5480;
	[sflag:s24] =	ssyncadd.s32 $0xFFFFF800  }
0xf9: {  	[tilespmem:s14], [sflag:$0x2] =	stream.indirect.gather [spmem:s3], $0x10, s31, s12, $0xb8;
	[tilespmem:$0x16000] =	vst v63  }
.LBB2_6:
0xfa: {  	[spmem:s2] =	stream.indirect.scatter.add.f32 [tilespmem:s20], [sflag:$0x8], $0x10, s26, s12, $0xb8;
	[tilespmem:$0x16000] =	vst v63  }
0xfb: {  	s0 =	smov.u32 s25  }
0xfc: {  	p1 =	sne.s32 s25, $0x13000;
	s25 =	sadd.s32 $0x800, s25;
	_ =	swait.ge [sflag:s16], $0x800  }
0xfd: {  	[sflag:s16] =	ssyncset.done $0x0  }
0xfe: {  	[sflag:s16] =	ssyncadd.s32 $0xFFFFF800  }
0xff: {  	_ =	swait.ge [sflag:s18], $0x800  }
0x100: {  	s26 =	sshra.s32 s0, $0x2;
	[sflag:s18] =	ssyncset.done $0x0  }
0x101: {  	s0 =	sadd.s32 $0x300, s26;
	[sflag:s18] =	ssyncadd.s32 $0xFFFFF800  }
0x102: {  	[tilespmem:s15], [sflag:$0x3] =	stream.indirect.gather [spmem:s3], $0x10, s0, s12, $0xb8;
	[tilespmem:$0x16000] =	vst v63  }
0x103: {  	s0 =	sadd.s32 $0x5300, s26  }
0x104: {  	[spmem:s2] =	stream.indirect.scatter.add.f32 [tilespmem:s13], [sflag:$0x5], $0x10, s0, s12, $0xb8;
	[tilespmem:$0x16000] =	vst v63  }
0x105: {  	_ =	swait.ge [sflag:s17], $0x800  }
0x106: {  	[sflag:s17] =	ssyncset.done $0x0  }
0x107: {  	[sflag:s17] =	ssyncadd.s32 $0xFFFFF800  }
0x108: {  	_ =	swait.ge [sflag:s19], $0x800  }
0x109: {  	[sflag:s19] =	ssyncset.done $0x0  }
0x10a: {  	s0 =	sadd.s32 $0x380, s26;
	[sflag:s19] =	ssyncadd.s32 $0xFFFFF800  }
0x10b: {  	[tilespmem:s20], [sflag:$0x4] =	stream.indirect.gather [spmem:s3], $0x10, s0, s12, $0xb8;
	[tilespmem:$0x16000] =	vst v63  }
0x10c: {  	s0 =	sadd.s32 $0x5380, s26  }
0x10d: {  	[spmem:s2] =	stream.indirect.scatter.add.f32 [tilespmem:s14], [sflag:$0x6], $0x10, s0, s12, $0xb8;
	[tilespmem:$0x16000] =	vst v63  }
0x10e: {  	_ =	swait.ge [sflag:s21], $0x800  }
0x10f: {  	[sflag:s21] =	ssyncset.done $0x0  }
0x110: {  	[sflag:s21] =	ssyncadd.s32 $0xFFFFF800  }
0x111: {  	_ =	swait.ge [sflag:s22], $0x800  }
0x112: {  	[sflag:s22] =	ssyncset.done $0x0  }
0x113: {  	s0 =	sadd.s32 $0x400, s26;
	[sflag:s22] =	ssyncadd.s32 $0xFFFFF800  }
0x114: {  	[tilespmem:s13], [sflag:$0x1] =	stream.indirect.gather [spmem:s3], $0x10, s0, s12, $0xb8;
	[tilespmem:$0x16000] =	vst v63  }
0x115: {  	s0 =	sadd.s32 $0x5400, s26  }
0x116: {  	[spmem:s2] =	stream.indirect.scatter.add.f32 [tilespmem:s15], [sflag:$0x7], $0x10, s0, s12, $0xb8;
	[tilespmem:$0x16000] =	vst v63  }
0x117: {  	_ =	swait.ge [sflag:s23], $0x800  }
0x118: {  	[sflag:s23] =	ssyncset.done $0x0  }
0x119: {  	[sflag:s23] =	ssyncadd.s32 $0xFFFFF800  }
.Ltmp3:
0x11a: {  	_ =	swait.ge [sflag:s24], $0x800;
	(pc) =	sbr.rel @p1 .LBB2_6-.Ltmp3, $4  }
0x11b: {  	[sflag:s24] =	ssyncset.done $0x0  }
0x11c: {  	s0 =	sadd.s32 $0x480, s26;
	[sflag:s24] =	ssyncadd.s32 $0xFFFFF800  }
0x11d: {  	[tilespmem:s14], [sflag:$0x2] =	stream.indirect.gather [spmem:s3], $0x10, s0, s12, $0xb8;
	[tilespmem:$0x16000] =	vst v63  }
0x11e: {  	s26 =	sadd.s32 $0x5480, s26  }
0x11f: {  	[spmem:s2] =	stream.indirect.scatter.add.f32 [tilespmem:s20], [sflag:$0x8], $0x10, s26, s12, $0xb8;
	[tilespmem:$0x16000] =	vst v63  }
0x120: {  	s12 =	simm.s32 $0x1  }
0x121: {  	_ =	swait.ge [sflag:s12], $0x800  }
0x122: {  	[sflag:s12] =	ssyncset.done $0x0  }
0x123: {  	s13 =	simm.s32 $0x2;
	[sflag:s12] =	ssyncadd.s32 $0xFFFFF800  }
0x124: {  	_ =	swait.ge [sflag:s13], $0x800  }
0x125: {  	[sflag:s13] =	ssyncset.done $0x0  }
0x126: {  	s14 =	simm.s32 $0x7;
	[sflag:s13] =	ssyncadd.s32 $0xFFFFF800  }
0x127: {  	_ =	swait.ge [sflag:s14], $0x800  }
0x128: {  	[sflag:s14] =	ssyncset.done $0x0  }
0x129: {  	s15 =	simm.s32 $0x8;
	[sflag:s14] =	ssyncadd.s32 $0xFFFFF800  }
0x12a: {  	_ =	swait.ge [sflag:s15], $0x800  }
0x12b: {  	[sflag:s15] =	ssyncset.done $0x0  }
0x12c: {  	[sflag:s15] =	ssyncadd.s32 $0xFFFFF800  }
0x12d: {  	s0 =	simm.s32 $0xE980;
	s16 =	simm.s32 $0x9;
	[bflag:$0x0] =	sbarrier.arrive $0xFFFF  }
0x12e: {  	[tilespmem:s0], [sflag:$0x9] =	stream.linear.gather [spmem:s6], $0x2700, $0x38;
	[tilespmem:$0x16000] =	vst v63  }
0x12f: {  	_ =	swait.ge [sflag:s16], $0x2700  }
0x130: {  	[sflag:s16] =	ssyncset.done $0x0  }
0x131: {  	s17 =	simm.s32 $0x0;
	[sflag:s16] =	ssyncadd.s32 $0xFFFFD900  }
0x132: {  	[hbm4b:s11+s17] =	stream.linear.scatter [tilespmem:s0], [sflag:$0x9], $0x2700, $0x38;
	[tilespmem:$0x16000] =	vst v63  }
0x133: {  	_ =	swait.ge [sflag:s16], $0x2700  }
0x134: {  	[sflag:s16] =	ssyncset.done $0x0  }
0x135: {  	s0 =	simm.s32 @!p0 $0xE980;
	s11 =	simm.s32 @!p0 $0x9;
	[sflag:s16] =	ssyncadd.s32 $0xFFFFD900  }
0x136: {  	[tilespmem:s0], [sflag:$0x9] =	stream.linear.gather @!p0 [spmem:s5], $0x100, $0x38;
	[tilespmem:$0x16000] =	vst v63  }
0x137: {  	_ =	swait.ge @!p0 [sflag:s11], $0x100  }
0x138: {  	[sflag:s11] =	ssyncset.done @!p0 $0x0  }
0x139: {  	s18 =	simm.s32 @!p0 $0x0;
	[sflag:s11] =	ssyncadd.s32 @!p0 $0xFFFFFF00  }
0x13a: {  	[hbm4b:s10+s18] =	stream.linear.scatter @!p0 [tilespmem:s0], [sflag:$0x9], $0x100, $0x38;
	[tilespmem:$0x16000] =	vst v63  }
0x13b: {  	_ =	swait.ge @!p0 [sflag:s11], $0x100  }
0x13c: {  	[sflag:s11] =	ssyncset.done @!p0 $0x0  }
0x13d: {  	s30 =	simm.s32 $0xC200;
	[sflag:s11] =	ssyncadd.s32 @!p0 $0xFFFFFF00  }
0x13e: {  	[spmem:s9] =	stream.linear.scatter [tilespmem:s30], [sflag:$0x9], $0x2780, $0x38;
	[tilespmem:$0x16000] =	vst v63  }
0x13f: {  	_ =	swait.ge [sflag:s16], $0x2780  }
0x140: {  	[sflag:s16] =	ssyncset.done $0x0  }
0x141: {  	[sflag:s16] =	ssyncadd.s32 $0xFFFFD880  }
0x142: {  	s10 =	simm.s32 $0xA200;
	s9 =	simm.s32 $0x80;
	[bflag:$0x0] =	sbarrier.arrive $0xFFFF  }
0x143: {  	[tilespmem:s10], [sflag:$0x1] =	stream.indirect.gather [spmem:s2], $0x10, s17, s9, $0xb8;
	[tilespmem:$0x16000] =	vst v63  }
0x144: {  	s11 =	simm.s32 $0xAA00  }
0x145: {  	[tilespmem:s11], [sflag:$0x2] =	stream.indirect.gather [spmem:s2], $0x10, s9, s9, $0xb8;
	[tilespmem:$0x16000] =	vst v63  }
0x146: {  	_ =	swait.ge [sflag:s12], $0x800  }
0x147: {  	[sflag:s12] =	ssyncset.done $0x0  }
0x148: {  	s31 =	simm.s32 $0x100;
	s16 =	simm.s32 $0xB200;
	[sflag:s12] =	ssyncadd.s32 $0xFFFFF800  }
0x149: {  	[tilespmem:s16], [sflag:$0x3] =	stream.indirect.gather [spmem:s2], $0x10, s31, s9, $0xb8;
	[tilespmem:$0x16000] =	vst v63  }
0x14a: {  	s17 =	simm.s32 $0x5100  }
0x14b: {  	[spmem:s3] =	stream.indirect.scatter.add.f32 [tilespmem:s10], [sflag:$0x5], $0x10, s17, s9, $0xb8;
	[tilespmem:$0x16000] =	vst v63  }
0x14c: {  	_ =	swait.ge [sflag:s13], $0x800  }
0x14d: {  	[sflag:s13] =	ssyncset.done $0x0  }
0x14e: {  	s18 =	simm.s32 $0x180;
	s17 =	simm.s32 $0xBA00;
	[sflag:s13] =	ssyncadd.s32 $0xFFFFF800  }
0x14f: {  	[tilespmem:s17], [sflag:$0x4] =	stream.indirect.gather [spmem:s2], $0x10, s18, s9, $0xb8;
	[tilespmem:$0x16000] =	vst v63  }
0x150: {  	s19 =	simm.s32 $0x5180;
	s18 =	simm.s32 $0x3  }
0x151: {  	[spmem:s3] =	stream.indirect.scatter.add.f32 [tilespmem:s11], [sflag:$0x6], $0x10, s19, s9, $0xb8;
	[tilespmem:$0x16000] =	vst v63  }
0x152: {  	_ =	swait.ge [sflag:s18], $0x800  }
0x153: {  	[sflag:s18] =	ssyncset.done $0x0  }
0x154: {  	s19 =	simm.s32 $0x5;
	[sflag:s18] =	ssyncadd.s32 $0xFFFFF800  }
0x155: {  	_ =	swait.ge [sflag:s19], $0x800  }
0x156: {  	[sflag:s19] =	ssyncset.done $0x0  }
0x157: {  	s20 =	simm.s32 $0x200;
	[sflag:s19] =	ssyncadd.s32 $0xFFFFF800  }
0x158: {  	[tilespmem:s10], [sflag:$0x1] =	stream.indirect.gather [spmem:s2], $0x10, s20, s9, $0xb8;
	[tilespmem:$0x16000] =	vst v63  }
0x159: {  	s21 =	simm.s32 $0x5200;
	s20 =	simm.s32 $0x4  }
0x15a: {  	[spmem:s3] =	stream.indirect.scatter.add.f32 [tilespmem:s16], [sflag:$0x7], $0x10, s21, s9, $0xb8;
	[tilespmem:$0x16000] =	vst v63  }
0x15b: {  	_ =	swait.ge [sflag:s20], $0x800  }
0x15c: {  	[sflag:s20] =	ssyncset.done $0x0  }
0x15d: {  	s21 =	simm.s32 $0x6;
	[sflag:s20] =	ssyncadd.s32 $0xFFFFF800  }
0x15e: {  	_ =	swait.ge [sflag:s21], $0x800  }
0x15f: {  	[sflag:s21] =	ssyncset.done $0x0  }
0x160: {  	s22 =	simm.s32 $0x280;
	[sflag:s21] =	ssyncadd.s32 $0xFFFFF800  }
0x161: {  	[tilespmem:s11], [sflag:$0x2] =	stream.indirect.gather [spmem:s2], $0x10, s22, s9, $0xb8;
	[tilespmem:$0x16000] =	vst v63  }
0x162: {  	s23 =	simm.s32 $0x5280  }
0x163: {  	[spmem:s3] =	stream.indirect.scatter.add.f32 [tilespmem:s17], [sflag:$0x8], $0x10, s23, s9, $0xb8;
	[tilespmem:$0x16000] =	vst v63  }
0x164: {  	_ =	swait.ge [sflag:s12], $0x800  }
0x165: {  	[sflag:s12] =	ssyncset.done $0x0  }
0x166: {  	[sflag:s12] =	ssyncadd.s32 $0xFFFFF800  }
0x167: {  	_ =	swait.ge [sflag:s14], $0x800  }
0x168: {  	[sflag:s14] =	ssyncset.done $0x0  }
0x169: {  	s24 =	simm.s32 $0x300;
	[sflag:s14] =	ssyncadd.s32 $0xFFFFF800  }
0x16a: {  	[tilespmem:s16], [sflag:$0x3] =	stream.indirect.gather [spmem:s2], $0x10, s24, s9, $0xb8;
	[tilespmem:$0x16000] =	vst v63  }
0x16b: {  	s25 =	simm.s32 $0x5300  }
0x16c: {  	[spmem:s3] =	stream.indirect.scatter.add.f32 [tilespmem:s10], [sflag:$0x5], $0x10, s25, s9, $0xb8;
	[tilespmem:$0x16000] =	vst v63  }
0x16d: {  	_ =	swait.ge [sflag:s13], $0x800  }
0x16e: {  	[sflag:s13] =	ssyncset.done $0x0  }
0x16f: {  	[sflag:s13] =	ssyncadd.s32 $0xFFFFF800  }
0x170: {  	_ =	swait.ge [sflag:s15], $0x800  }
0x171: {  	[sflag:s15] =	ssyncset.done $0x0  }
0x172: {  	s26 =	simm.s32 $0x380;
	[sflag:s15] =	ssyncadd.s32 $0xFFFFF800  }
0x173: {  	[tilespmem:s17], [sflag:$0x4] =	stream.indirect.gather [spmem:s2], $0x10, s26, s9, $0xb8;
	[tilespmem:$0x16000] =	vst v63  }
0x174: {  	s28 =	simm.s32 $0x5380  }
0x175: {  	[spmem:s3] =	stream.indirect.scatter.add.f32 [tilespmem:s11], [sflag:$0x6], $0x10, s28, s9, $0xb8;
	[tilespmem:$0x16000] =	vst v63  }
0x176: {  	_ =	swait.ge [sflag:s18], $0x800  }
0x177: {  	[sflag:s18] =	ssyncset.done $0x0  }
0x178: {  	[sflag:s18] =	ssyncadd.s32 $0xFFFFF800  }
0x179: {  	_ =	swait.ge [sflag:s19], $0x800  }
0x17a: {  	[sflag:s19] =	ssyncset.done $0x0  }
0x17b: {  	s29 =	simm.s32 $0x400;
	[sflag:s19] =	ssyncadd.s32 $0xFFFFF800  }
0x17c: {  	[tilespmem:s10], [sflag:$0x1] =	stream.indirect.gather [spmem:s2], $0x10, s29, s9, $0xb8;
	[tilespmem:$0x16000] =	vst v63  }
0x17d: {  	s30 =	simm.s32 $0x5400  }
0x17e: {  	[spmem:s3] =	stream.indirect.scatter.add.f32 [tilespmem:s16], [sflag:$0x7], $0x10, s30, s9, $0xb8;
	[tilespmem:$0x16000] =	vst v63  }
0x17f: {  	_ =	swait.ge [sflag:s20], $0x800  }
0x180: {  	[sflag:s20] =	ssyncset.done $0x0  }
0x181: {  	[sflag:s20] =	ssyncadd.s32 $0xFFFFF800  }
0x182: {  	_ =	swait.ge [sflag:s21], $0x800  }
0x183: {  	s31 =	simm.s32 $0x480;
	[sflag:s21] =	ssyncset.done $0x0  }
0x184: {  	s22 =	simm.s32 $0x800;
	s23 =	simm.s32 $0x5480;
	[sflag:s21] =	ssyncadd.s32 $0xFFFFF800  }
0x185: {  	[tilespmem:s11], [sflag:$0x2] =	stream.indirect.gather [spmem:s2], $0x10, s31, s9, $0xb8;
	[tilespmem:$0x16000] =	vst v63  }
.LBB2_8:
0x186: {  	[spmem:s3] =	stream.indirect.scatter.add.f32 [tilespmem:s17], [sflag:$0x8], $0x10, s23, s9, $0xb8;
	[tilespmem:$0x16000] =	vst v63  }
0x187: {  	s0 =	smov.u32 s22  }
0x188: {  	p1 =	sne.s32 s22, $0x13000;
	s22 =	sadd.s32 $0x800, s22;
	_ =	swait.ge [sflag:s12], $0x800  }
0x189: {  	[sflag:s12] =	ssyncset.done $0x0  }
0x18a: {  	[sflag:s12] =	ssyncadd.s32 $0xFFFFF800  }
0x18b: {  	_ =	swait.ge [sflag:s14], $0x800  }
0x18c: {  	s23 =	sshra.s32 s0, $0x2;
	[sflag:s14] =	ssyncset.done $0x0  }
0x18d: {  	s0 =	sadd.s32 $0x300, s23;
	[sflag:s14] =	ssyncadd.s32 $0xFFFFF800  }
0x18e: {  	[tilespmem:s16], [sflag:$0x3] =	stream.indirect.gather [spmem:s2], $0x10, s0, s9, $0xb8;
	[tilespmem:$0x16000] =	vst v63  }
0x18f: {  	s0 =	sadd.s32 $0x5300, s23  }
0x190: {  	[spmem:s3] =	stream.indirect.scatter.add.f32 [tilespmem:s10], [sflag:$0x5], $0x10, s0, s9, $0xb8;
	[tilespmem:$0x16000] =	vst v63  }
0x191: {  	_ =	swait.ge [sflag:s13], $0x800  }
0x192: {  	[sflag:s13] =	ssyncset.done $0x0  }
0x193: {  	[sflag:s13] =	ssyncadd.s32 $0xFFFFF800  }
0x194: {  	_ =	swait.ge [sflag:s15], $0x800  }
0x195: {  	[sflag:s15] =	ssyncset.done $0x0  }
0x196: {  	s0 =	sadd.s32 $0x380, s23;
	[sflag:s15] =	ssyncadd.s32 $0xFFFFF800  }
0x197: {  	[tilespmem:s17], [sflag:$0x4] =	stream.indirect.gather [spmem:s2], $0x10, s0, s9, $0xb8;
	[tilespmem:$0x16000] =	vst v63  }
0x198: {  	s0 =	sadd.s32 $0x5380, s23  }
0x199: {  	[spmem:s3] =	stream.indirect.scatter.add.f32 [tilespmem:s11], [sflag:$0x6], $0x10, s0, s9, $0xb8;
	[tilespmem:$0x16000] =	vst v63  }
0x19a: {  	_ =	swait.ge [sflag:s18], $0x800  }
0x19b: {  	[sflag:s18] =	ssyncset.done $0x0  }
0x19c: {  	[sflag:s18] =	ssyncadd.s32 $0xFFFFF800  }
0x19d: {  	_ =	swait.ge [sflag:s19], $0x800  }
0x19e: {  	[sflag:s19] =	ssyncset.done $0x0  }
0x19f: {  	s0 =	sadd.s32 $0x400, s23;
	[sflag:s19] =	ssyncadd.s32 $0xFFFFF800  }
0x1a0: {  	[tilespmem:s10], [sflag:$0x1] =	stream.indirect.gather [spmem:s2], $0x10, s0, s9, $0xb8;
	[tilespmem:$0x16000] =	vst v63  }
0x1a1: {  	s0 =	sadd.s32 $0x5400, s23  }
0x1a2: {  	[spmem:s3] =	stream.indirect.scatter.add.f32 [tilespmem:s16], [sflag:$0x7], $0x10, s0, s9, $0xb8;
	[tilespmem:$0x16000] =	vst v63  }
0x1a3: {  	_ =	swait.ge [sflag:s20], $0x800  }
0x1a4: {  	[sflag:s20] =	ssyncset.done $0x0  }
0x1a5: {  	[sflag:s20] =	ssyncadd.s32 $0xFFFFF800  }
.Ltmp4:
0x1a6: {  	_ =	swait.ge [sflag:s21], $0x800;
	(pc) =	sbr.rel @p1 .LBB2_8-.Ltmp4, $4  }
0x1a7: {  	[sflag:s21] =	ssyncset.done $0x0  }
0x1a8: {  	s0 =	sadd.s32 $0x480, s23;
	[sflag:s21] =	ssyncadd.s32 $0xFFFFF800  }
0x1a9: {  	[tilespmem:s11], [sflag:$0x2] =	stream.indirect.gather [spmem:s2], $0x10, s0, s9, $0xb8;
	[tilespmem:$0x16000] =	vst v63  }
0x1aa: {  	s23 =	sadd.s32 $0x5480, s23  }
0x1ab: {  	[spmem:s3] =	stream.indirect.scatter.add.f32 [tilespmem:s17], [sflag:$0x8], $0x10, s23, s9, $0xb8;
	[tilespmem:$0x16000] =	vst v63  }
0x1ac: {  	s9 =	simm.s32 $0x1  }
0x1ad: {  	_ =	swait.ge [sflag:s9], $0x800  }
0x1ae: {  	[sflag:s9] =	ssyncset.done $0x0  }
0x1af: {  	s10 =	simm.s32 $0x2;
	[sflag:s9] =	ssyncadd.s32 $0xFFFFF800  }
0x1b0: {  	_ =	swait.ge [sflag:s10], $0x800  }
0x1b1: {  	[sflag:s10] =	ssyncset.done $0x0  }
0x1b2: {  	s11 =	simm.s32 $0x7;
	[sflag:s10] =	ssyncadd.s32 $0xFFFFF800  }
0x1b3: {  	_ =	swait.ge [sflag:s11], $0x800  }
0x1b4: {  	[sflag:s11] =	ssyncset.done $0x0  }
0x1b5: {  	s12 =	simm.s32 $0x8;
	[sflag:s11] =	ssyncadd.s32 $0xFFFFF800  }
0x1b6: {  	_ =	swait.ge [sflag:s12], $0x800  }
0x1b7: {  	[sflag:s12] =	ssyncset.done $0x0  }
0x1b8: {  	[sflag:s12] =	ssyncadd.s32 $0xFFFFF800  }
0x1b9: {  	s0 =	simm.s32 $0xC200;
	s14 =	simm.s32 $0x9;
	[bflag:$0x0] =	sbarrier.arrive $0xFFFF  }
0x1ba: {  	[spmem:s8] =	stream.linear.scatter [tilespmem:s0], [sflag:$0x9], $0x2780, $0x38;
	[tilespmem:$0x16000] =	vst v63  }
0x1bb: {  	_ =	swait.ge [sflag:s14], $0x2780  }
0x1bc: {  	[sflag:s14] =	ssyncset.done $0x0  }
0x1bd: {  	s15 =	simm.s32 $0x0;
	[sflag:s14] =	ssyncadd.s32 $0xFFFFD880  }
0x1be: {  	s13 =	simm.s32 $0xA200;
	s8 =	simm.s32 $0x80;
	[bflag:$0x0] =	sbarrier.arrive $0xFFFF  }
0x1bf: {  	[tilespmem:s13], [sflag:$0x1] =	stream.indirect.gather [spmem:s3], $0x10, s15, s8, $0xb8;
	[tilespmem:$0x16000] =	vst v63  }
0x1c0: {  	s14 =	simm.s32 $0xAA00  }
0x1c1: {  	[tilespmem:s14], [sflag:$0x2] =	stream.indirect.gather [spmem:s3], $0x10, s8, s8, $0xb8;
	[tilespmem:$0x16000] =	vst v63  }
0x1c2: {  	_ =	swait.ge [sflag:s9], $0x800  }
0x1c3: {  	[sflag:s9] =	ssyncset.done $0x0  }
0x1c4: {  	s16 =	simm.s32 $0x100;
	s15 =	simm.s32 $0xB200;
	[sflag:s9] =	ssyncadd.s32 $0xFFFFF800  }
0x1c5: {  	[tilespmem:s15], [sflag:$0x3] =	stream.indirect.gather [spmem:s3], $0x10, s16, s8, $0xb8;
	[tilespmem:$0x16000] =	vst v63  }
0x1c6: {  	s17 =	simm.s32 $0x5100  }
0x1c7: {  	[spmem:s2] =	stream.indirect.scatter.add.f32 [tilespmem:s13], [sflag:$0x5], $0x10, s17, s8, $0xb8;
	[tilespmem:$0x16000] =	vst v63  }
0x1c8: {  	_ =	swait.ge [sflag:s10], $0x800  }
0x1c9: {  	[sflag:s10] =	ssyncset.done $0x0  }
0x1ca: {  	s18 =	simm.s32 $0x180;
	s16 =	simm.s32 $0xBA00;
	[sflag:s10] =	ssyncadd.s32 $0xFFFFF800  }
0x1cb: {  	[tilespmem:s16], [sflag:$0x4] =	stream.indirect.gather [spmem:s3], $0x10, s18, s8, $0xb8;
	[tilespmem:$0x16000] =	vst v63  }
0x1cc: {  	s19 =	simm.s32 $0x5180;
	s17 =	simm.s32 $0x3  }
0x1cd: {  	[spmem:s2] =	stream.indirect.scatter.add.f32 [tilespmem:s14], [sflag:$0x6], $0x10, s19, s8, $0xb8;
	[tilespmem:$0x16000] =	vst v63  }
0x1ce: {  	_ =	swait.ge [sflag:s17], $0x800  }
0x1cf: {  	[sflag:s17] =	ssyncset.done $0x0  }
0x1d0: {  	s18 =	simm.s32 $0x5;
	[sflag:s17] =	ssyncadd.s32 $0xFFFFF800  }
0x1d1: {  	_ =	swait.ge [sflag:s18], $0x800  }
0x1d2: {  	[sflag:s18] =	ssyncset.done $0x0  }
0x1d3: {  	s20 =	simm.s32 $0x200;
	[sflag:s18] =	ssyncadd.s32 $0xFFFFF800  }
0x1d4: {  	[tilespmem:s13], [sflag:$0x1] =	stream.indirect.gather [spmem:s3], $0x10, s20, s8, $0xb8;
	[tilespmem:$0x16000] =	vst v63  }
0x1d5: {  	s21 =	simm.s32 $0x5200;
	s19 =	simm.s32 $0x4  }
0x1d6: {  	[spmem:s2] =	stream.indirect.scatter.add.f32 [tilespmem:s15], [sflag:$0x7], $0x10, s21, s8, $0xb8;
	[tilespmem:$0x16000] =	vst v63  }
0x1d7: {  	_ =	swait.ge [sflag:s19], $0x800  }
0x1d8: {  	[sflag:s19] =	ssyncset.done $0x0  }
0x1d9: {  	s20 =	simm.s32 $0x6;
	[sflag:s19] =	ssyncadd.s32 $0xFFFFF800  }
0x1da: {  	_ =	swait.ge [sflag:s20], $0x800  }
0x1db: {  	[sflag:s20] =	ssyncset.done $0x0  }
0x1dc: {  	s22 =	simm.s32 $0x280;
	[sflag:s20] =	ssyncadd.s32 $0xFFFFF800  }
0x1dd: {  	[tilespmem:s14], [sflag:$0x2] =	stream.indirect.gather [spmem:s3], $0x10, s22, s8, $0xb8;
	[tilespmem:$0x16000] =	vst v63  }
0x1de: {  	s23 =	simm.s32 $0x5280  }
0x1df: {  	[spmem:s2] =	stream.indirect.scatter.add.f32 [tilespmem:s16], [sflag:$0x8], $0x10, s23, s8, $0xb8;
	[tilespmem:$0x16000] =	vst v63  }
0x1e0: {  	_ =	swait.ge [sflag:s9], $0x800  }
0x1e1: {  	[sflag:s9] =	ssyncset.done $0x0  }
0x1e2: {  	[sflag:s9] =	ssyncadd.s32 $0xFFFFF800  }
0x1e3: {  	_ =	swait.ge [sflag:s11], $0x800  }
0x1e4: {  	[sflag:s11] =	ssyncset.done $0x0  }
0x1e5: {  	s24 =	simm.s32 $0x300;
	[sflag:s11] =	ssyncadd.s32 $0xFFFFF800  }
0x1e6: {  	[tilespmem:s15], [sflag:$0x3] =	stream.indirect.gather [spmem:s3], $0x10, s24, s8, $0xb8;
	[tilespmem:$0x16000] =	vst v63  }
0x1e7: {  	s25 =	simm.s32 $0x5300  }
0x1e8: {  	[spmem:s2] =	stream.indirect.scatter.add.f32 [tilespmem:s13], [sflag:$0x5], $0x10, s25, s8, $0xb8;
	[tilespmem:$0x16000] =	vst v63  }
0x1e9: {  	_ =	swait.ge [sflag:s10], $0x800  }
0x1ea: {  	[sflag:s10] =	ssyncset.done $0x0  }
0x1eb: {  	[sflag:s10] =	ssyncadd.s32 $0xFFFFF800  }
0x1ec: {  	_ =	swait.ge [sflag:s12], $0x800  }
0x1ed: {  	[sflag:s12] =	ssyncset.done $0x0  }
0x1ee: {  	s26 =	simm.s32 $0x380;
	[sflag:s12] =	ssyncadd.s32 $0xFFFFF800  }
0x1ef: {  	[tilespmem:s16], [sflag:$0x4] =	stream.indirect.gather [spmem:s3], $0x10, s26, s8, $0xb8;
	[tilespmem:$0x16000] =	vst v63  }
0x1f0: {  	s28 =	simm.s32 $0x5380  }
0x1f1: {  	[spmem:s2] =	stream.indirect.scatter.add.f32 [tilespmem:s14], [sflag:$0x6], $0x10, s28, s8, $0xb8;
	[tilespmem:$0x16000] =	vst v63  }
0x1f2: {  	_ =	swait.ge [sflag:s17], $0x800  }
0x1f3: {  	[sflag:s17] =	ssyncset.done $0x0  }
0x1f4: {  	[sflag:s17] =	ssyncadd.s32 $0xFFFFF800  }
0x1f5: {  	_ =	swait.ge [sflag:s18], $0x800  }
0x1f6: {  	[sflag:s18] =	ssyncset.done $0x0  }
0x1f7: {  	s29 =	simm.s32 $0x400;
	[sflag:s18] =	ssyncadd.s32 $0xFFFFF800  }
0x1f8: {  	[tilespmem:s13], [sflag:$0x1] =	stream.indirect.gather [spmem:s3], $0x10, s29, s8, $0xb8;
	[tilespmem:$0x16000] =	vst v63  }
0x1f9: {  	s30 =	simm.s32 $0x5400  }
0x1fa: {  	[spmem:s2] =	stream.indirect.scatter.add.f32 [tilespmem:s15], [sflag:$0x7], $0x10, s30, s8, $0xb8;
	[tilespmem:$0x16000] =	vst v63  }
0x1fb: {  	_ =	swait.ge [sflag:s19], $0x800  }
0x1fc: {  	[sflag:s19] =	ssyncset.done $0x0  }
0x1fd: {  	[sflag:s19] =	ssyncadd.s32 $0xFFFFF800  }
0x1fe: {  	_ =	swait.ge [sflag:s20], $0x800  }
0x1ff: {  	s31 =	simm.s32 $0x480;
	[sflag:s20] =	ssyncset.done $0x0  }
0x200: {  	s21 =	simm.s32 $0x800;
	s22 =	simm.s32 $0x5480;
	[sflag:s20] =	ssyncadd.s32 $0xFFFFF800  }
0x201: {  	[tilespmem:s14], [sflag:$0x2] =	stream.indirect.gather [spmem:s3], $0x10, s31, s8, $0xb8;
	[tilespmem:$0x16000] =	vst v63  }
.LBB2_10:
0x202: {  	[spmem:s2] =	stream.indirect.scatter.add.f32 [tilespmem:s16], [sflag:$0x8], $0x10, s22, s8, $0xb8;
	[tilespmem:$0x16000] =	vst v63  }
0x203: {  	s0 =	smov.u32 s21  }
0x204: {  	p1 =	sne.s32 s21, $0x13000;
	s21 =	sadd.s32 $0x800, s21;
	_ =	swait.ge [sflag:s9], $0x800  }
0x205: {  	[sflag:s9] =	ssyncset.done $0x0  }
0x206: {  	[sflag:s9] =	ssyncadd.s32 $0xFFFFF800  }
0x207: {  	_ =	swait.ge [sflag:s11], $0x800  }
0x208: {  	s22 =	sshra.s32 s0, $0x2;
	[sflag:s11] =	ssyncset.done $0x0  }
0x209: {  	s0 =	sadd.s32 $0x300, s22;
	[sflag:s11] =	ssyncadd.s32 $0xFFFFF800  }
0x20a: {  	[tilespmem:s15], [sflag:$0x3] =	stream.indirect.gather [spmem:s3], $0x10, s0, s8, $0xb8;
	[tilespmem:$0x16000] =	vst v63  }
0x20b: {  	s0 =	sadd.s32 $0x5300, s22  }
0x20c: {  	[spmem:s2] =	stream.indirect.scatter.add.f32 [tilespmem:s13], [sflag:$0x5], $0x10, s0, s8, $0xb8;
	[tilespmem:$0x16000] =	vst v63  }
0x20d: {  	_ =	swait.ge [sflag:s10], $0x800  }
0x20e: {  	[sflag:s10] =	ssyncset.done $0x0  }
0x20f: {  	[sflag:s10] =	ssyncadd.s32 $0xFFFFF800  }
0x210: {  	_ =	swait.ge [sflag:s12], $0x800  }
0x211: {  	[sflag:s12] =	ssyncset.done $0x0  }
0x212: {  	s0 =	sadd.s32 $0x380, s22;
	[sflag:s12] =	ssyncadd.s32 $0xFFFFF800  }
0x213: {  	[tilespmem:s16], [sflag:$0x4] =	stream.indirect.gather [spmem:s3], $0x10, s0, s8, $0xb8;
	[tilespmem:$0x16000] =	vst v63  }
0x214: {  	s0 =	sadd.s32 $0x5380, s22  }
0x215: {  	[spmem:s2] =	stream.indirect.scatter.add.f32 [tilespmem:s14], [sflag:$0x6], $0x10, s0, s8, $0xb8;
	[tilespmem:$0x16000] =	vst v63  }
0x216: {  	_ =	swait.ge [sflag:s17], $0x800  }
0x217: {  	[sflag:s17] =	ssyncset.done $0x0  }
0x218: {  	[sflag:s17] =	ssyncadd.s32 $0xFFFFF800  }
0x219: {  	_ =	swait.ge [sflag:s18], $0x800  }
0x21a: {  	[sflag:s18] =	ssyncset.done $0x0  }
0x21b: {  	s0 =	sadd.s32 $0x400, s22;
	[sflag:s18] =	ssyncadd.s32 $0xFFFFF800  }
0x21c: {  	[tilespmem:s13], [sflag:$0x1] =	stream.indirect.gather [spmem:s3], $0x10, s0, s8, $0xb8;
	[tilespmem:$0x16000] =	vst v63  }
0x21d: {  	s0 =	sadd.s32 $0x5400, s22  }
0x21e: {  	[spmem:s2] =	stream.indirect.scatter.add.f32 [tilespmem:s15], [sflag:$0x7], $0x10, s0, s8, $0xb8;
	[tilespmem:$0x16000] =	vst v63  }
0x21f: {  	_ =	swait.ge [sflag:s19], $0x800  }
0x220: {  	[sflag:s19] =	ssyncset.done $0x0  }
0x221: {  	[sflag:s19] =	ssyncadd.s32 $0xFFFFF800  }
.Ltmp5:
0x222: {  	_ =	swait.ge [sflag:s20], $0x800;
	(pc) =	sbr.rel @p1 .LBB2_10-.Ltmp5, $4  }
0x223: {  	[sflag:s20] =	ssyncset.done $0x0  }
0x224: {  	s0 =	sadd.s32 $0x480, s22;
	[sflag:s20] =	ssyncadd.s32 $0xFFFFF800  }
0x225: {  	[tilespmem:s14], [sflag:$0x2] =	stream.indirect.gather [spmem:s3], $0x10, s0, s8, $0xb8;
	[tilespmem:$0x16000] =	vst v63  }
0x226: {  	s22 =	sadd.s32 $0x5480, s22  }
0x227: {  	[spmem:s2] =	stream.indirect.scatter.add.f32 [tilespmem:s16], [sflag:$0x8], $0x10, s22, s8, $0xb8;
	[tilespmem:$0x16000] =	vst v63  }
0x228: {  	s0 =	simm.s32 $0x1  }
0x229: {  	_ =	swait.ge [sflag:s0], $0x800  }
0x22a: {  	[sflag:s0] =	ssyncset.done $0x0  }
0x22b: {  	s26 =	simm.s32 $0x2;
	[sflag:s0] =	ssyncadd.s32 $0xFFFFF800  }
0x22c: {  	_ =	swait.ge [sflag:s26], $0x800  }
0x22d: {  	[sflag:s26] =	ssyncset.done $0x0  }
0x22e: {  	s28 =	simm.s32 $0x7;
	[sflag:s26] =	ssyncadd.s32 $0xFFFFF800  }
0x22f: {  	_ =	swait.ge [sflag:s28], $0x800  }
0x230: {  	[sflag:s28] =	ssyncset.done $0x0  }
0x231: {  	s29 =	simm.s32 $0x8;
	[sflag:s28] =	ssyncadd.s32 $0xFFFFF800  }
0x232: {  	_ =	swait.ge [sflag:s29], $0x800  }
0x233: {  	[sflag:s29] =	ssyncset.done $0x0  }
0x234: {  	[sflag:s29] =	ssyncadd.s32 $0xFFFFF800  }
0x235: {  	s30 =	simm.s32 $0xE980;
	s31 =	simm.s32 $0x9;
	[bflag:$0x0] =	sbarrier.arrive $0xFFFF  }
0x236: {  	[tilespmem:s30], [sflag:$0x9] =	stream.linear.gather [spmem:s6], $0x2700, $0x38;
	[tilespmem:$0x16000] =	vst v63  }
0x237: {  	_ =	swait.ge [sflag:s31], $0x2700  }
0x238: {  	[sflag:s31] =	ssyncset.done $0x0  }
0x239: {  	s3 =	simm.s32 $0x0;
	[sflag:s31] =	ssyncadd.s32 $0xFFFFD900  }
0x23a: {  	[hbm4b:s7+s3] =	stream.linear.scatter [tilespmem:s30], [sflag:$0x9], $0x2700, $0x38;
	[tilespmem:$0x16000] =	vst v63  }
0x23b: {  	_ =	swait.ge [sflag:s31], $0x2700  }
0x23c: {  	[sflag:s31] =	ssyncset.done $0x0  }
0x23d: {  	s2 =	simm.s32 @!p0 $0x9;
	s0 =	simm.s32 @!p0 $0xE980;
	[sflag:s31] =	ssyncadd.s32 $0xFFFFD900  }
0x23e: {  	[tilespmem:s0], [sflag:$0x9] =	stream.linear.gather @!p0 [spmem:s5], $0x100, $0x38;
	[tilespmem:$0x16000] =	vst v63  }
0x23f: {  	_ =	swait.ge @!p0 [sflag:s2], $0x100  }
0x240: {  	[sflag:s2] =	ssyncset.done @!p0 $0x0  }
0x241: {  	s3 =	simm.s32 @!p0 $0x0;
	[sflag:s2] =	ssyncadd.s32 @!p0 $0xFFFFFF00  }
0x242: {  	[hbm4b:s4+s3] =	stream.linear.scatter @!p0 [tilespmem:s0], [sflag:$0x9], $0x100, $0x38;
	[tilespmem:$0x16000] =	vst v63  }
0x243: {  	_ =	swait.ge @!p0 [sflag:s2], $0x100  }
0x244: {  	[sflag:s2] =	ssyncset.done @!p0 $0x0  }
0x245: {  	[sflag:s2] =	ssyncadd.s32 @!p0 $0xFFFFFF00  }
0x246: {  	s0 =	rddreg [dreg:$0x4]  }
.LBB2_12:
0x247: {  	_ =	sfence.sel $0x180000  }
0x248: {  	[bflag:$0x0] =	sbarrier.arrive $0xFFFF  }
0x249: {  	p0 =	sne.s32 s1, $0x0;
	_ =	strace $0x90000047  }
0x24a: {  	s0 =	sadd.s32 @!p0 $0x100000, s0;
	[bflag:$0x2] =	sbarrier.arrive $0xFFFF  }
0x24b: {  	[sflag:s0] =	ssyncadd.tile.s32 @!p0 $0x1;
	_ =	shalt  }
.Lfunc_end2:
_tile_overlayer_lowered:
.L_overlay_start_2:
0x24c: {  	(tag) =	ssettag $0x2  }
0x24d: {  	s0 =	rddreg [dreg:$0x0];
	s2 =	stileid.u32  }
0x24e: {  	s1 =	rddreg [dreg:$0x1];
	p0 =	sne.s32 s2, $0x0  }
0x24f: {  	s3 =	rddreg [dreg:$0x2];
	[bflag:$0x3] =	sbarrier.arrive $0xFFFF;
	s2 =	simm.s32 @!p0 $0x1C09  }
0x250: {  	[timem:s3], [sflag:s2] =	dma.local @!p0 [hbm:s0], s1  }
0x251: {  	s0 =	simm.s32 @!p0 $0x9  }
0x252: {  	_ =	swait.ge @!p0 [sflag:s0], s1  }
0x253: {  	s1 =	ssub.s32 @!p0 $0x0, s1;
	[sflag:s0] =	ssyncset.done @!p0 $0x0  }
0x254: {  	[sflag:s0] =	ssyncadd.s32 @!p0 s1  }
0x255: {  	[bflag:$0x3] =	sbarrier.arrive $0xFFFF  }
0x256: {  	_ =	shalt  }

</sc_bundles>
